<compile_context>
chip_gen: v7x
topology: tpu7x:2x2x1
jax: 0.10.2.dev20260603
libtpu: 0.0.44.dev20260713+nightly
codegen_flags: <defaults>
</compile_context>

<pallas_src>
import functools

import jax
import jax.numpy as jnp
from jax import lax
from jax.experimental import pallas as pl
from jax.experimental.pallas import tpu as pltpu
from jax.experimental.pallas import tpu_sc as plsc

_NC = 2
_NS = 16
_NW = _NC * _NS
_L = 16

_C = 640
_G = 128
_K = _C // _G
_B = 16000
_CPB = _B // _C
_RB = 2000

_ACOS_COEF = (1.5707288, -0.2121144, 0.0742610, -0.0187293)
_PI = 3.14159265358979


def _acos(c):
    t = jnp.abs(c)
    u = (1.0 - t).astype(jnp.float32)
    i = lax.bitcast_convert_type(u, jnp.int32)
    i = jnp.int32(0x5F3759DF) - (i >> 1)
    y = lax.bitcast_convert_type(i, jnp.float32)
    for _ in range(2):
        y = y * (1.5 - 0.5 * u * y * y)
    s = u * y
    p = jnp.float32(_ACOS_COEF[3])
    for a in _ACOS_COEF[2::-1]:
        p = p * t + jnp.float32(a)
    r = s * p
    return jnp.where(c < 0, jnp.float32(_PI) - r, r)


def kernel(distances, vec, angle_src, angle_dst):
    A = angle_src.shape[0]
    E = distances.shape[0]
    per_w = A // _NW
    n_blocks = per_w // _B
    rows_per_sub = E // _NS
    n_build = rows_per_sub // _RB
    mesh = plsc.VectorSubcoreMesh(core_axis_name="c", subcore_axis_name="s")

    row_types = [
        pltpu.VMEM((_C, 8), jnp.float32),
        pltpu.VMEM((_C, 8), jnp.float32),
        pltpu.SemaphoreType.DMA,
        pltpu.SemaphoreType.DMA,
    ]

    @functools.partial(
        pl.kernel,
        out_type=(jax.ShapeDtypeStruct((A,), jnp.float32),
                  jax.ShapeDtypeStruct((_NC, E, 8), jnp.float32)),
        mesh=mesh,
        scratch_types=[
            pltpu.VMEM((_B,), jnp.int32),
            pltpu.VMEM((_B,), jnp.int32),
            pltpu.VMEM((_B,), jnp.float32),
            pltpu.VMEM((_RB * 3,), jnp.float32),
            pltpu.VMEM((_RB,), jnp.float32),
            pltpu.VMEM((_RB, 8), jnp.float32),
        ] + row_types + row_types,
        compiler_params=pltpu.CompilerParams(
            needs_layout_passes=False, use_tc_tiling_on_sc=False),
    )
    def angle_kernel(dist_h, vec_h, src_h, dst_h, out_h, tab2_h,
                     si, di, ob, bv, bd, bt,
                     r1_a, r2_a, sem1_a, sem2_a,
                     r1_b, r2_b, sem1_b, sem2_b):
        core = lax.axis_index("c")
        sub = lax.axis_index("s")
        wid = sub * _NC + core
        base = wid * per_w
        bufs = ((r1_a, r2_a, sem1_a, sem2_a),
                (r1_b, r2_b, sem1_b, sem2_b))

        def build_batch(b, carry):
            roff = sub * rows_per_sub + b * _RB
            pltpu.sync_copy(vec_h.at[pl.ds(roff * 3, _RB * 3)], bv)
            pltpu.sync_copy(dist_h.at[pl.ds(roff, _RB)], bd)

            @plsc.parallel_loop(0, _RB // _L, unroll=4)
            def pack(j):
                lane = lax.broadcasted_iota(jnp.int32, (_L,), 0)
                rp0 = (lane + 0) // 3
                cp0 = (lane + 0) % 3
                rp1 = (lane + 16) // 3
                cp1 = (lane + 16) % 3
                rp2 = (lane + 32) // 3
                cp2 = (lane + 32) % 3
                c3 = jnp.full((_L,), 3, jnp.int32)
                r16 = j * _L
                v0 = bv[pl.ds(j * 48, _L)]
                v1 = bv[pl.ds(j * 48 + 16, _L)]
                v2 = bv[pl.ds(j * 48 + 32, _L)]
                d = bd[pl.ds(r16, _L)]
                plsc.store_scatter(bt, [rp0 + r16, cp0], v0)
                plsc.store_scatter(bt, [rp1 + r16, cp1], v1)
                plsc.store_scatter(bt, [rp2 + r16, cp2], v2)
                plsc.store_scatter(bt, [lane + r16, c3], d)

            pltpu.sync_copy(bt, tab2_h.at[core, pl.ds(roff, _RB)])
            return carry

        lax.fori_loop(0, n_build, build_batch, 0)
        plsc.subcore_barrier()
        tab_h = tab2_h.at[core]

        def stage(ci, buf):
            r1, r2, sem1, sem2 = buf

            def fire(g, carry):
                isl = pl.ds(ci * _C + g * _G, _G)
                sl = pl.ds(g * _G, _G)
                pltpu.async_copy(tab_h.at[si.at[isl]], r1.at[sl], sem1)
                pltpu.async_copy(tab_h.at[di.at[isl]], r2.at[sl], sem2)
                return carry

            lax.fori_loop(0, _K, fire, 0)

        def finish(ci, buf):
            r1, r2, sem1, sem2 = buf

            def drain(g, carry):
                isl = pl.ds(ci * _C + g * _G, _G)
                sl = pl.ds(g * _G, _G)
                pltpu.make_async_copy(
                    tab_h.at[si.at[isl]], r1.at[sl], sem1).wait()
                pltpu.make_async_copy(
                    tab_h.at[di.at[isl]], r2.at[sl], sem2).wait()
                return carry

            lax.fori_loop(0, _K, drain, 0)

            @plsc.parallel_loop(0, _C // _L, unroll=8)
            def comp(j):
                rid = lax.broadcasted_iota(jnp.int32, (_L,), 0) + j * _L

                def ld(ref, c):
                    return plsc.load_gather(
                        ref, [rid, jnp.full((_L,), c, jnp.int32)])

                x1 = ld(r1, 0)
                y1 = ld(r1, 1)
                z1 = ld(r1, 2)
                d1 = ld(r1, 3)
                x2 = ld(r2, 0)
                y2 = ld(r2, 1)
                z2 = ld(r2, 2)
                d2 = ld(r2, 3)
                num = x1 * x2 + y1 * y2 + z1 * z2
                den = jnp.maximum(d1 * d2, jnp.float32(1e-10))
                ri = jnp.int32(0x7EF311C3) - lax.bitcast_convert_type(
                    den, jnp.int32)
                inv = lax.bitcast_convert_type(ri, jnp.float32)
                for _ in range(2):
                    inv = inv * (2.0 - den * inv)
                cosang = jnp.float32(0.95) * num * inv
                ob[pl.ds(ci * _C + j * _L, _L)] = _acos(cosang)

        def block_body(bi, carry):
            boff = base + bi * _B
            pltpu.sync_copy(src_h.at[pl.ds(boff, _B)], si)
            pltpu.sync_copy(dst_h.at[pl.ds(boff, _B)], di)

            stage(0, bufs[0])

            def ring(i, c2):
                ci0 = i * 2
                stage(ci0 + 1, bufs[1])
                finish(ci0, bufs[0])
                stage(ci0 + 2, bufs[0])
                finish(ci0 + 1, bufs[1])
                return c2

            lax.fori_loop(0, (_CPB - 1) // 2, ring, 0)
            finish(_CPB - 1, bufs[0])

            pltpu.sync_copy(ob, out_h.at[pl.ds(boff, _B)])
            return carry

        lax.fori_loop(0, n_blocks, block_body, 0)

    return angle_kernel(distances, vec.reshape(-1), angle_src, angle_dst)[0]

# --- scband reference (transcript-rebuilt; emitter-appended) ---
"""Pipeline reference for scband-graph-angle-processor-21225728377455 (READ-ONLY COPY).

The authoritative reference and input builder live on the scoring server;
editing this copy changes nothing except your own understanding.
"""

import jax, jax.numpy as jnp
import numpy as np

E = 160000
A = 2560000

def setup_inputs(seed: int = 0) -> dict:
    key = jax.random.key(seed)
    k1, k2, k3 = jax.random.split(key, 3)
    # Cartesian displacement vectors for each edge; distances are their norms
    # (physically consistent so that cos_angles stays in [-1, 1]).
    vec = jax.random.normal(k1, (E, 3), dtype=jnp.float32) * 2.0
    distances = jnp.linalg.norm(vec, axis=-1).astype(jnp.float32)
    angle_src = jax.random.randint(k2, (A,), 0, E, dtype=jnp.int32)
    angle_dst = jax.random.randint(k3, (A,), 0, E, dtype=jnp.int32)
    return {
        'distances': distances,
        'vec': vec,
        'angle_src': angle_src,
        'angle_dst': angle_dst,
    }

def reference(distances, vec, angle_src, angle_dst):
    # Faithful translation of GraphAngleProcessor.__call__ on graph tensors.
    d1 = distances.at[angle_src].get(mode='fill', fill_value=1.0)
    d2 = distances.at[angle_dst].get(mode='fill', fill_value=1.0)
    vec1 = vec.at[angle_src].get(mode='fill', fill_value=1.0)
    vec2 = vec.at[angle_dst].get(mode='fill', fill_value=0.0)
    cos_angles = (vec1 * vec2).sum(axis=-1) / jnp.maximum(d1 * d2, 1e-10)
    angles = jnp.arccos(0.95 * cos_angles)
    return angles

if __name__ == "__main__":
    import jax
    _d = setup_inputs()
    print(jax.jit(kernel)(*tuple(_d.values())))

</pallas_src>

<mosaic_0001>
#map = affine_map<(d0, d1) -> (0)>
#map1 = affine_map<(d0, d1) -> (0, 0, 0)>
module attributes {stable_mosaic.version = 14 : i64} {
  func.func @angle_kernel(%arg0: i32, %arg1: i32, %arg2: memref<160000xf32, #tpu.memory_space<hbm>>, %arg3: memref<480000xf32, #tpu.memory_space<hbm>>, %arg4: memref<2560000xi32, #tpu.memory_space<hbm>>, %arg5: memref<2560000xi32, #tpu.memory_space<hbm>>, %arg6: memref<2560000xf32, #tpu.memory_space<hbm>>, %arg7: memref<2x160000x8xf32, #tpu.memory_space<hbm>>, %arg8: memref<16000xi32, #tpu.memory_space<vmem>>, %arg9: memref<16000xi32, #tpu.memory_space<vmem>>, %arg10: memref<16000xf32, #tpu.memory_space<vmem>>, %arg11: memref<6000xf32, #tpu.memory_space<vmem>>, %arg12: memref<2000xf32, #tpu.memory_space<vmem>>, %arg13: memref<2000x8xf32, #tpu.memory_space<vmem>>, %arg14: memref<640x8xf32, #tpu.memory_space<vmem>>, %arg15: memref<640x8xf32, #tpu.memory_space<vmem>>, %arg16: memref<!tpu.dma_semaphore, #tpu.memory_space<semaphore_mem>>, %arg17: memref<!tpu.dma_semaphore, #tpu.memory_space<semaphore_mem>>, %arg18: memref<640x8xf32, #tpu.memory_space<vmem>>, %arg19: memref<640x8xf32, #tpu.memory_space<vmem>>, %arg20: memref<!tpu.dma_semaphore, #tpu.memory_space<semaphore_mem>>, %arg21: memref<!tpu.dma_semaphore, #tpu.memory_space<semaphore_mem>>) attributes {dimension_semantics = [#tpu.dimension_semantics<core_parallel>, #tpu.dimension_semantics<subcore_parallel>], iteration_bounds = array<i64: 2, 16>, scalar_prefetch = 0 : i64, scratch_operands = 14 : i64, tpu.core_type = #tpu.core_type<sc_vector_subcore>, window_params = [{transform_indices = #map}, {transform_indices = #map}, {transform_indices = #map}, {transform_indices = #map}, {transform_indices = #map}, {transform_indices = #map1}]} {
    %mul3A = arith.constant 2 : i32
    %mul3A_0 = arith.muli %arg1, %mul3A : i32
    %add3A = arith.addi %mul3A_0, %arg0 : i32
    %mul3A_1 = arith.constant 80000 : i32
    %mul3A_2 = arith.muli %add3A, %mul3A_1 : i32
    %scan3A = arith.constant 0 : i32
    %scan3A_3 = arith.constant 0 : i32
    %scan3A_4 = arith.constant 5 : i32
    %scan3A_5 = arith.addi %scan3A_3, %scan3A_4 : i32
    %scan3A_6 = arith.constant 1 : i32
    scf.for %scan3A_14 = %scan3A_3 to %scan3A_5 step %scan3A_6  : i32 {
      %mul3A_15 = arith.constant 10000 : i32
      %mul3A_16 = arith.muli %arg1, %mul3A_15 : i32
      %mul3A_17 = arith.constant 2000 : i32
      %mul3A_18 = arith.muli %scan3A_14, %mul3A_17 : i32
      %add3A_19 = arith.addi %mul3A_16, %mul3A_18 : i32
      %mul3A_20 = arith.constant 3 : i32
      %mul3A_21 = arith.muli %add3A_19, %mul3A_20 : i32
      "tpu.region"() ({
        %run_scoped3A = tpu.sem_alloc : memref<!tpu.dma_semaphore, #tpu.memory_space<semaphore_mem>>
        %dma_start3A = tpu.memref_slice %arg3[%mul3A_21] : memref<480000xf32, #tpu.memory_space<hbm>> -> memref<6000xf32, #tpu.memory_space<hbm>>
        %dma_start3A_24 = tpu.memref_slice %arg3[%mul3A_21] : memref<480000xf32, #tpu.memory_space<hbm>> -> memref<6000xf32, #tpu.memory_space<hbm>>
        tpu.enqueue_dma source(%dma_start3A_24 : memref<6000xf32, #tpu.memory_space<hbm>>) target(%arg11 : memref<6000xf32, #tpu.memory_space<vmem>>) target_semaphore(%run_scoped3A : memref<!tpu.dma_semaphore, #tpu.memory_space<semaphore_mem>>)
        %dma_wait3A = tpu.memref_slice %arg3[%mul3A_21] : memref<480000xf32, #tpu.memory_space<hbm>> -> memref<6000xf32, #tpu.memory_space<hbm>>
        %dma_wait3A_25 = tpu.memref_slice %arg3[%mul3A_21] : memref<480000xf32, #tpu.memory_space<hbm>> -> memref<6000xf32, #tpu.memory_space<hbm>>
        tpu.wait_dma2 semaphore(%run_scoped3A : memref<!tpu.dma_semaphore, #tpu.memory_space<semaphore_mem>>) src(%dma_wait3A_25 : memref<6000xf32, #tpu.memory_space<hbm>>) dst(%arg11 : memref<6000xf32, #tpu.memory_space<vmem>>)
        tpu.yield
      }) : () -> ()
      "tpu.region"() ({
        %run_scoped3A = tpu.sem_alloc : memref<!tpu.dma_semaphore, #tpu.memory_space<semaphore_mem>>
        %dma_start3A = tpu.memref_slice %arg2[%add3A_19] : memref<160000xf32, #tpu.memory_space<hbm>> -> memref<2000xf32, #tpu.memory_space<hbm>>
        %dma_start3A_24 = tpu.memref_slice %arg2[%add3A_19] : memref<160000xf32, #tpu.memory_space<hbm>> -> memref<2000xf32, #tpu.memory_space<hbm>>
        tpu.enqueue_dma source(%dma_start3A_24 : memref<2000xf32, #tpu.memory_space<hbm>>) target(%arg12 : memref<2000xf32, #tpu.memory_space<vmem>>) target_semaphore(%run_scoped3A : memref<!tpu.dma_semaphore, #tpu.memory_space<semaphore_mem>>)
        %dma_wait3A = tpu.memref_slice %arg2[%add3A_19] : memref<160000xf32, #tpu.memory_space<hbm>> -> memref<2000xf32, #tpu.memory_space<hbm>>
        %dma_wait3A_25 = tpu.memref_slice %arg2[%add3A_19] : memref<160000xf32, #tpu.memory_space<hbm>> -> memref<2000xf32, #tpu.memory_space<hbm>>
        tpu.wait_dma2 semaphore(%run_scoped3A : memref<!tpu.dma_semaphore, #tpu.memory_space<semaphore_mem>>) src(%dma_wait3A_25 : memref<2000xf32, #tpu.memory_space<hbm>>) dst(%arg12 : memref<2000xf32, #tpu.memory_space<vmem>>)
        tpu.yield
      }) : () -> ()
      %parallel_loop3A = arith.constant 0 : i32
      %parallel_loop3A_22 = arith.constant 125 : i32
      %parallel_loop3A_23 = arith.constant 1 : i32
      scf.for %parallel_loop3A_24 = %parallel_loop3A to %parallel_loop3A_22 step %parallel_loop3A_23  : i32 {
        %parallel_loop3A_25 = tpu.iota {dimensions = array<i32: 0>} : vector<16xi32>
        %parallel_loop3A_26 = arith.constant 0 : i32
        %parallel_loop3A_27 = vector.broadcast %parallel_loop3A_26 : i32 to vector<16xi32>
        %parallel_loop3A_28 = arith.addi %parallel_loop3A_25, %parallel_loop3A_27 : vector<16xi32>
        %parallel_loop3A_29 = arith.constant 3 : i32
        %parallel_loop3A_30 = vector.broadcast %parallel_loop3A_29 : i32 to vector<16xi32>
        %parallel_loop3A_31 = arith.divsi %parallel_loop3A_28, %parallel_loop3A_30 : vector<16xi32>
        %parallel_loop3A_32 = arith.constant 0 : i32
        %parallel_loop3A_33 = vector.broadcast %parallel_loop3A_32 : i32 to vector<16xi32>
        %parallel_loop3A_34 = arith.cmpi sgt, %parallel_loop3A_28, %parallel_loop3A_33 : vector<16xi32>
        %parallel_loop3A_35 = arith.extui %parallel_loop3A_34 : vector<16xi1> to vector<16xi32>
        %parallel_loop3A_36 = arith.constant 0 : i32
        %parallel_loop3A_37 = vector.broadcast %parallel_loop3A_36 : i32 to vector<16xi32>
        %parallel_loop3A_38 = arith.cmpi slt, %parallel_loop3A_28, %parallel_loop3A_37 : vector<16xi32>
        %parallel_loop3A_39 = arith.extui %parallel_loop3A_38 : vector<16xi1> to vector<16xi32>
        %parallel_loop3A_40 = arith.subi %parallel_loop3A_35, %parallel_loop3A_39 : vector<16xi32>
        %parallel_loop3A_41 = arith.constant 0 : i32
        %parallel_loop3A_42 = arith.cmpi sgt, %parallel_loop3A_29, %parallel_loop3A_41 : i32
        %parallel_loop3A_43 = arith.extui %parallel_loop3A_42 : i1 to i32
        %parallel_loop3A_44 = arith.constant 0 : i32
        %parallel_loop3A_45 = arith.cmpi slt, %parallel_loop3A_29, %parallel_loop3A_44 : i32
        %parallel_loop3A_46 = arith.extui %parallel_loop3A_45 : i1 to i32
        %parallel_loop3A_47 = arith.subi %parallel_loop3A_43, %parallel_loop3A_46 : i32
        %parallel_loop3A_48 = vector.broadcast %parallel_loop3A_47 : i32 to vector<16xi32>
        %parallel_loop3A_49 = arith.cmpi ne, %parallel_loop3A_40, %parallel_loop3A_48 : vector<16xi32>
        %parallel_loop3A_50 = vector.broadcast %parallel_loop3A_29 : i32 to vector<16xi32>
        %parallel_loop3A_51 = arith.remsi %parallel_loop3A_28, %parallel_loop3A_50 : vector<16xi32>
        %parallel_loop3A_52 = arith.constant 0 : i32
        %parallel_loop3A_53 = vector.broadcast %parallel_loop3A_52 : i32 to vector<16xi32>
        %parallel_loop3A_54 = arith.cmpi ne, %parallel_loop3A_51, %parallel_loop3A_53 : vector<16xi32>
        %parallel_loop3A_55 = arith.andi %parallel_loop3A_49, %parallel_loop3A_54 : vector<16xi1>
        %parallel_loop3A_56 = arith.constant 1 : i32
        %parallel_loop3A_57 = vector.broadcast %parallel_loop3A_56 : i32 to vector<16xi32>
        %parallel_loop3A_58 = arith.subi %parallel_loop3A_31, %parallel_loop3A_57 : vector<16xi32>
        %parallel_loop3A_59 = arith.select %parallel_loop3A_55, %parallel_loop3A_58, %parallel_loop3A_31 : vector<16xi1>, vector<16xi32>
        %parallel_loop3A_60 = arith.constant 0 : i32
        %parallel_loop3A_61 = vector.broadcast %parallel_loop3A_60 : i32 to vector<16xi32>
        %parallel_loop3A_62 = arith.addi %parallel_loop3A_25, %parallel_loop3A_61 : vector<16xi32>
        %parallel_loop3A_63 = arith.constant 3 : i32
        %parallel_loop3A_64 = arith.constant 0 : i32
        %parallel_loop3A_65 = arith.cmpi eq, %parallel_loop3A_63, %parallel_loop3A_64 : i32
        %parallel_loop3A_66 = arith.constant 1 : i32
        %parallel_loop3A_67 = arith.select %parallel_loop3A_65, %parallel_loop3A_66, %parallel_loop3A_63 : i32
        %parallel_loop3A_68 = vector.broadcast %parallel_loop3A_67 : i32 to vector<16xi32>
        %parallel_loop3A_69 = arith.remsi %parallel_loop3A_62, %parallel_loop3A_68 : vector<16xi32>
        %parallel_loop3A_70 = arith.constant 0 : i32
        %parallel_loop3A_71 = vector.broadcast %parallel_loop3A_70 : i32 to vector<16xi32>
        %parallel_loop3A_72 = arith.cmpi ne, %parallel_loop3A_69, %parallel_loop3A_71 : vector<16xi32>
        %parallel_loop3A_73 = arith.constant 0 : i32
        %parallel_loop3A_74 = vector.broadcast %parallel_loop3A_73 : i32 to vector<16xi32>
        %parallel_loop3A_75 = arith.cmpi slt, %parallel_loop3A_69, %parallel_loop3A_74 : vector<16xi32>
        %parallel_loop3A_76 = arith.constant 0 : i32
        %parallel_loop3A_77 = arith.cmpi slt, %parallel_loop3A_67, %parallel_loop3A_76 : i32
        %parallel_loop3A_78 = vector.broadcast %parallel_loop3A_77 : i1 to vector<16xi1>
        %parallel_loop3A_79 = vector.broadcast %parallel_loop3A_78 : vector<16xi1> to vector<16xi1>
        %parallel_loop3A_80 = arith.xori %parallel_loop3A_75, %parallel_loop3A_79 : vector<16xi1>
        %parallel_loop3A_81 = arith.andi %parallel_loop3A_80, %parallel_loop3A_72 : vector<16xi1>
        %parallel_loop3A_82 = vector.broadcast %parallel_loop3A_67 : i32 to vector<16xi32>
        %parallel_loop3A_83 = arith.addi %parallel_loop3A_69, %parallel_loop3A_82 : vector<16xi32>
        %parallel_loop3A_84 = arith.select %parallel_loop3A_81, %parallel_loop3A_83, %parallel_loop3A_69 : vector<16xi1>, vector<16xi32>
        %parallel_loop3A_85 = arith.constant 16 : i32
        %parallel_loop3A_86 = vector.broadcast %parallel_loop3A_85 : i32 to vector<16xi32>
        %parallel_loop3A_87 = arith.addi %parallel_loop3A_25, %parallel_loop3A_86 : vector<16xi32>
        %parallel_loop3A_88 = arith.constant 3 : i32
        %parallel_loop3A_89 = vector.broadcast %parallel_loop3A_88 : i32 to vector<16xi32>
        %parallel_loop3A_90 = arith.divsi %parallel_loop3A_87, %parallel_loop3A_89 : vector<16xi32>
        %parallel_loop3A_91 = arith.constant 0 : i32
        %parallel_loop3A_92 = vector.broadcast %parallel_loop3A_91 : i32 to vector<16xi32>
        %parallel_loop3A_93 = arith.cmpi sgt, %parallel_loop3A_87, %parallel_loop3A_92 : vector<16xi32>
        %parallel_loop3A_94 = arith.extui %parallel_loop3A_93 : vector<16xi1> to vector<16xi32>
        %parallel_loop3A_95 = arith.constant 0 : i32
        %parallel_loop3A_96 = vector.broadcast %parallel_loop3A_95 : i32 to vector<16xi32>
        %parallel_loop3A_97 = arith.cmpi slt, %parallel_loop3A_87, %parallel_loop3A_96 : vector<16xi32>
        %parallel_loop3A_98 = arith.extui %parallel_loop3A_97 : vector<16xi1> to vector<16xi32>
        %parallel_loop3A_99 = arith.subi %parallel_loop3A_94, %parallel_loop3A_98 : vector<16xi32>
        %parallel_loop3A_100 = arith.constant 0 : i32
        %parallel_loop3A_101 = arith.cmpi sgt, %parallel_loop3A_88, %parallel_loop3A_100 : i32
        %parallel_loop3A_102 = arith.extui %parallel_loop3A_101 : i1 to i32
        %parallel_loop3A_103 = arith.constant 0 : i32
        %parallel_loop3A_104 = arith.cmpi slt, %parallel_loop3A_88, %parallel_loop3A_103 : i32
        %parallel_loop3A_105 = arith.extui %parallel_loop3A_104 : i1 to i32
        %parallel_loop3A_106 = arith.subi %parallel_loop3A_102, %parallel_loop3A_105 : i32
        %parallel_loop3A_107 = vector.broadcast %parallel_loop3A_106 : i32 to vector<16xi32>
        %parallel_loop3A_108 = arith.cmpi ne, %parallel_loop3A_99, %parallel_loop3A_107 : vector<16xi32>
        %parallel_loop3A_109 = vector.broadcast %parallel_loop3A_88 : i32 to vector<16xi32>
        %parallel_loop3A_110 = arith.remsi %parallel_loop3A_87, %parallel_loop3A_109 : vector<16xi32>
        %parallel_loop3A_111 = arith.constant 0 : i32
        %parallel_loop3A_112 = vector.broadcast %parallel_loop3A_111 : i32 to vector<16xi32>
        %parallel_loop3A_113 = arith.cmpi ne, %parallel_loop3A_110, %parallel_loop3A_112 : vector<16xi32>
        %parallel_loop3A_114 = arith.andi %parallel_loop3A_108, %parallel_loop3A_113 : vector<16xi1>
        %parallel_loop3A_115 = arith.constant 1 : i32
        %parallel_loop3A_116 = vector.broadcast %parallel_loop3A_115 : i32 to vector<16xi32>
        %parallel_loop3A_117 = arith.subi %parallel_loop3A_90, %parallel_loop3A_116 : vector<16xi32>
        %parallel_loop3A_118 = arith.select %parallel_loop3A_114, %parallel_loop3A_117, %parallel_loop3A_90 : vector<16xi1>, vector<16xi32>
        %parallel_loop3A_119 = arith.constant 16 : i32
        %parallel_loop3A_120 = vector.broadcast %parallel_loop3A_119 : i32 to vector<16xi32>
        %parallel_loop3A_121 = arith.addi %parallel_loop3A_25, %parallel_loop3A_120 : vector<16xi32>
        %parallel_loop3A_122 = arith.constant 3 : i32
        %parallel_loop3A_123 = arith.constant 0 : i32
        %parallel_loop3A_124 = arith.cmpi eq, %parallel_loop3A_122, %parallel_loop3A_123 : i32
        %parallel_loop3A_125 = arith.constant 1 : i32
        %parallel_loop3A_126 = arith.select %parallel_loop3A_124, %parallel_loop3A_125, %parallel_loop3A_122 : i32
        %parallel_loop3A_127 = vector.broadcast %parallel_loop3A_126 : i32 to vector<16xi32>
        %parallel_loop3A_128 = arith.remsi %parallel_loop3A_121, %parallel_loop3A_127 : vector<16xi32>
        %parallel_loop3A_129 = arith.constant 0 : i32
        %parallel_loop3A_130 = vector.broadcast %parallel_loop3A_129 : i32 to vector<16xi32>
        %parallel_loop3A_131 = arith.cmpi ne, %parallel_loop3A_128, %parallel_loop3A_130 : vector<16xi32>
        %parallel_loop3A_132 = arith.constant 0 : i32
        %parallel_loop3A_133 = vector.broadcast %parallel_loop3A_132 : i32 to vector<16xi32>
        %parallel_loop3A_134 = arith.cmpi slt, %parallel_loop3A_128, %parallel_loop3A_133 : vector<16xi32>
        %parallel_loop3A_135 = arith.constant 0 : i32
        %parallel_loop3A_136 = arith.cmpi slt, %parallel_loop3A_126, %parallel_loop3A_135 : i32
        %parallel_loop3A_137 = vector.broadcast %parallel_loop3A_136 : i1 to vector<16xi1>
        %parallel_loop3A_138 = vector.broadcast %parallel_loop3A_137 : vector<16xi1> to vector<16xi1>
        %parallel_loop3A_139 = arith.xori %parallel_loop3A_134, %parallel_loop3A_138 : vector<16xi1>
        %parallel_loop3A_140 = arith.andi %parallel_loop3A_139, %parallel_loop3A_131 : vector<16xi1>
        %parallel_loop3A_141 = vector.broadcast %parallel_loop3A_126 : i32 to vector<16xi32>
        %parallel_loop3A_142 = arith.addi %parallel_loop3A_128, %parallel_loop3A_141 : vector<16xi32>
        %parallel_loop3A_143 = arith.select %parallel_loop3A_140, %parallel_loop3A_142, %parallel_loop3A_128 : vector<16xi1>, vector<16xi32>
        %parallel_loop3A_144 = arith.constant 32 : i32
        %parallel_loop3A_145 = vector.broadcast %parallel_loop3A_144 : i32 to vector<16xi32>
        %parallel_loop3A_146 = arith.addi %parallel_loop3A_25, %parallel_loop3A_145 : vector<16xi32>
        %parallel_loop3A_147 = arith.constant 3 : i32
        %parallel_loop3A_148 = vector.broadcast %parallel_loop3A_147 : i32 to vector<16xi32>
        %parallel_loop3A_149 = arith.divsi %parallel_loop3A_146, %parallel_loop3A_148 : vector<16xi32>
        %parallel_loop3A_150 = arith.constant 0 : i32
        %parallel_loop3A_151 = vector.broadcast %parallel_loop3A_150 : i32 to vector<16xi32>
        %parallel_loop3A_152 = arith.cmpi sgt, %parallel_loop3A_146, %parallel_loop3A_151 : vector<16xi32>
        %parallel_loop3A_153 = arith.extui %parallel_loop3A_152 : vector<16xi1> to vector<16xi32>
        %parallel_loop3A_154 = arith.constant 0 : i32
        %parallel_loop3A_155 = vector.broadcast %parallel_loop3A_154 : i32 to vector<16xi32>
        %parallel_loop3A_156 = arith.cmpi slt, %parallel_loop3A_146, %parallel_loop3A_155 : vector<16xi32>
        %parallel_loop3A_157 = arith.extui %parallel_loop3A_156 : vector<16xi1> to vector<16xi32>
        %parallel_loop3A_158 = arith.subi %parallel_loop3A_153, %parallel_loop3A_157 : vector<16xi32>
        %parallel_loop3A_159 = arith.constant 0 : i32
        %parallel_loop3A_160 = arith.cmpi sgt, %parallel_loop3A_147, %parallel_loop3A_159 : i32
        %parallel_loop3A_161 = arith.extui %parallel_loop3A_160 : i1 to i32
        %parallel_loop3A_162 = arith.constant 0 : i32
        %parallel_loop3A_163 = arith.cmpi slt, %parallel_loop3A_147, %parallel_loop3A_162 : i32
        %parallel_loop3A_164 = arith.extui %parallel_loop3A_163 : i1 to i32
        %parallel_loop3A_165 = arith.subi %parallel_loop3A_161, %parallel_loop3A_164 : i32
        %parallel_loop3A_166 = vector.broadcast %parallel_loop3A_165 : i32 to vector<16xi32>
        %parallel_loop3A_167 = arith.cmpi ne, %parallel_loop3A_158, %parallel_loop3A_166 : vector<16xi32>
        %parallel_loop3A_168 = vector.broadcast %parallel_loop3A_147 : i32 to vector<16xi32>
        %parallel_loop3A_169 = arith.remsi %parallel_loop3A_146, %parallel_loop3A_168 : vector<16xi32>
        %parallel_loop3A_170 = arith.constant 0 : i32
        %parallel_loop3A_171 = vector.broadcast %parallel_loop3A_170 : i32 to vector<16xi32>
        %parallel_loop3A_172 = arith.cmpi ne, %parallel_loop3A_169, %parallel_loop3A_171 : vector<16xi32>
        %parallel_loop3A_173 = arith.andi %parallel_loop3A_167, %parallel_loop3A_172 : vector<16xi1>
        %parallel_loop3A_174 = arith.constant 1 : i32
        %parallel_loop3A_175 = vector.broadcast %parallel_loop3A_174 : i32 to vector<16xi32>
        %parallel_loop3A_176 = arith.subi %parallel_loop3A_149, %parallel_loop3A_175 : vector<16xi32>
        %parallel_loop3A_177 = arith.select %parallel_loop3A_173, %parallel_loop3A_176, %parallel_loop3A_149 : vector<16xi1>, vector<16xi32>
        %parallel_loop3A_178 = arith.constant 32 : i32
        %parallel_loop3A_179 = vector.broadcast %parallel_loop3A_178 : i32 to vector<16xi32>
        %parallel_loop3A_180 = arith.addi %parallel_loop3A_25, %parallel_loop3A_179 : vector<16xi32>
        %parallel_loop3A_181 = arith.constant 3 : i32
        %parallel_loop3A_182 = arith.constant 0 : i32
        %parallel_loop3A_183 = arith.cmpi eq, %parallel_loop3A_181, %parallel_loop3A_182 : i32
        %parallel_loop3A_184 = arith.constant 1 : i32
        %parallel_loop3A_185 = arith.select %parallel_loop3A_183, %parallel_loop3A_184, %parallel_loop3A_181 : i32
        %parallel_loop3A_186 = vector.broadcast %parallel_loop3A_185 : i32 to vector<16xi32>
        %parallel_loop3A_187 = arith.remsi %parallel_loop3A_180, %parallel_loop3A_186 : vector<16xi32>
        %parallel_loop3A_188 = arith.constant 0 : i32
        %parallel_loop3A_189 = vector.broadcast %parallel_loop3A_188 : i32 to vector<16xi32>
        %parallel_loop3A_190 = arith.cmpi ne, %parallel_loop3A_187, %parallel_loop3A_189 : vector<16xi32>
        %parallel_loop3A_191 = arith.constant 0 : i32
        %parallel_loop3A_192 = vector.broadcast %parallel_loop3A_191 : i32 to vector<16xi32>
        %parallel_loop3A_193 = arith.cmpi slt, %parallel_loop3A_187, %parallel_loop3A_192 : vector<16xi32>
        %parallel_loop3A_194 = arith.constant 0 : i32
        %parallel_loop3A_195 = arith.cmpi slt, %parallel_loop3A_185, %parallel_loop3A_194 : i32
        %parallel_loop3A_196 = vector.broadcast %parallel_loop3A_195 : i1 to vector<16xi1>
        %parallel_loop3A_197 = vector.broadcast %parallel_loop3A_196 : vector<16xi1> to vector<16xi1>
        %parallel_loop3A_198 = arith.xori %parallel_loop3A_193, %parallel_loop3A_197 : vector<16xi1>
        %parallel_loop3A_199 = arith.andi %parallel_loop3A_198, %parallel_loop3A_190 : vector<16xi1>
        %parallel_loop3A_200 = vector.broadcast %parallel_loop3A_185 : i32 to vector<16xi32>
        %parallel_loop3A_201 = arith.addi %parallel_loop3A_187, %parallel_loop3A_200 : vector<16xi32>
        %parallel_loop3A_202 = arith.select %parallel_loop3A_199, %parallel_loop3A_201, %parallel_loop3A_187 : vector<16xi1>, vector<16xi32>
        %parallel_loop3A_203 = arith.constant 3 : i32
        %parallel_loop3A_204 = vector.broadcast %parallel_loop3A_203 : i32 to vector<16xi32>
        %parallel_loop3A_205 = arith.constant 16 : i32
        %parallel_loop3A_206 = arith.muli %parallel_loop3A_24, %parallel_loop3A_205 : i32
        %parallel_loop3A_207 = arith.constant 48 : i32
        %parallel_loop3A_208 = arith.muli %parallel_loop3A_24, %parallel_loop3A_207 : i32
        %parallel_loop3A_209 = arith.index_cast %parallel_loop3A_208 : i32 to index
        %parallel_loop3A_210 = tpu.vector_load %arg11[%parallel_loop3A_209] {strides = array<i32>} : memref<6000xf32, #tpu.memory_space<vmem>>, vector<16xf32>,
        %parallel_loop3A_211 = arith.constant 48 : i32
        %parallel_loop3A_212 = arith.muli %parallel_loop3A_24, %parallel_loop3A_211 : i32
        %parallel_loop3A_213 = arith.constant 16 : i32
        %parallel_loop3A_214 = arith.addi %parallel_loop3A_212, %parallel_loop3A_213 : i32
        %parallel_loop3A_215 = arith.index_cast %parallel_loop3A_214 : i32 to index
        %parallel_loop3A_216 = tpu.vector_load %arg11[%parallel_loop3A_215] {strides = array<i32>} : memref<6000xf32, #tpu.memory_space<vmem>>, vector<16xf32>,
        %parallel_loop3A_217 = arith.constant 48 : i32
        %parallel_loop3A_218 = arith.muli %parallel_loop3A_24, %parallel_loop3A_217 : i32
        %parallel_loop3A_219 = arith.constant 32 : i32
        %parallel_loop3A_220 = arith.addi %parallel_loop3A_218, %parallel_loop3A_219 : i32
        %parallel_loop3A_221 = arith.index_cast %parallel_loop3A_220 : i32 to index
        %parallel_loop3A_222 = tpu.vector_load %arg11[%parallel_loop3A_221] {strides = array<i32>} : memref<6000xf32, #tpu.memory_space<vmem>>, vector<16xf32>,
        %parallel_loop3A_223 = arith.index_cast %parallel_loop3A_206 : i32 to index
        %parallel_loop3A_224 = tpu.vector_load %arg12[%parallel_loop3A_223] {strides = array<i32>} : memref<2000xf32, #tpu.memory_space<vmem>>, vector<16xf32>,
        %parallel_loop3A_225 = vector.broadcast %parallel_loop3A_206 : i32 to vector<16xi32>
        %parallel_loop3A_226 = arith.addi %parallel_loop3A_59, %parallel_loop3A_225 : vector<16xi32>
        tpu.vector_store_idx %arg13[%parallel_loop3A_226, %parallel_loop3A_84], %parallel_loop3A_210 : memref<2000x8xf32, #tpu.memory_space<vmem>>[vector<16xi32>, vector<16xi32>], vector<16xf32>,
        %parallel_loop3A_227 = vector.broadcast %parallel_loop3A_206 : i32 to vector<16xi32>
        %parallel_loop3A_228 = arith.addi %parallel_loop3A_118, %parallel_loop3A_227 : vector<16xi32>
        tpu.vector_store_idx %arg13[%parallel_loop3A_228, %parallel_loop3A_143], %parallel_loop3A_216 : memref<2000x8xf32, #tpu.memory_space<vmem>>[vector<16xi32>, vector<16xi32>], vector<16xf32>,
        %parallel_loop3A_229 = vector.broadcast %parallel_loop3A_206 : i32 to vector<16xi32>
        %parallel_loop3A_230 = arith.addi %parallel_loop3A_177, %parallel_loop3A_229 : vector<16xi32>
        tpu.vector_store_idx %arg13[%parallel_loop3A_230, %parallel_loop3A_202], %parallel_loop3A_222 : memref<2000x8xf32, #tpu.memory_space<vmem>>[vector<16xi32>, vector<16xi32>], vector<16xf32>,
        %parallel_loop3A_231 = vector.broadcast %parallel_loop3A_206 : i32 to vector<16xi32>
        %parallel_loop3A_232 = arith.addi %parallel_loop3A_25, %parallel_loop3A_231 : vector<16xi32>
        tpu.vector_store_idx %arg13[%parallel_loop3A_232, %parallel_loop3A_204], %parallel_loop3A_224 : memref<2000x8xf32, #tpu.memory_space<vmem>>[vector<16xi32>, vector<16xi32>], vector<16xf32>,
      } {sc.loop_unroll_factor = 4 : i64, sc.parallel_access}
      "tpu.region"() ({
        %run_scoped3A = tpu.sem_alloc : memref<!tpu.dma_semaphore, #tpu.memory_space<semaphore_mem>>
        %dma_start3A = arith.constant 0 : i32
        %dma_start3A_24 = tpu.memref_slice %arg7[%arg0, %add3A_19, %dma_start3A] : memref<2x160000x8xf32, #tpu.memory_space<hbm>> -> memref<1x2000x8xf32, #tpu.memory_space<hbm>>
        %dma_start3A_25 = tpu.memref_squeeze %dma_start3A_24 : memref<1x2000x8xf32, #tpu.memory_space<hbm>> -> memref<2000x8xf32, #tpu.memory_space<hbm>>
        %dma_start3A_26 = arith.constant 0 : i32
        %dma_start3A_27 = tpu.memref_slice %arg7[%arg0, %add3A_19, %dma_start3A_26] : memref<2x160000x8xf32, #tpu.memory_space<hbm>> -> memref<1x2000x8xf32, #tpu.memory_space<hbm>>
        %dma_start3A_28 = tpu.memref_squeeze %dma_start3A_27 : memref<1x2000x8xf32, #tpu.memory_space<hbm>> -> memref<2000x8xf32, #tpu.memory_space<hbm>>
        tpu.enqueue_dma source(%arg13 : memref<2000x8xf32, #tpu.memory_space<vmem>>) target(%dma_start3A_28 : memref<2000x8xf32, #tpu.memory_space<hbm>>) target_semaphore(%run_scoped3A : memref<!tpu.dma_semaphore, #tpu.memory_space<semaphore_mem>>)
        %dma_wait3A = arith.constant 0 : i32
        %dma_wait3A_29 = tpu.memref_slice %arg7[%arg0, %add3A_19, %dma_wait3A] : memref<2x160000x8xf32, #tpu.memory_space<hbm>> -> memref<1x2000x8xf32, #tpu.memory_space<hbm>>
        %dma_wait3A_30 = tpu.memref_squeeze %dma_wait3A_29 : memref<1x2000x8xf32, #tpu.memory_space<hbm>> -> memref<2000x8xf32, #tpu.memory_space<hbm>>
        %dma_wait3A_31 = arith.constant 0 : i32
        %dma_wait3A_32 = tpu.memref_slice %arg7[%arg0, %add3A_19, %dma_wait3A_31] : memref<2x160000x8xf32, #tpu.memory_space<hbm>> -> memref<1x2000x8xf32, #tpu.memory_space<hbm>>
        %dma_wait3A_33 = tpu.memref_squeeze %dma_wait3A_32 : memref<1x2000x8xf32, #tpu.memory_space<hbm>> -> memref<2000x8xf32, #tpu.memory_space<hbm>>
        tpu.wait_dma2 semaphore(%run_scoped3A : memref<!tpu.dma_semaphore, #tpu.memory_space<semaphore_mem>>) src(%arg13 : memref<2000x8xf32, #tpu.memory_space<vmem>>) dst(%dma_wait3A_33 : memref<2000x8xf32, #tpu.memory_space<hbm>>)
        tpu.yield
      }) : () -> ()
    }
    %scan3A_7 = arith.constant 5 : i32
    %barrier3A = arith.constant 0 : index
    tpu.barrier barrier_id(%barrier3A)
    %scan3A_8 = arith.constant 0 : i32
    %scan3A_9 = arith.constant 0 : i32
    %scan3A_10 = arith.constant 5 : i32
    %scan3A_11 = arith.addi %scan3A_9, %scan3A_10 : i32
    %scan3A_12 = arith.constant 1 : i32
    scf.for %scan3A_14 = %scan3A_9 to %scan3A_11 step %scan3A_12  : i32 {
      %mul3A_15 = arith.constant 16000 : i32
      %mul3A_16 = arith.muli %scan3A_14, %mul3A_15 : i32
      %add3A_17 = arith.addi %mul3A_2, %mul3A_16 : i32
      "tpu.region"() ({
        %run_scoped3A = tpu.sem_alloc : memref<!tpu.dma_semaphore, #tpu.memory_space<semaphore_mem>>
        %dma_start3A = tpu.memref_slice %arg4[%add3A_17] : memref<2560000xi32, #tpu.memory_space<hbm>> -> memref<16000xi32, #tpu.memory_space<hbm>>
        %dma_start3A_38 = tpu.memref_slice %arg4[%add3A_17] : memref<2560000xi32, #tpu.memory_space<hbm>> -> memref<16000xi32, #tpu.memory_space<hbm>>
        tpu.enqueue_dma source(%dma_start3A_38 : memref<16000xi32, #tpu.memory_space<hbm>>) target(%arg8 : memref<16000xi32, #tpu.memory_space<vmem>>) target_semaphore(%run_scoped3A : memref<!tpu.dma_semaphore, #tpu.memory_space<semaphore_mem>>)
        %dma_wait3A = tpu.memref_slice %arg4[%add3A_17] : memref<2560000xi32, #tpu.memory_space<hbm>> -> memref<16000xi32, #tpu.memory_space<hbm>>
        %dma_wait3A_39 = tpu.memref_slice %arg4[%add3A_17] : memref<2560000xi32, #tpu.memory_space<hbm>> -> memref<16000xi32, #tpu.memory_space<hbm>>
        tpu.wait_dma2 semaphore(%run_scoped3A : memref<!tpu.dma_semaphore, #tpu.memory_space<semaphore_mem>>) src(%dma_wait3A_39 : memref<16000xi32, #tpu.memory_space<hbm>>) dst(%arg8 : memref<16000xi32, #tpu.memory_space<vmem>>)
        tpu.yield
      }) : () -> ()
      "tpu.region"() ({
        %run_scoped3A = tpu.sem_alloc : memref<!tpu.dma_semaphore, #tpu.memory_space<semaphore_mem>>
        %dma_start3A = tpu.memref_slice %arg5[%add3A_17] : memref<2560000xi32, #tpu.memory_space<hbm>> -> memref<16000xi32, #tpu.memory_space<hbm>>
        %dma_start3A_38 = tpu.memref_slice %arg5[%add3A_17] : memref<2560000xi32, #tpu.memory_space<hbm>> -> memref<16000xi32, #tpu.memory_space<hbm>>
        tpu.enqueue_dma source(%dma_start3A_38 : memref<16000xi32, #tpu.memory_space<hbm>>) target(%arg9 : memref<16000xi32, #tpu.memory_space<vmem>>) target_semaphore(%run_scoped3A : memref<!tpu.dma_semaphore, #tpu.memory_space<semaphore_mem>>)
        %dma_wait3A = tpu.memref_slice %arg5[%add3A_17] : memref<2560000xi32, #tpu.memory_space<hbm>> -> memref<16000xi32, #tpu.memory_space<hbm>>
        %dma_wait3A_39 = tpu.memref_slice %arg5[%add3A_17] : memref<2560000xi32, #tpu.memory_space<hbm>> -> memref<16000xi32, #tpu.memory_space<hbm>>
        tpu.wait_dma2 semaphore(%run_scoped3A : memref<!tpu.dma_semaphore, #tpu.memory_space<semaphore_mem>>) src(%dma_wait3A_39 : memref<16000xi32, #tpu.memory_space<hbm>>) dst(%arg9 : memref<16000xi32, #tpu.memory_space<vmem>>)
        tpu.yield
      }) : () -> ()
      %scan3A_18 = arith.constant 0 : i32
      %scan3A_19 = arith.constant 0 : i32
      %scan3A_20 = arith.constant 5 : i32
      %scan3A_21 = arith.addi %scan3A_19, %scan3A_20 : i32
      %scan3A_22 = arith.constant 1 : i32
      scf.for %scan3A_38 = %scan3A_19 to %scan3A_21 step %scan3A_22  : i32 {
        %mul3A_39 = arith.constant 128 : i32
        %mul3A_40 = arith.muli %scan3A_38, %mul3A_39 : i32
        %add3A_41 = arith.constant 0 : i32
        %add3A_42 = arith.addi %add3A_41, %mul3A_40 : i32
        %mul3A_43 = arith.constant 128 : i32
        %mul3A_44 = arith.muli %scan3A_38, %mul3A_43 : i32
        %dma_start3A = arith.constant 0 : i32
        %dma_start3A_45 = tpu.memref_slice %arg14[%mul3A_44, %dma_start3A] : memref<640x8xf32, #tpu.memory_space<vmem>> -> memref<128x8xf32, #tpu.memory_space<vmem>>
        %dma_start3A_46 = tpu.memref_slice %arg8[%add3A_42] : memref<16000xi32, #tpu.memory_space<vmem>> -> memref<128xi32, #tpu.memory_space<vmem>>
        %dma_start3A_47 = arith.constant 0 : i32
        %dma_start3A_48 = arith.constant 0 : i32
        %dma_start3A_49 = tpu.memref_slice %arg7[%arg0, %dma_start3A_47, %dma_start3A_48] : memref<2x160000x8xf32, #tpu.memory_space<hbm>> -> memref<1x160000x8xf32, #tpu.memory_space<hbm>>
        %dma_start3A_50 = tpu.memref_squeeze %dma_start3A_49 : memref<1x160000x8xf32, #tpu.memory_space<hbm>> -> memref<160000x8xf32, #tpu.memory_space<hbm>>
        %dma_start3A_51 = arith.constant 0 : i32
        %dma_start3A_52 = arith.constant 0 : i32
        %dma_start3A_53 = tpu.memref_slice %dma_start3A_50[%dma_start3A_51, %dma_start3A_52] : memref<160000x8xf32, #tpu.memory_space<hbm>> -> memref<160000x8xf32, #tpu.memory_space<hbm>>
        tpu.enqueue_indirect_dma source(%dma_start3A_53 : memref<160000x8xf32, #tpu.memory_space<hbm>>) target(%dma_start3A_45 : memref<128x8xf32, #tpu.memory_space<vmem>>) offsets(%dma_start3A_46 : memref<128xi32, #tpu.memory_space<vmem>>) semaphore(%arg16 : memref<!tpu.dma_semaphore, #tpu.memory_space<semaphore_mem>>)
        %dma_start3A_54 = arith.constant 0 : i32
        %dma_start3A_55 = tpu.memref_slice %arg15[%mul3A_44, %dma_start3A_54] : memref<640x8xf32, #tpu.memory_space<vmem>> -> memref<128x8xf32, #tpu.memory_space<vmem>>
        %dma_start3A_56 = tpu.memref_slice %arg9[%add3A_42] : memref<16000xi32, #tpu.memory_space<vmem>> -> memref<128xi32, #tpu.memory_space<vmem>>
        %dma_start3A_57 = arith.constant 0 : i32
        %dma_start3A_58 = arith.constant 0 : i32
        %dma_start3A_59 = tpu.memref_slice %arg7[%arg0, %dma_start3A_57, %dma_start3A_58] : memref<2x160000x8xf32, #tpu.memory_space<hbm>> -> memref<1x160000x8xf32, #tpu.memory_space<hbm>>
        %dma_start3A_60 = tpu.memref_squeeze %dma_start3A_59 : memref<1x160000x8xf32, #tpu.memory_space<hbm>> -> memref<160000x8xf32, #tpu.memory_space<hbm>>
        %dma_start3A_61 = arith.constant 0 : i32
        %dma_start3A_62 = arith.constant 0 : i32
        %dma_start3A_63 = tpu.memref_slice %dma_start3A_60[%dma_start3A_61, %dma_start3A_62] : memref<160000x8xf32, #tpu.memory_space<hbm>> -> memref<160000x8xf32, #tpu.memory_space<hbm>>
        tpu.enqueue_indirect_dma source(%dma_start3A_63 : memref<160000x8xf32, #tpu.memory_space<hbm>>) target(%dma_start3A_55 : memref<128x8xf32, #tpu.memory_space<vmem>>) offsets(%dma_start3A_56 : memref<128xi32, #tpu.memory_space<vmem>>) semaphore(%arg17 : memref<!tpu.dma_semaphore, #tpu.memory_space<semaphore_mem>>)
      }
      %scan3A_23 = arith.constant 5 : i32
      %scan3A_24 = arith.constant 0 : i32
      %scan3A_25 = arith.constant 0 : i32
      %scan3A_26 = arith.constant 12 : i32
      %scan3A_27 = arith.addi %scan3A_25, %scan3A_26 : i32
      %scan3A_28 = arith.constant 1 : i32
      scf.for %scan3A_38 = %scan3A_25 to %scan3A_27 step %scan3A_28  : i32 {
        %mul3A_39 = arith.constant 2 : i32
        %mul3A_40 = arith.muli %scan3A_38, %mul3A_39 : i32
        %add3A_41 = arith.constant 1 : i32
        %add3A_42 = arith.addi %mul3A_40, %add3A_41 : i32
        %scan3A_43 = arith.constant 0 : i32
        %scan3A_44 = arith.constant 0 : i32
        %scan3A_45 = arith.constant 5 : i32
        %scan3A_46 = arith.addi %scan3A_44, %scan3A_45 : i32
        %scan3A_47 = arith.constant 1 : i32
        scf.for %scan3A_77 = %scan3A_44 to %scan3A_46 step %scan3A_47  : i32 {
          %mul3A_78 = arith.constant 640 : i32
          %mul3A_79 = arith.muli %add3A_42, %mul3A_78 : i32
          %mul3A_80 = arith.constant 128 : i32
          %mul3A_81 = arith.muli %scan3A_77, %mul3A_80 : i32
          %add3A_82 = arith.addi %mul3A_79, %mul3A_81 : i32
          %mul3A_83 = arith.constant 128 : i32
          %mul3A_84 = arith.muli %scan3A_77, %mul3A_83 : i32
          %dma_start3A = arith.constant 0 : i32
          %dma_start3A_85 = tpu.memref_slice %arg18[%mul3A_84, %dma_start3A] : memref<640x8xf32, #tpu.memory_space<vmem>> -> memref<128x8xf32, #tpu.memory_space<vmem>>
          %dma_start3A_86 = tpu.memref_slice %arg8[%add3A_82] : memref<16000xi32, #tpu.memory_space<vmem>> -> memref<128xi32, #tpu.memory_space<vmem>>
          %dma_start3A_87 = arith.constant 0 : i32
          %dma_start3A_88 = arith.constant 0 : i32
          %dma_start3A_89 = tpu.memref_slice %arg7[%arg0, %dma_start3A_87, %dma_start3A_88] : memref<2x160000x8xf32, #tpu.memory_space<hbm>> -> memref<1x160000x8xf32, #tpu.memory_space<hbm>>
          %dma_start3A_90 = tpu.memref_squeeze %dma_start3A_89 : memref<1x160000x8xf32, #tpu.memory_space<hbm>> -> memref<160000x8xf32, #tpu.memory_space<hbm>>
          %dma_start3A_91 = arith.constant 0 : i32
          %dma_start3A_92 = arith.constant 0 : i32
          %dma_start3A_93 = tpu.memref_slice %dma_start3A_90[%dma_start3A_91, %dma_start3A_92] : memref<160000x8xf32, #tpu.memory_space<hbm>> -> memref<160000x8xf32, #tpu.memory_space<hbm>>
          tpu.enqueue_indirect_dma source(%dma_start3A_93 : memref<160000x8xf32, #tpu.memory_space<hbm>>) target(%dma_start3A_85 : memref<128x8xf32, #tpu.memory_space<vmem>>) offsets(%dma_start3A_86 : memref<128xi32, #tpu.memory_space<vmem>>) semaphore(%arg20 : memref<!tpu.dma_semaphore, #tpu.memory_space<semaphore_mem>>)
          %dma_start3A_94 = arith.constant 0 : i32
          %dma_start3A_95 = tpu.memref_slice %arg19[%mul3A_84, %dma_start3A_94] : memref<640x8xf32, #tpu.memory_space<vmem>> -> memref<128x8xf32, #tpu.memory_space<vmem>>
          %dma_start3A_96 = tpu.memref_slice %arg9[%add3A_82] : memref<16000xi32, #tpu.memory_space<vmem>> -> memref<128xi32, #tpu.memory_space<vmem>>
          %dma_start3A_97 = arith.constant 0 : i32
          %dma_start3A_98 = arith.constant 0 : i32
          %dma_start3A_99 = tpu.memref_slice %arg7[%arg0, %dma_start3A_97, %dma_start3A_98] : memref<2x160000x8xf32, #tpu.memory_space<hbm>> -> memref<1x160000x8xf32, #tpu.memory_space<hbm>>
          %dma_start3A_100 = tpu.memref_squeeze %dma_start3A_99 : memref<1x160000x8xf32, #tpu.memory_space<hbm>> -> memref<160000x8xf32, #tpu.memory_space<hbm>>
          %dma_start3A_101 = arith.constant 0 : i32
          %dma_start3A_102 = arith.constant 0 : i32
          %dma_start3A_103 = tpu.memref_slice %dma_start3A_100[%dma_start3A_101, %dma_start3A_102] : memref<160000x8xf32, #tpu.memory_space<hbm>> -> memref<160000x8xf32, #tpu.memory_space<hbm>>
          tpu.enqueue_indirect_dma source(%dma_start3A_103 : memref<160000x8xf32, #tpu.memory_space<hbm>>) target(%dma_start3A_95 : memref<128x8xf32, #tpu.memory_space<vmem>>) offsets(%dma_start3A_96 : memref<128xi32, #tpu.memory_space<vmem>>) semaphore(%arg21 : memref<!tpu.dma_semaphore, #tpu.memory_space<semaphore_mem>>)
        }
        %scan3A_48 = arith.constant 5 : i32
        %scan3A_49 = arith.constant 0 : i32
        %scan3A_50 = arith.constant 0 : i32
        %scan3A_51 = arith.constant 5 : i32
        %scan3A_52 = arith.addi %scan3A_50, %scan3A_51 : i32
        %scan3A_53 = arith.constant 1 : i32
        scf.for %scan3A_77 = %scan3A_50 to %scan3A_52 step %scan3A_53  : i32 {
          %mul3A_78 = arith.constant 640 : i32
          %mul3A_79 = arith.muli %mul3A_40, %mul3A_78 : i32
          %mul3A_80 = arith.constant 128 : i32
          %mul3A_81 = arith.muli %scan3A_77, %mul3A_80 : i32
          %add3A_82 = arith.addi %mul3A_79, %mul3A_81 : i32
          %mul3A_83 = arith.constant 128 : i32
          %mul3A_84 = arith.muli %scan3A_77, %mul3A_83 : i32
          %dma_wait3A = arith.constant 0 : i32
          %dma_wait3A_85 = tpu.memref_slice %arg14[%mul3A_84, %dma_wait3A] : memref<640x8xf32, #tpu.memory_space<vmem>> -> memref<128x8xf32, #tpu.memory_space<vmem>>
          %dma_wait3A_86 = tpu.memref_slice %arg8[%add3A_82] : memref<16000xi32, #tpu.memory_space<vmem>> -> memref<128xi32, #tpu.memory_space<vmem>>
          %dma_wait3A_87 = arith.constant 0 : i32
          %dma_wait3A_88 = arith.constant 0 : i32
          %dma_wait3A_89 = tpu.memref_slice %arg7[%arg0, %dma_wait3A_87, %dma_wait3A_88] : memref<2x160000x8xf32, #tpu.memory_space<hbm>> -> memref<1x160000x8xf32, #tpu.memory_space<hbm>>
          %dma_wait3A_90 = tpu.memref_squeeze %dma_wait3A_89 : memref<1x160000x8xf32, #tpu.memory_space<hbm>> -> memref<160000x8xf32, #tpu.memory_space<hbm>>
          %dma_wait3A_91 = arith.constant 0 : i32
          %dma_wait3A_92 = arith.constant 0 : i32
          %dma_wait3A_93 = tpu.memref_slice %dma_wait3A_90[%dma_wait3A_91, %dma_wait3A_92] : memref<160000x8xf32, #tpu.memory_space<hbm>> -> memref<160000x8xf32, #tpu.memory_space<hbm>>
          tpu.wait_indirect_dma semaphore(%arg16 : memref<!tpu.dma_semaphore, #tpu.memory_space<semaphore_mem>>) src(%dma_wait3A_93 : memref<160000x8xf32, #tpu.memory_space<hbm>>) dst(%dma_wait3A_85 : memref<128x8xf32, #tpu.memory_space<vmem>>)
          %dma_wait3A_94 = arith.constant 0 : i32
          %dma_wait3A_95 = tpu.memref_slice %arg15[%mul3A_84, %dma_wait3A_94] : memref<640x8xf32, #tpu.memory_space<vmem>> -> memref<128x8xf32, #tpu.memory_space<vmem>>
          %dma_wait3A_96 = tpu.memref_slice %arg9[%add3A_82] : memref<16000xi32, #tpu.memory_space<vmem>> -> memref<128xi32, #tpu.memory_space<vmem>>
          %dma_wait3A_97 = arith.constant 0 : i32
          %dma_wait3A_98 = arith.constant 0 : i32
          %dma_wait3A_99 = tpu.memref_slice %arg7[%arg0, %dma_wait3A_97, %dma_wait3A_98] : memref<2x160000x8xf32, #tpu.memory_space<hbm>> -> memref<1x160000x8xf32, #tpu.memory_space<hbm>>
          %dma_wait3A_100 = tpu.memref_squeeze %dma_wait3A_99 : memref<1x160000x8xf32, #tpu.memory_space<hbm>> -> memref<160000x8xf32, #tpu.memory_space<hbm>>
          %dma_wait3A_101 = arith.constant 0 : i32
          %dma_wait3A_102 = arith.constant 0 : i32
          %dma_wait3A_103 = tpu.memref_slice %dma_wait3A_100[%dma_wait3A_101, %dma_wait3A_102] : memref<160000x8xf32, #tpu.memory_space<hbm>> -> memref<160000x8xf32, #tpu.memory_space<hbm>>
          tpu.wait_indirect_dma semaphore(%arg17 : memref<!tpu.dma_semaphore, #tpu.memory_space<semaphore_mem>>) src(%dma_wait3A_103 : memref<160000x8xf32, #tpu.memory_space<hbm>>) dst(%dma_wait3A_95 : memref<128x8xf32, #tpu.memory_space<vmem>>)
        }
        %scan3A_54 = arith.constant 5 : i32
        %parallel_loop3A_55 = arith.constant 0 : i32
        %parallel_loop3A_56 = arith.constant 40 : i32
        %parallel_loop3A_57 = arith.constant 1 : i32
        scf.for %parallel_loop3A_77 = %parallel_loop3A_55 to %parallel_loop3A_56 step %parallel_loop3A_57  : i32 {
          %parallel_loop3A_78 = tpu.iota {dimensions = array<i32: 0>} : vector<16xi32>
          %parallel_loop3A_79 = arith.constant 16 : i32
          %parallel_loop3A_80 = arith.muli %parallel_loop3A_77, %parallel_loop3A_79 : i32
          %parallel_loop3A_81 = vector.broadcast %parallel_loop3A_80 : i32 to vector<16xi32>
          %parallel_loop3A_82 = arith.addi %parallel_loop3A_78, %parallel_loop3A_81 : vector<16xi32>
          %parallel_loop3A_83 = arith.constant 0 : i32
          %parallel_loop3A_84 = vector.broadcast %parallel_loop3A_83 : i32 to vector<16xi32>
          %parallel_loop3A_85 = tpu.vector_load_idx %arg14[%parallel_loop3A_82, %parallel_loop3A_84] : memref<640x8xf32, #tpu.memory_space<vmem>>[vector<16xi32>, vector<16xi32>], vector<16xf32>,
          %parallel_loop3A_86 = arith.constant 1 : i32
          %parallel_loop3A_87 = vector.broadcast %parallel_loop3A_86 : i32 to vector<16xi32>
          %parallel_loop3A_88 = tpu.vector_load_idx %arg14[%parallel_loop3A_82, %parallel_loop3A_87] : memref<640x8xf32, #tpu.memory_space<vmem>>[vector<16xi32>, vector<16xi32>], vector<16xf32>,
          %parallel_loop3A_89 = arith.constant 2 : i32
          %parallel_loop3A_90 = vector.broadcast %parallel_loop3A_89 : i32 to vector<16xi32>
          %parallel_loop3A_91 = tpu.vector_load_idx %arg14[%parallel_loop3A_82, %parallel_loop3A_90] : memref<640x8xf32, #tpu.memory_space<vmem>>[vector<16xi32>, vector<16xi32>], vector<16xf32>,
          %parallel_loop3A_92 = arith.constant 3 : i32
          %parallel_loop3A_93 = vector.broadcast %parallel_loop3A_92 : i32 to vector<16xi32>
          %parallel_loop3A_94 = tpu.vector_load_idx %arg14[%parallel_loop3A_82, %parallel_loop3A_93] : memref<640x8xf32, #tpu.memory_space<vmem>>[vector<16xi32>, vector<16xi32>], vector<16xf32>,
          %parallel_loop3A_95 = arith.constant 0 : i32
          %parallel_loop3A_96 = vector.broadcast %parallel_loop3A_95 : i32 to vector<16xi32>
          %parallel_loop3A_97 = tpu.vector_load_idx %arg15[%parallel_loop3A_82, %parallel_loop3A_96] : memref<640x8xf32, #tpu.memory_space<vmem>>[vector<16xi32>, vector<16xi32>], vector<16xf32>,
          %parallel_loop3A_98 = arith.constant 1 : i32
          %parallel_loop3A_99 = vector.broadcast %parallel_loop3A_98 : i32 to vector<16xi32>
          %parallel_loop3A_100 = tpu.vector_load_idx %arg15[%parallel_loop3A_82, %parallel_loop3A_99] : memref<640x8xf32, #tpu.memory_space<vmem>>[vector<16xi32>, vector<16xi32>], vector<16xf32>,
          %parallel_loop3A_101 = arith.constant 2 : i32
          %parallel_loop3A_102 = vector.broadcast %parallel_loop3A_101 : i32 to vector<16xi32>
          %parallel_loop3A_103 = tpu.vector_load_idx %arg15[%parallel_loop3A_82, %parallel_loop3A_102] : memref<640x8xf32, #tpu.memory_space<vmem>>[vector<16xi32>, vector<16xi32>], vector<16xf32>,
          %parallel_loop3A_104 = arith.constant 3 : i32
          %parallel_loop3A_105 = vector.broadcast %parallel_loop3A_104 : i32 to vector<16xi32>
          %parallel_loop3A_106 = tpu.vector_load_idx %arg15[%parallel_loop3A_82, %parallel_loop3A_105] : memref<640x8xf32, #tpu.memory_space<vmem>>[vector<16xi32>, vector<16xi32>], vector<16xf32>,
          %parallel_loop3A_107 = arith.mulf %parallel_loop3A_85, %parallel_loop3A_97 : vector<16xf32>
          %parallel_loop3A_108 = arith.mulf %parallel_loop3A_88, %parallel_loop3A_100 : vector<16xf32>
          %parallel_loop3A_109 = arith.addf %parallel_loop3A_107, %parallel_loop3A_108 : vector<16xf32>
          %parallel_loop3A_110 = arith.mulf %parallel_loop3A_91, %parallel_loop3A_103 : vector<16xf32>
          %parallel_loop3A_111 = arith.addf %parallel_loop3A_109, %parallel_loop3A_110 : vector<16xf32>
          %parallel_loop3A_112 = arith.mulf %parallel_loop3A_94, %parallel_loop3A_106 : vector<16xf32>
          %parallel_loop3A_113 = arith.constant 1.000000e-10 : f32
          %parallel_loop3A_114 = vector.broadcast %parallel_loop3A_113 : f32 to vector<16xf32>
          %parallel_loop3A_115 = arith.maximumf %parallel_loop3A_112, %parallel_loop3A_114 : vector<16xf32>
          %parallel_loop3A_116 = tpu.bitcast %parallel_loop3A_115 : vector<16xf32> -> vector<16xi32>
          %parallel_loop3A_117 = arith.constant 2129859011 : i32
          %parallel_loop3A_118 = vector.broadcast %parallel_loop3A_117 : i32 to vector<16xi32>
          %parallel_loop3A_119 = arith.subi %parallel_loop3A_118, %parallel_loop3A_116 : vector<16xi32>
          %parallel_loop3A_120 = tpu.bitcast %parallel_loop3A_119 : vector<16xi32> -> vector<16xf32>
          %parallel_loop3A_121 = arith.mulf %parallel_loop3A_115, %parallel_loop3A_120 : vector<16xf32>
          %parallel_loop3A_122 = arith.constant 2.000000e+00 : f32
          %parallel_loop3A_123 = vector.broadcast %parallel_loop3A_122 : f32 to vector<16xf32>
          %parallel_loop3A_124 = arith.subf %parallel_loop3A_123, %parallel_loop3A_121 : vector<16xf32>
          %parallel_loop3A_125 = arith.mulf %parallel_loop3A_120, %parallel_loop3A_124 : vector<16xf32>
          %parallel_loop3A_126 = arith.mulf %parallel_loop3A_115, %parallel_loop3A_125 : vector<16xf32>
          %parallel_loop3A_127 = arith.constant 2.000000e+00 : f32
          %parallel_loop3A_128 = vector.broadcast %parallel_loop3A_127 : f32 to vector<16xf32>
          %parallel_loop3A_129 = arith.subf %parallel_loop3A_128, %parallel_loop3A_126 : vector<16xf32>
          %parallel_loop3A_130 = arith.mulf %parallel_loop3A_125, %parallel_loop3A_129 : vector<16xf32>
          %parallel_loop3A_131 = arith.constant 0.949999988 : f32
          %parallel_loop3A_132 = vector.broadcast %parallel_loop3A_131 : f32 to vector<16xf32>
          %parallel_loop3A_133 = arith.mulf %parallel_loop3A_132, %parallel_loop3A_111 : vector<16xf32>
          %parallel_loop3A_134 = arith.mulf %parallel_loop3A_133, %parallel_loop3A_130 : vector<16xf32>
          %parallel_loop3A_135 = math.absf %parallel_loop3A_134 : vector<16xf32>
          %parallel_loop3A_136 = arith.constant 1.000000e+00 : f32
          %parallel_loop3A_137 = vector.broadcast %parallel_loop3A_136 : f32 to vector<16xf32>
          %parallel_loop3A_138 = arith.subf %parallel_loop3A_137, %parallel_loop3A_135 : vector<16xf32>
          %parallel_loop3A_139 = tpu.bitcast %parallel_loop3A_138 : vector<16xf32> -> vector<16xi32>
          %parallel_loop3A_140 = arith.constant 1 : i32
          %parallel_loop3A_141 = vector.broadcast %parallel_loop3A_140 : i32 to vector<16xi32>
          %parallel_loop3A_142 = arith.shrsi %parallel_loop3A_139, %parallel_loop3A_141 : vector<16xi32>
          %parallel_loop3A_143 = arith.constant 1597463007 : i32
          %parallel_loop3A_144 = vector.broadcast %parallel_loop3A_143 : i32 to vector<16xi32>
          %parallel_loop3A_145 = arith.subi %parallel_loop3A_144, %parallel_loop3A_142 : vector<16xi32>
          %parallel_loop3A_146 = tpu.bitcast %parallel_loop3A_145 : vector<16xi32> -> vector<16xf32>
          %parallel_loop3A_147 = arith.constant 5.000000e-01 : f32
          %parallel_loop3A_148 = vector.broadcast %parallel_loop3A_147 : f32 to vector<16xf32>
          %parallel_loop3A_149 = arith.mulf %parallel_loop3A_148, %parallel_loop3A_138 : vector<16xf32>
          %parallel_loop3A_150 = arith.mulf %parallel_loop3A_149, %parallel_loop3A_146 : vector<16xf32>
          %parallel_loop3A_151 = arith.mulf %parallel_loop3A_150, %parallel_loop3A_146 : vector<16xf32>
          %parallel_loop3A_152 = arith.constant 1.500000e+00 : f32
          %parallel_loop3A_153 = vector.broadcast %parallel_loop3A_152 : f32 to vector<16xf32>
          %parallel_loop3A_154 = arith.subf %parallel_loop3A_153, %parallel_loop3A_151 : vector<16xf32>
          %parallel_loop3A_155 = arith.mulf %parallel_loop3A_146, %parallel_loop3A_154 : vector<16xf32>
          %parallel_loop3A_156 = arith.constant 5.000000e-01 : f32
          %parallel_loop3A_157 = vector.broadcast %parallel_loop3A_156 : f32 to vector<16xf32>
          %parallel_loop3A_158 = arith.mulf %parallel_loop3A_157, %parallel_loop3A_138 : vector<16xf32>
          %parallel_loop3A_159 = arith.mulf %parallel_loop3A_158, %parallel_loop3A_155 : vector<16xf32>
          %parallel_loop3A_160 = arith.mulf %parallel_loop3A_159, %parallel_loop3A_155 : vector<16xf32>
          %parallel_loop3A_161 = arith.constant 1.500000e+00 : f32
          %parallel_loop3A_162 = vector.broadcast %parallel_loop3A_161 : f32 to vector<16xf32>
          %parallel_loop3A_163 = arith.subf %parallel_loop3A_162, %parallel_loop3A_160 : vector<16xf32>
          %parallel_loop3A_164 = arith.mulf %parallel_loop3A_155, %parallel_loop3A_163 : vector<16xf32>
          %parallel_loop3A_165 = arith.mulf %parallel_loop3A_138, %parallel_loop3A_164 : vector<16xf32>
          %parallel_loop3A_166 = arith.constant -1.872930e-02 : f32
          %parallel_loop3A_167 = vector.broadcast %parallel_loop3A_166 : f32 to vector<16xf32>
          %parallel_loop3A_168 = arith.mulf %parallel_loop3A_167, %parallel_loop3A_135 : vector<16xf32>
          %parallel_loop3A_169 = arith.constant 7.426100e-02 : f32
          %parallel_loop3A_170 = vector.broadcast %parallel_loop3A_169 : f32 to vector<16xf32>
          %parallel_loop3A_171 = arith.addf %parallel_loop3A_168, %parallel_loop3A_170 : vector<16xf32>
          %parallel_loop3A_172 = arith.mulf %parallel_loop3A_171, %parallel_loop3A_135 : vector<16xf32>
          %parallel_loop3A_173 = arith.constant -0.212114394 : f32
          %parallel_loop3A_174 = vector.broadcast %parallel_loop3A_173 : f32 to vector<16xf32>
          %parallel_loop3A_175 = arith.addf %parallel_loop3A_172, %parallel_loop3A_174 : vector<16xf32>
          %parallel_loop3A_176 = arith.mulf %parallel_loop3A_175, %parallel_loop3A_135 : vector<16xf32>
          %parallel_loop3A_177 = arith.constant 1.57072878 : f32
          %parallel_loop3A_178 = vector.broadcast %parallel_loop3A_177 : f32 to vector<16xf32>
          %parallel_loop3A_179 = arith.addf %parallel_loop3A_176, %parallel_loop3A_178 : vector<16xf32>
          %parallel_loop3A_180 = arith.mulf %parallel_loop3A_165, %parallel_loop3A_179 : vector<16xf32>
          %parallel_loop3A_181 = arith.constant 0.000000e+00 : f32
          %parallel_loop3A_182 = vector.broadcast %parallel_loop3A_181 : f32 to vector<16xf32>
          %parallel_loop3A_183 = arith.cmpf olt, %parallel_loop3A_134, %parallel_loop3A_182 : vector<16xf32>
          %parallel_loop3A_184 = arith.constant 3.14159274 : f32
          %parallel_loop3A_185 = vector.broadcast %parallel_loop3A_184 : f32 to vector<16xf32>
          %parallel_loop3A_186 = arith.subf %parallel_loop3A_185, %parallel_loop3A_180 : vector<16xf32>
          %parallel_loop3A_187 = arith.select %parallel_loop3A_183, %parallel_loop3A_186, %parallel_loop3A_180 : vector<16xi1>, vector<16xf32>
          %parallel_loop3A_188 = arith.constant 640 : i32
          %parallel_loop3A_189 = arith.muli %mul3A_40, %parallel_loop3A_188 : i32
          %parallel_loop3A_190 = arith.constant 16 : i32
          %parallel_loop3A_191 = arith.muli %parallel_loop3A_77, %parallel_loop3A_190 : i32
          %parallel_loop3A_192 = arith.addi %parallel_loop3A_189, %parallel_loop3A_191 : i32
          %parallel_loop3A_193 = arith.index_cast %parallel_loop3A_192 : i32 to index
          %parallel_loop3A_194 = tpu.vector_load %arg10[%parallel_loop3A_193] {strides = array<i32>} : memref<16000xf32, #tpu.memory_space<vmem>>, vector<16xf32>,
          tpu.vector_store %arg10[%parallel_loop3A_193], %parallel_loop3A_187 {strides = array<i32>} : memref<16000xf32, #tpu.memory_space<vmem>>, vector<16xf32>,
        } {sc.loop_unroll_factor = 8 : i64, sc.parallel_access}
        %add3A_58 = arith.constant 2 : i32
        %add3A_59 = arith.addi %mul3A_40, %add3A_58 : i32
        %scan3A_60 = arith.constant 0 : i32
        %scan3A_61 = arith.constant 0 : i32
        %scan3A_62 = arith.constant 5 : i32
        %scan3A_63 = arith.addi %scan3A_61, %scan3A_62 : i32
        %scan3A_64 = arith.constant 1 : i32
        scf.for %scan3A_77 = %scan3A_61 to %scan3A_63 step %scan3A_64  : i32 {
          %mul3A_78 = arith.constant 640 : i32
          %mul3A_79 = arith.muli %add3A_59, %mul3A_78 : i32
          %mul3A_80 = arith.constant 128 : i32
          %mul3A_81 = arith.muli %scan3A_77, %mul3A_80 : i32
          %add3A_82 = arith.addi %mul3A_79, %mul3A_81 : i32
          %mul3A_83 = arith.constant 128 : i32
          %mul3A_84 = arith.muli %scan3A_77, %mul3A_83 : i32
          %dma_start3A = arith.constant 0 : i32
          %dma_start3A_85 = tpu.memref_slice %arg14[%mul3A_84, %dma_start3A] : memref<640x8xf32, #tpu.memory_space<vmem>> -> memref<128x8xf32, #tpu.memory_space<vmem>>
          %dma_start3A_86 = tpu.memref_slice %arg8[%add3A_82] : memref<16000xi32, #tpu.memory_space<vmem>> -> memref<128xi32, #tpu.memory_space<vmem>>
          %dma_start3A_87 = arith.constant 0 : i32
          %dma_start3A_88 = arith.constant 0 : i32
          %dma_start3A_89 = tpu.memref_slice %arg7[%arg0, %dma_start3A_87, %dma_start3A_88] : memref<2x160000x8xf32, #tpu.memory_space<hbm>> -> memref<1x160000x8xf32, #tpu.memory_space<hbm>>
          %dma_start3A_90 = tpu.memref_squeeze %dma_start3A_89 : memref<1x160000x8xf32, #tpu.memory_space<hbm>> -> memref<160000x8xf32, #tpu.memory_space<hbm>>
          %dma_start3A_91 = arith.constant 0 : i32
          %dma_start3A_92 = arith.constant 0 : i32
          %dma_start3A_93 = tpu.memref_slice %dma_start3A_90[%dma_start3A_91, %dma_start3A_92] : memref<160000x8xf32, #tpu.memory_space<hbm>> -> memref<160000x8xf32, #tpu.memory_space<hbm>>
          tpu.enqueue_indirect_dma source(%dma_start3A_93 : memref<160000x8xf32, #tpu.memory_space<hbm>>) target(%dma_start3A_85 : memref<128x8xf32, #tpu.memory_space<vmem>>) offsets(%dma_start3A_86 : memref<128xi32, #tpu.memory_space<vmem>>) semaphore(%arg16 : memref<!tpu.dma_semaphore, #tpu.memory_space<semaphore_mem>>)
          %dma_start3A_94 = arith.constant 0 : i32
          %dma_start3A_95 = tpu.memref_slice %arg15[%mul3A_84, %dma_start3A_94] : memref<640x8xf32, #tpu.memory_space<vmem>> -> memref<128x8xf32, #tpu.memory_space<vmem>>
          %dma_start3A_96 = tpu.memref_slice %arg9[%add3A_82] : memref<16000xi32, #tpu.memory_space<vmem>> -> memref<128xi32, #tpu.memory_space<vmem>>
          %dma_start3A_97 = arith.constant 0 : i32
          %dma_start3A_98 = arith.constant 0 : i32
          %dma_start3A_99 = tpu.memref_slice %arg7[%arg0, %dma_start3A_97, %dma_start3A_98] : memref<2x160000x8xf32, #tpu.memory_space<hbm>> -> memref<1x160000x8xf32, #tpu.memory_space<hbm>>
          %dma_start3A_100 = tpu.memref_squeeze %dma_start3A_99 : memref<1x160000x8xf32, #tpu.memory_space<hbm>> -> memref<160000x8xf32, #tpu.memory_space<hbm>>
          %dma_start3A_101 = arith.constant 0 : i32
          %dma_start3A_102 = arith.constant 0 : i32
          %dma_start3A_103 = tpu.memref_slice %dma_start3A_100[%dma_start3A_101, %dma_start3A_102] : memref<160000x8xf32, #tpu.memory_space<hbm>> -> memref<160000x8xf32, #tpu.memory_space<hbm>>
          tpu.enqueue_indirect_dma source(%dma_start3A_103 : memref<160000x8xf32, #tpu.memory_space<hbm>>) target(%dma_start3A_95 : memref<128x8xf32, #tpu.memory_space<vmem>>) offsets(%dma_start3A_96 : memref<128xi32, #tpu.memory_space<vmem>>) semaphore(%arg17 : memref<!tpu.dma_semaphore, #tpu.memory_space<semaphore_mem>>)
        }
        %scan3A_65 = arith.constant 5 : i32
        %add3A_66 = arith.constant 1 : i32
        %add3A_67 = arith.addi %mul3A_40, %add3A_66 : i32
        %scan3A_68 = arith.constant 0 : i32
        %scan3A_69 = arith.constant 0 : i32
        %scan3A_70 = arith.constant 5 : i32
        %scan3A_71 = arith.addi %scan3A_69, %scan3A_70 : i32
        %scan3A_72 = arith.constant 1 : i32
        scf.for %scan3A_77 = %scan3A_69 to %scan3A_71 step %scan3A_72  : i32 {
          %mul3A_78 = arith.constant 640 : i32
          %mul3A_79 = arith.muli %add3A_67, %mul3A_78 : i32
          %mul3A_80 = arith.constant 128 : i32
          %mul3A_81 = arith.muli %scan3A_77, %mul3A_80 : i32
          %add3A_82 = arith.addi %mul3A_79, %mul3A_81 : i32
          %mul3A_83 = arith.constant 128 : i32
          %mul3A_84 = arith.muli %scan3A_77, %mul3A_83 : i32
          %dma_wait3A = arith.constant 0 : i32
          %dma_wait3A_85 = tpu.memref_slice %arg18[%mul3A_84, %dma_wait3A] : memref<640x8xf32, #tpu.memory_space<vmem>> -> memref<128x8xf32, #tpu.memory_space<vmem>>
          %dma_wait3A_86 = tpu.memref_slice %arg8[%add3A_82] : memref<16000xi32, #tpu.memory_space<vmem>> -> memref<128xi32, #tpu.memory_space<vmem>>
          %dma_wait3A_87 = arith.constant 0 : i32
          %dma_wait3A_88 = arith.constant 0 : i32
          %dma_wait3A_89 = tpu.memref_slice %arg7[%arg0, %dma_wait3A_87, %dma_wait3A_88] : memref<2x160000x8xf32, #tpu.memory_space<hbm>> -> memref<1x160000x8xf32, #tpu.memory_space<hbm>>
          %dma_wait3A_90 = tpu.memref_squeeze %dma_wait3A_89 : memref<1x160000x8xf32, #tpu.memory_space<hbm>> -> memref<160000x8xf32, #tpu.memory_space<hbm>>
          %dma_wait3A_91 = arith.constant 0 : i32
          %dma_wait3A_92 = arith.constant 0 : i32
          %dma_wait3A_93 = tpu.memref_slice %dma_wait3A_90[%dma_wait3A_91, %dma_wait3A_92] : memref<160000x8xf32, #tpu.memory_space<hbm>> -> memref<160000x8xf32, #tpu.memory_space<hbm>>
          tpu.wait_indirect_dma semaphore(%arg20 : memref<!tpu.dma_semaphore, #tpu.memory_space<semaphore_mem>>) src(%dma_wait3A_93 : memref<160000x8xf32, #tpu.memory_space<hbm>>) dst(%dma_wait3A_85 : memref<128x8xf32, #tpu.memory_space<vmem>>)
          %dma_wait3A_94 = arith.constant 0 : i32
          %dma_wait3A_95 = tpu.memref_slice %arg19[%mul3A_84, %dma_wait3A_94] : memref<640x8xf32, #tpu.memory_space<vmem>> -> memref<128x8xf32, #tpu.memory_space<vmem>>
          %dma_wait3A_96 = tpu.memref_slice %arg9[%add3A_82] : memref<16000xi32, #tpu.memory_space<vmem>> -> memref<128xi32, #tpu.memory_space<vmem>>
          %dma_wait3A_97 = arith.constant 0 : i32
          %dma_wait3A_98 = arith.constant 0 : i32
          %dma_wait3A_99 = tpu.memref_slice %arg7[%arg0, %dma_wait3A_97, %dma_wait3A_98] : memref<2x160000x8xf32, #tpu.memory_space<hbm>> -> memref<1x160000x8xf32, #tpu.memory_space<hbm>>
          %dma_wait3A_100 = tpu.memref_squeeze %dma_wait3A_99 : memref<1x160000x8xf32, #tpu.memory_space<hbm>> -> memref<160000x8xf32, #tpu.memory_space<hbm>>
          %dma_wait3A_101 = arith.constant 0 : i32
          %dma_wait3A_102 = arith.constant 0 : i32
          %dma_wait3A_103 = tpu.memref_slice %dma_wait3A_100[%dma_wait3A_101, %dma_wait3A_102] : memref<160000x8xf32, #tpu.memory_space<hbm>> -> memref<160000x8xf32, #tpu.memory_space<hbm>>
          tpu.wait_indirect_dma semaphore(%arg21 : memref<!tpu.dma_semaphore, #tpu.memory_space<semaphore_mem>>) src(%dma_wait3A_103 : memref<160000x8xf32, #tpu.memory_space<hbm>>) dst(%dma_wait3A_95 : memref<128x8xf32, #tpu.memory_space<vmem>>)
        }
        %scan3A_73 = arith.constant 5 : i32
        %parallel_loop3A_74 = arith.constant 0 : i32
        %parallel_loop3A_75 = arith.constant 40 : i32
        %parallel_loop3A_76 = arith.constant 1 : i32
        scf.for %parallel_loop3A_77 = %parallel_loop3A_74 to %parallel_loop3A_75 step %parallel_loop3A_76  : i32 {
          %parallel_loop3A_78 = tpu.iota {dimensions = array<i32: 0>} : vector<16xi32>
          %parallel_loop3A_79 = arith.constant 16 : i32
          %parallel_loop3A_80 = arith.muli %parallel_loop3A_77, %parallel_loop3A_79 : i32
          %parallel_loop3A_81 = vector.broadcast %parallel_loop3A_80 : i32 to vector<16xi32>
          %parallel_loop3A_82 = arith.addi %parallel_loop3A_78, %parallel_loop3A_81 : vector<16xi32>
          %parallel_loop3A_83 = arith.constant 0 : i32
          %parallel_loop3A_84 = vector.broadcast %parallel_loop3A_83 : i32 to vector<16xi32>
          %parallel_loop3A_85 = tpu.vector_load_idx %arg18[%parallel_loop3A_82, %parallel_loop3A_84] : memref<640x8xf32, #tpu.memory_space<vmem>>[vector<16xi32>, vector<16xi32>], vector<16xf32>,
          %parallel_loop3A_86 = arith.constant 1 : i32
          %parallel_loop3A_87 = vector.broadcast %parallel_loop3A_86 : i32 to vector<16xi32>
          %parallel_loop3A_88 = tpu.vector_load_idx %arg18[%parallel_loop3A_82, %parallel_loop3A_87] : memref<640x8xf32, #tpu.memory_space<vmem>>[vector<16xi32>, vector<16xi32>], vector<16xf32>,
          %parallel_loop3A_89 = arith.constant 2 : i32
          %parallel_loop3A_90 = vector.broadcast %parallel_loop3A_89 : i32 to vector<16xi32>
          %parallel_loop3A_91 = tpu.vector_load_idx %arg18[%parallel_loop3A_82, %parallel_loop3A_90] : memref<640x8xf32, #tpu.memory_space<vmem>>[vector<16xi32>, vector<16xi32>], vector<16xf32>,
          %parallel_loop3A_92 = arith.constant 3 : i32
          %parallel_loop3A_93 = vector.broadcast %parallel_loop3A_92 : i32 to vector<16xi32>
          %parallel_loop3A_94 = tpu.vector_load_idx %arg18[%parallel_loop3A_82, %parallel_loop3A_93] : memref<640x8xf32, #tpu.memory_space<vmem>>[vector<16xi32>, vector<16xi32>], vector<16xf32>,
          %parallel_loop3A_95 = arith.constant 0 : i32
          %parallel_loop3A_96 = vector.broadcast %parallel_loop3A_95 : i32 to vector<16xi32>
          %parallel_loop3A_97 = tpu.vector_load_idx %arg19[%parallel_loop3A_82, %parallel_loop3A_96] : memref<640x8xf32, #tpu.memory_space<vmem>>[vector<16xi32>, vector<16xi32>], vector<16xf32>,
          %parallel_loop3A_98 = arith.constant 1 : i32
          %parallel_loop3A_99 = vector.broadcast %parallel_loop3A_98 : i32 to vector<16xi32>
          %parallel_loop3A_100 = tpu.vector_load_idx %arg19[%parallel_loop3A_82, %parallel_loop3A_99] : memref<640x8xf32, #tpu.memory_space<vmem>>[vector<16xi32>, vector<16xi32>], vector<16xf32>,
          %parallel_loop3A_101 = arith.constant 2 : i32
          %parallel_loop3A_102 = vector.broadcast %parallel_loop3A_101 : i32 to vector<16xi32>
          %parallel_loop3A_103 = tpu.vector_load_idx %arg19[%parallel_loop3A_82, %parallel_loop3A_102] : memref<640x8xf32, #tpu.memory_space<vmem>>[vector<16xi32>, vector<16xi32>], vector<16xf32>,
          %parallel_loop3A_104 = arith.constant 3 : i32
          %parallel_loop3A_105 = vector.broadcast %parallel_loop3A_104 : i32 to vector<16xi32>
          %parallel_loop3A_106 = tpu.vector_load_idx %arg19[%parallel_loop3A_82, %parallel_loop3A_105] : memref<640x8xf32, #tpu.memory_space<vmem>>[vector<16xi32>, vector<16xi32>], vector<16xf32>,
          %parallel_loop3A_107 = arith.mulf %parallel_loop3A_85, %parallel_loop3A_97 : vector<16xf32>
          %parallel_loop3A_108 = arith.mulf %parallel_loop3A_88, %parallel_loop3A_100 : vector<16xf32>
          %parallel_loop3A_109 = arith.addf %parallel_loop3A_107, %parallel_loop3A_108 : vector<16xf32>
          %parallel_loop3A_110 = arith.mulf %parallel_loop3A_91, %parallel_loop3A_103 : vector<16xf32>
          %parallel_loop3A_111 = arith.addf %parallel_loop3A_109, %parallel_loop3A_110 : vector<16xf32>
          %parallel_loop3A_112 = arith.mulf %parallel_loop3A_94, %parallel_loop3A_106 : vector<16xf32>
          %parallel_loop3A_113 = arith.constant 1.000000e-10 : f32
          %parallel_loop3A_114 = vector.broadcast %parallel_loop3A_113 : f32 to vector<16xf32>
          %parallel_loop3A_115 = arith.maximumf %parallel_loop3A_112, %parallel_loop3A_114 : vector<16xf32>
          %parallel_loop3A_116 = tpu.bitcast %parallel_loop3A_115 : vector<16xf32> -> vector<16xi32>
          %parallel_loop3A_117 = arith.constant 2129859011 : i32
          %parallel_loop3A_118 = vector.broadcast %parallel_loop3A_117 : i32 to vector<16xi32>
          %parallel_loop3A_119 = arith.subi %parallel_loop3A_118, %parallel_loop3A_116 : vector<16xi32>
          %parallel_loop3A_120 = tpu.bitcast %parallel_loop3A_119 : vector<16xi32> -> vector<16xf32>
          %parallel_loop3A_121 = arith.mulf %parallel_loop3A_115, %parallel_loop3A_120 : vector<16xf32>
          %parallel_loop3A_122 = arith.constant 2.000000e+00 : f32
          %parallel_loop3A_123 = vector.broadcast %parallel_loop3A_122 : f32 to vector<16xf32>
          %parallel_loop3A_124 = arith.subf %parallel_loop3A_123, %parallel_loop3A_121 : vector<16xf32>
          %parallel_loop3A_125 = arith.mulf %parallel_loop3A_120, %parallel_loop3A_124 : vector<16xf32>
          %parallel_loop3A_126 = arith.mulf %parallel_loop3A_115, %parallel_loop3A_125 : vector<16xf32>
          %parallel_loop3A_127 = arith.constant 2.000000e+00 : f32
          %parallel_loop3A_128 = vector.broadcast %parallel_loop3A_127 : f32 to vector<16xf32>
          %parallel_loop3A_129 = arith.subf %parallel_loop3A_128, %parallel_loop3A_126 : vector<16xf32>
          %parallel_loop3A_130 = arith.mulf %parallel_loop3A_125, %parallel_loop3A_129 : vector<16xf32>
          %parallel_loop3A_131 = arith.constant 0.949999988 : f32
          %parallel_loop3A_132 = vector.broadcast %parallel_loop3A_131 : f32 to vector<16xf32>
          %parallel_loop3A_133 = arith.mulf %parallel_loop3A_132, %parallel_loop3A_111 : vector<16xf32>
          %parallel_loop3A_134 = arith.mulf %parallel_loop3A_133, %parallel_loop3A_130 : vector<16xf32>
          %parallel_loop3A_135 = math.absf %parallel_loop3A_134 : vector<16xf32>
          %parallel_loop3A_136 = arith.constant 1.000000e+00 : f32
          %parallel_loop3A_137 = vector.broadcast %parallel_loop3A_136 : f32 to vector<16xf32>
          %parallel_loop3A_138 = arith.subf %parallel_loop3A_137, %parallel_loop3A_135 : vector<16xf32>
          %parallel_loop3A_139 = tpu.bitcast %parallel_loop3A_138 : vector<16xf32> -> vector<16xi32>
          %parallel_loop3A_140 = arith.constant 1 : i32
          %parallel_loop3A_141 = vector.broadcast %parallel_loop3A_140 : i32 to vector<16xi32>
          %parallel_loop3A_142 = arith.shrsi %parallel_loop3A_139, %parallel_loop3A_141 : vector<16xi32>
          %parallel_loop3A_143 = arith.constant 1597463007 : i32
          %parallel_loop3A_144 = vector.broadcast %parallel_loop3A_143 : i32 to vector<16xi32>
          %parallel_loop3A_145 = arith.subi %parallel_loop3A_144, %parallel_loop3A_142 : vector<16xi32>
          %parallel_loop3A_146 = tpu.bitcast %parallel_loop3A_145 : vector<16xi32> -> vector<16xf32>
          %parallel_loop3A_147 = arith.constant 5.000000e-01 : f32
          %parallel_loop3A_148 = vector.broadcast %parallel_loop3A_147 : f32 to vector<16xf32>
          %parallel_loop3A_149 = arith.mulf %parallel_loop3A_148, %parallel_loop3A_138 : vector<16xf32>
          %parallel_loop3A_150 = arith.mulf %parallel_loop3A_149, %parallel_loop3A_146 : vector<16xf32>
          %parallel_loop3A_151 = arith.mulf %parallel_loop3A_150, %parallel_loop3A_146 : vector<16xf32>
          %parallel_loop3A_152 = arith.constant 1.500000e+00 : f32
          %parallel_loop3A_153 = vector.broadcast %parallel_loop3A_152 : f32 to vector<16xf32>
          %parallel_loop3A_154 = arith.subf %parallel_loop3A_153, %parallel_loop3A_151 : vector<16xf32>
          %parallel_loop3A_155 = arith.mulf %parallel_loop3A_146, %parallel_loop3A_154 : vector<16xf32>
          %parallel_loop3A_156 = arith.constant 5.000000e-01 : f32
          %parallel_loop3A_157 = vector.broadcast %parallel_loop3A_156 : f32 to vector<16xf32>
          %parallel_loop3A_158 = arith.mulf %parallel_loop3A_157, %parallel_loop3A_138 : vector<16xf32>
          %parallel_loop3A_159 = arith.mulf %parallel_loop3A_158, %parallel_loop3A_155 : vector<16xf32>
          %parallel_loop3A_160 = arith.mulf %parallel_loop3A_159, %parallel_loop3A_155 : vector<16xf32>
          %parallel_loop3A_161 = arith.constant 1.500000e+00 : f32
          %parallel_loop3A_162 = vector.broadcast %parallel_loop3A_161 : f32 to vector<16xf32>
          %parallel_loop3A_163 = arith.subf %parallel_loop3A_162, %parallel_loop3A_160 : vector<16xf32>
          %parallel_loop3A_164 = arith.mulf %parallel_loop3A_155, %parallel_loop3A_163 : vector<16xf32>
          %parallel_loop3A_165 = arith.mulf %parallel_loop3A_138, %parallel_loop3A_164 : vector<16xf32>
          %parallel_loop3A_166 = arith.constant -1.872930e-02 : f32
          %parallel_loop3A_167 = vector.broadcast %parallel_loop3A_166 : f32 to vector<16xf32>
          %parallel_loop3A_168 = arith.mulf %parallel_loop3A_167, %parallel_loop3A_135 : vector<16xf32>
          %parallel_loop3A_169 = arith.constant 7.426100e-02 : f32
          %parallel_loop3A_170 = vector.broadcast %parallel_loop3A_169 : f32 to vector<16xf32>
          %parallel_loop3A_171 = arith.addf %parallel_loop3A_168, %parallel_loop3A_170 : vector<16xf32>
          %parallel_loop3A_172 = arith.mulf %parallel_loop3A_171, %parallel_loop3A_135 : vector<16xf32>
          %parallel_loop3A_173 = arith.constant -0.212114394 : f32
          %parallel_loop3A_174 = vector.broadcast %parallel_loop3A_173 : f32 to vector<16xf32>
          %parallel_loop3A_175 = arith.addf %parallel_loop3A_172, %parallel_loop3A_174 : vector<16xf32>
          %parallel_loop3A_176 = arith.mulf %parallel_loop3A_175, %parallel_loop3A_135 : vector<16xf32>
          %parallel_loop3A_177 = arith.constant 1.57072878 : f32
          %parallel_loop3A_178 = vector.broadcast %parallel_loop3A_177 : f32 to vector<16xf32>
          %parallel_loop3A_179 = arith.addf %parallel_loop3A_176, %parallel_loop3A_178 : vector<16xf32>
          %parallel_loop3A_180 = arith.mulf %parallel_loop3A_165, %parallel_loop3A_179 : vector<16xf32>
          %parallel_loop3A_181 = arith.constant 0.000000e+00 : f32
          %parallel_loop3A_182 = vector.broadcast %parallel_loop3A_181 : f32 to vector<16xf32>
          %parallel_loop3A_183 = arith.cmpf olt, %parallel_loop3A_134, %parallel_loop3A_182 : vector<16xf32>
          %parallel_loop3A_184 = arith.constant 3.14159274 : f32
          %parallel_loop3A_185 = vector.broadcast %parallel_loop3A_184 : f32 to vector<16xf32>
          %parallel_loop3A_186 = arith.subf %parallel_loop3A_185, %parallel_loop3A_180 : vector<16xf32>
          %parallel_loop3A_187 = arith.select %parallel_loop3A_183, %parallel_loop3A_186, %parallel_loop3A_180 : vector<16xi1>, vector<16xf32>
          %parallel_loop3A_188 = arith.constant 640 : i32
          %parallel_loop3A_189 = arith.muli %add3A_67, %parallel_loop3A_188 : i32
          %parallel_loop3A_190 = arith.constant 16 : i32
          %parallel_loop3A_191 = arith.muli %parallel_loop3A_77, %parallel_loop3A_190 : i32
          %parallel_loop3A_192 = arith.addi %parallel_loop3A_189, %parallel_loop3A_191 : i32
          %parallel_loop3A_193 = arith.index_cast %parallel_loop3A_192 : i32 to index
          %parallel_loop3A_194 = tpu.vector_load %arg10[%parallel_loop3A_193] {strides = array<i32>} : memref<16000xf32, #tpu.memory_space<vmem>>, vector<16xf32>,
          tpu.vector_store %arg10[%parallel_loop3A_193], %parallel_loop3A_187 {strides = array<i32>} : memref<16000xf32, #tpu.memory_space<vmem>>, vector<16xf32>,
        } {sc.loop_unroll_factor = 8 : i64, sc.parallel_access}
      }
      %scan3A_29 = arith.constant 12 : i32
      %scan3A_30 = arith.constant 0 : i32
      %scan3A_31 = arith.constant 0 : i32
      %scan3A_32 = arith.constant 5 : i32
      %scan3A_33 = arith.addi %scan3A_31, %scan3A_32 : i32
      %scan3A_34 = arith.constant 1 : i32
      scf.for %scan3A_38 = %scan3A_31 to %scan3A_33 step %scan3A_34  : i32 {
        %mul3A_39 = arith.constant 128 : i32
        %mul3A_40 = arith.muli %scan3A_38, %mul3A_39 : i32
        %add3A_41 = arith.constant 15360 : i32
        %add3A_42 = arith.addi %add3A_41, %mul3A_40 : i32
        %mul3A_43 = arith.constant 128 : i32
        %mul3A_44 = arith.muli %scan3A_38, %mul3A_43 : i32
        %dma_wait3A = arith.constant 0 : i32
        %dma_wait3A_45 = tpu.memref_slice %arg14[%mul3A_44, %dma_wait3A] : memref<640x8xf32, #tpu.memory_space<vmem>> -> memref<128x8xf32, #tpu.memory_space<vmem>>
        %dma_wait3A_46 = tpu.memref_slice %arg8[%add3A_42] : memref<16000xi32, #tpu.memory_space<vmem>> -> memref<128xi32, #tpu.memory_space<vmem>>
        %dma_wait3A_47 = arith.constant 0 : i32
        %dma_wait3A_48 = arith.constant 0 : i32
        %dma_wait3A_49 = tpu.memref_slice %arg7[%arg0, %dma_wait3A_47, %dma_wait3A_48] : memref<2x160000x8xf32, #tpu.memory_space<hbm>> -> memref<1x160000x8xf32, #tpu.memory_space<hbm>>
        %dma_wait3A_50 = tpu.memref_squeeze %dma_wait3A_49 : memref<1x160000x8xf32, #tpu.memory_space<hbm>> -> memref<160000x8xf32, #tpu.memory_space<hbm>>
        %dma_wait3A_51 = arith.constant 0 : i32
        %dma_wait3A_52 = arith.constant 0 : i32
        %dma_wait3A_53 = tpu.memref_slice %dma_wait3A_50[%dma_wait3A_51, %dma_wait3A_52] : memref<160000x8xf32, #tpu.memory_space<hbm>> -> memref<160000x8xf32, #tpu.memory_space<hbm>>
        tpu.wait_indirect_dma semaphore(%arg16 : memref<!tpu.dma_semaphore, #tpu.memory_space<semaphore_mem>>) src(%dma_wait3A_53 : memref<160000x8xf32, #tpu.memory_space<hbm>>) dst(%dma_wait3A_45 : memref<128x8xf32, #tpu.memory_space<vmem>>)
        %dma_wait3A_54 = arith.constant 0 : i32
        %dma_wait3A_55 = tpu.memref_slice %arg15[%mul3A_44, %dma_wait3A_54] : memref<640x8xf32, #tpu.memory_space<vmem>> -> memref<128x8xf32, #tpu.memory_space<vmem>>
        %dma_wait3A_56 = tpu.memref_slice %arg9[%add3A_42] : memref<16000xi32, #tpu.memory_space<vmem>> -> memref<128xi32, #tpu.memory_space<vmem>>
        %dma_wait3A_57 = arith.constant 0 : i32
        %dma_wait3A_58 = arith.constant 0 : i32
        %dma_wait3A_59 = tpu.memref_slice %arg7[%arg0, %dma_wait3A_57, %dma_wait3A_58] : memref<2x160000x8xf32, #tpu.memory_space<hbm>> -> memref<1x160000x8xf32, #tpu.memory_space<hbm>>
        %dma_wait3A_60 = tpu.memref_squeeze %dma_wait3A_59 : memref<1x160000x8xf32, #tpu.memory_space<hbm>> -> memref<160000x8xf32, #tpu.memory_space<hbm>>
        %dma_wait3A_61 = arith.constant 0 : i32
        %dma_wait3A_62 = arith.constant 0 : i32
        %dma_wait3A_63 = tpu.memref_slice %dma_wait3A_60[%dma_wait3A_61, %dma_wait3A_62] : memref<160000x8xf32, #tpu.memory_space<hbm>> -> memref<160000x8xf32, #tpu.memory_space<hbm>>
        tpu.wait_indirect_dma semaphore(%arg17 : memref<!tpu.dma_semaphore, #tpu.memory_space<semaphore_mem>>) src(%dma_wait3A_63 : memref<160000x8xf32, #tpu.memory_space<hbm>>) dst(%dma_wait3A_55 : memref<128x8xf32, #tpu.memory_space<vmem>>)
      }
      %scan3A_35 = arith.constant 5 : i32
      %parallel_loop3A = arith.constant 0 : i32
      %parallel_loop3A_36 = arith.constant 40 : i32
      %parallel_loop3A_37 = arith.constant 1 : i32
      scf.for %parallel_loop3A_38 = %parallel_loop3A to %parallel_loop3A_36 step %parallel_loop3A_37  : i32 {
        %parallel_loop3A_39 = tpu.iota {dimensions = array<i32: 0>} : vector<16xi32>
        %parallel_loop3A_40 = arith.constant 16 : i32
        %parallel_loop3A_41 = arith.muli %parallel_loop3A_38, %parallel_loop3A_40 : i32
        %parallel_loop3A_42 = vector.broadcast %parallel_loop3A_41 : i32 to vector<16xi32>
        %parallel_loop3A_43 = arith.addi %parallel_loop3A_39, %parallel_loop3A_42 : vector<16xi32>
        %parallel_loop3A_44 = arith.constant 0 : i32
        %parallel_loop3A_45 = vector.broadcast %parallel_loop3A_44 : i32 to vector<16xi32>
        %parallel_loop3A_46 = tpu.vector_load_idx %arg14[%parallel_loop3A_43, %parallel_loop3A_45] : memref<640x8xf32, #tpu.memory_space<vmem>>[vector<16xi32>, vector<16xi32>], vector<16xf32>,
        %parallel_loop3A_47 = arith.constant 1 : i32
        %parallel_loop3A_48 = vector.broadcast %parallel_loop3A_47 : i32 to vector<16xi32>
        %parallel_loop3A_49 = tpu.vector_load_idx %arg14[%parallel_loop3A_43, %parallel_loop3A_48] : memref<640x8xf32, #tpu.memory_space<vmem>>[vector<16xi32>, vector<16xi32>], vector<16xf32>,
        %parallel_loop3A_50 = arith.constant 2 : i32
        %parallel_loop3A_51 = vector.broadcast %parallel_loop3A_50 : i32 to vector<16xi32>
        %parallel_loop3A_52 = tpu.vector_load_idx %arg14[%parallel_loop3A_43, %parallel_loop3A_51] : memref<640x8xf32, #tpu.memory_space<vmem>>[vector<16xi32>, vector<16xi32>], vector<16xf32>,
        %parallel_loop3A_53 = arith.constant 3 : i32
        %parallel_loop3A_54 = vector.broadcast %parallel_loop3A_53 : i32 to vector<16xi32>
        %parallel_loop3A_55 = tpu.vector_load_idx %arg14[%parallel_loop3A_43, %parallel_loop3A_54] : memref<640x8xf32, #tpu.memory_space<vmem>>[vector<16xi32>, vector<16xi32>], vector<16xf32>,
        %parallel_loop3A_56 = arith.constant 0 : i32
        %parallel_loop3A_57 = vector.broadcast %parallel_loop3A_56 : i32 to vector<16xi32>
        %parallel_loop3A_58 = tpu.vector_load_idx %arg15[%parallel_loop3A_43, %parallel_loop3A_57] : memref<640x8xf32, #tpu.memory_space<vmem>>[vector<16xi32>, vector<16xi32>], vector<16xf32>,
        %parallel_loop3A_59 = arith.constant 1 : i32
        %parallel_loop3A_60 = vector.broadcast %parallel_loop3A_59 : i32 to vector<16xi32>
        %parallel_loop3A_61 = tpu.vector_load_idx %arg15[%parallel_loop3A_43, %parallel_loop3A_60] : memref<640x8xf32, #tpu.memory_space<vmem>>[vector<16xi32>, vector<16xi32>], vector<16xf32>,
        %parallel_loop3A_62 = arith.constant 2 : i32
        %parallel_loop3A_63 = vector.broadcast %parallel_loop3A_62 : i32 to vector<16xi32>
        %parallel_loop3A_64 = tpu.vector_load_idx %arg15[%parallel_loop3A_43, %parallel_loop3A_63] : memref<640x8xf32, #tpu.memory_space<vmem>>[vector<16xi32>, vector<16xi32>], vector<16xf32>,
        %parallel_loop3A_65 = arith.constant 3 : i32
        %parallel_loop3A_66 = vector.broadcast %parallel_loop3A_65 : i32 to vector<16xi32>
        %parallel_loop3A_67 = tpu.vector_load_idx %arg15[%parallel_loop3A_43, %parallel_loop3A_66] : memref<640x8xf32, #tpu.memory_space<vmem>>[vector<16xi32>, vector<16xi32>], vector<16xf32>,
        %parallel_loop3A_68 = arith.mulf %parallel_loop3A_46, %parallel_loop3A_58 : vector<16xf32>
        %parallel_loop3A_69 = arith.mulf %parallel_loop3A_49, %parallel_loop3A_61 : vector<16xf32>
        %parallel_loop3A_70 = arith.addf %parallel_loop3A_68, %parallel_loop3A_69 : vector<16xf32>
        %parallel_loop3A_71 = arith.mulf %parallel_loop3A_52, %parallel_loop3A_64 : vector<16xf32>
        %parallel_loop3A_72 = arith.addf %parallel_loop3A_70, %parallel_loop3A_71 : vector<16xf32>
        %parallel_loop3A_73 = arith.mulf %parallel_loop3A_55, %parallel_loop3A_67 : vector<16xf32>
        %parallel_loop3A_74 = arith.constant 1.000000e-10 : f32
        %parallel_loop3A_75 = vector.broadcast %parallel_loop3A_74 : f32 to vector<16xf32>
        %parallel_loop3A_76 = arith.maximumf %parallel_loop3A_73, %parallel_loop3A_75 : vector<16xf32>
        %parallel_loop3A_77 = tpu.bitcast %parallel_loop3A_76 : vector<16xf32> -> vector<16xi32>
        %parallel_loop3A_78 = arith.constant 2129859011 : i32
        %parallel_loop3A_79 = vector.broadcast %parallel_loop3A_78 : i32 to vector<16xi32>
        %parallel_loop3A_80 = arith.subi %parallel_loop3A_79, %parallel_loop3A_77 : vector<16xi32>
        %parallel_loop3A_81 = tpu.bitcast %parallel_loop3A_80 : vector<16xi32> -> vector<16xf32>
        %parallel_loop3A_82 = arith.mulf %parallel_loop3A_76, %parallel_loop3A_81 : vector<16xf32>
        %parallel_loop3A_83 = arith.constant 2.000000e+00 : f32
        %parallel_loop3A_84 = vector.broadcast %parallel_loop3A_83 : f32 to vector<16xf32>
        %parallel_loop3A_85 = arith.subf %parallel_loop3A_84, %parallel_loop3A_82 : vector<16xf32>
        %parallel_loop3A_86 = arith.mulf %parallel_loop3A_81, %parallel_loop3A_85 : vector<16xf32>
        %parallel_loop3A_87 = arith.mulf %parallel_loop3A_76, %parallel_loop3A_86 : vector<16xf32>
        %parallel_loop3A_88 = arith.constant 2.000000e+00 : f32
        %parallel_loop3A_89 = vector.broadcast %parallel_loop3A_88 : f32 to vector<16xf32>
        %parallel_loop3A_90 = arith.subf %parallel_loop3A_89, %parallel_loop3A_87 : vector<16xf32>
        %parallel_loop3A_91 = arith.mulf %parallel_loop3A_86, %parallel_loop3A_90 : vector<16xf32>
        %parallel_loop3A_92 = arith.constant 0.949999988 : f32
        %parallel_loop3A_93 = vector.broadcast %parallel_loop3A_92 : f32 to vector<16xf32>
        %parallel_loop3A_94 = arith.mulf %parallel_loop3A_93, %parallel_loop3A_72 : vector<16xf32>
        %parallel_loop3A_95 = arith.mulf %parallel_loop3A_94, %parallel_loop3A_91 : vector<16xf32>
        %parallel_loop3A_96 = math.absf %parallel_loop3A_95 : vector<16xf32>
        %parallel_loop3A_97 = arith.constant 1.000000e+00 : f32
        %parallel_loop3A_98 = vector.broadcast %parallel_loop3A_97 : f32 to vector<16xf32>
        %parallel_loop3A_99 = arith.subf %parallel_loop3A_98, %parallel_loop3A_96 : vector<16xf32>
        %parallel_loop3A_100 = tpu.bitcast %parallel_loop3A_99 : vector<16xf32> -> vector<16xi32>
        %parallel_loop3A_101 = arith.constant 1 : i32
        %parallel_loop3A_102 = vector.broadcast %parallel_loop3A_101 : i32 to vector<16xi32>
        %parallel_loop3A_103 = arith.shrsi %parallel_loop3A_100, %parallel_loop3A_102 : vector<16xi32>
        %parallel_loop3A_104 = arith.constant 1597463007 : i32
        %parallel_loop3A_105 = vector.broadcast %parallel_loop3A_104 : i32 to vector<16xi32>
        %parallel_loop3A_106 = arith.subi %parallel_loop3A_105, %parallel_loop3A_103 : vector<16xi32>
        %parallel_loop3A_107 = tpu.bitcast %parallel_loop3A_106 : vector<16xi32> -> vector<16xf32>
        %parallel_loop3A_108 = arith.constant 5.000000e-01 : f32
        %parallel_loop3A_109 = vector.broadcast %parallel_loop3A_108 : f32 to vector<16xf32>
        %parallel_loop3A_110 = arith.mulf %parallel_loop3A_109, %parallel_loop3A_99 : vector<16xf32>
        %parallel_loop3A_111 = arith.mulf %parallel_loop3A_110, %parallel_loop3A_107 : vector<16xf32>
        %parallel_loop3A_112 = arith.mulf %parallel_loop3A_111, %parallel_loop3A_107 : vector<16xf32>
        %parallel_loop3A_113 = arith.constant 1.500000e+00 : f32
        %parallel_loop3A_114 = vector.broadcast %parallel_loop3A_113 : f32 to vector<16xf32>
        %parallel_loop3A_115 = arith.subf %parallel_loop3A_114, %parallel_loop3A_112 : vector<16xf32>
        %parallel_loop3A_116 = arith.mulf %parallel_loop3A_107, %parallel_loop3A_115 : vector<16xf32>
        %parallel_loop3A_117 = arith.constant 5.000000e-01 : f32
        %parallel_loop3A_118 = vector.broadcast %parallel_loop3A_117 : f32 to vector<16xf32>
        %parallel_loop3A_119 = arith.mulf %parallel_loop3A_118, %parallel_loop3A_99 : vector<16xf32>
        %parallel_loop3A_120 = arith.mulf %parallel_loop3A_119, %parallel_loop3A_116 : vector<16xf32>
        %parallel_loop3A_121 = arith.mulf %parallel_loop3A_120, %parallel_loop3A_116 : vector<16xf32>
        %parallel_loop3A_122 = arith.constant 1.500000e+00 : f32
        %parallel_loop3A_123 = vector.broadcast %parallel_loop3A_122 : f32 to vector<16xf32>
        %parallel_loop3A_124 = arith.subf %parallel_loop3A_123, %parallel_loop3A_121 : vector<16xf32>
        %parallel_loop3A_125 = arith.mulf %parallel_loop3A_116, %parallel_loop3A_124 : vector<16xf32>
        %parallel_loop3A_126 = arith.mulf %parallel_loop3A_99, %parallel_loop3A_125 : vector<16xf32>
        %parallel_loop3A_127 = arith.constant -1.872930e-02 : f32
        %parallel_loop3A_128 = vector.broadcast %parallel_loop3A_127 : f32 to vector<16xf32>
        %parallel_loop3A_129 = arith.mulf %parallel_loop3A_128, %parallel_loop3A_96 : vector<16xf32>
        %parallel_loop3A_130 = arith.constant 7.426100e-02 : f32
        %parallel_loop3A_131 = vector.broadcast %parallel_loop3A_130 : f32 to vector<16xf32>
        %parallel_loop3A_132 = arith.addf %parallel_loop3A_129, %parallel_loop3A_131 : vector<16xf32>
        %parallel_loop3A_133 = arith.mulf %parallel_loop3A_132, %parallel_loop3A_96 : vector<16xf32>
        %parallel_loop3A_134 = arith.constant -0.212114394 : f32
        %parallel_loop3A_135 = vector.broadcast %parallel_loop3A_134 : f32 to vector<16xf32>
        %parallel_loop3A_136 = arith.addf %parallel_loop3A_133, %parallel_loop3A_135 : vector<16xf32>
        %parallel_loop3A_137 = arith.mulf %parallel_loop3A_136, %parallel_loop3A_96 : vector<16xf32>
        %parallel_loop3A_138 = arith.constant 1.57072878 : f32
        %parallel_loop3A_139 = vector.broadcast %parallel_loop3A_138 : f32 to vector<16xf32>
        %parallel_loop3A_140 = arith.addf %parallel_loop3A_137, %parallel_loop3A_139 : vector<16xf32>
        %parallel_loop3A_141 = arith.mulf %parallel_loop3A_126, %parallel_loop3A_140 : vector<16xf32>
        %parallel_loop3A_142 = arith.constant 0.000000e+00 : f32
        %parallel_loop3A_143 = vector.broadcast %parallel_loop3A_142 : f32 to vector<16xf32>
        %parallel_loop3A_144 = arith.cmpf olt, %parallel_loop3A_95, %parallel_loop3A_143 : vector<16xf32>
        %parallel_loop3A_145 = arith.constant 3.14159274 : f32
        %parallel_loop3A_146 = vector.broadcast %parallel_loop3A_145 : f32 to vector<16xf32>
        %parallel_loop3A_147 = arith.subf %parallel_loop3A_146, %parallel_loop3A_141 : vector<16xf32>
        %parallel_loop3A_148 = arith.select %parallel_loop3A_144, %parallel_loop3A_147, %parallel_loop3A_141 : vector<16xi1>, vector<16xf32>
        %parallel_loop3A_149 = arith.constant 16 : i32
        %parallel_loop3A_150 = arith.muli %parallel_loop3A_38, %parallel_loop3A_149 : i32
        %parallel_loop3A_151 = arith.constant 15360 : i32
        %parallel_loop3A_152 = arith.addi %parallel_loop3A_151, %parallel_loop3A_150 : i32
        %parallel_loop3A_153 = arith.index_cast %parallel_loop3A_152 : i32 to index
        %parallel_loop3A_154 = tpu.vector_load %arg10[%parallel_loop3A_153] {strides = array<i32>} : memref<16000xf32, #tpu.memory_space<vmem>>, vector<16xf32>,
        tpu.vector_store %arg10[%parallel_loop3A_153], %parallel_loop3A_148 {strides = array<i32>} : memref<16000xf32, #tpu.memory_space<vmem>>, vector<16xf32>,
      } {sc.loop_unroll_factor = 8 : i64, sc.parallel_access}
      "tpu.region"() ({
        %run_scoped3A = tpu.sem_alloc : memref<!tpu.dma_semaphore, #tpu.memory_space<semaphore_mem>>
        %dma_start3A = tpu.memref_slice %arg6[%add3A_17] : memref<2560000xf32, #tpu.memory_space<hbm>> -> memref<16000xf32, #tpu.memory_space<hbm>>
        %dma_start3A_38 = tpu.memref_slice %arg6[%add3A_17] : memref<2560000xf32, #tpu.memory_space<hbm>> -> memref<16000xf32, #tpu.memory_space<hbm>>
        tpu.enqueue_dma source(%arg10 : memref<16000xf32, #tpu.memory_space<vmem>>) target(%dma_start3A_38 : memref<16000xf32, #tpu.memory_space<hbm>>) target_semaphore(%run_scoped3A : memref<!tpu.dma_semaphore, #tpu.memory_space<semaphore_mem>>)
        %dma_wait3A = tpu.memref_slice %arg6[%add3A_17] : memref<2560000xf32, #tpu.memory_space<hbm>> -> memref<16000xf32, #tpu.memory_space<hbm>>
        %dma_wait3A_39 = tpu.memref_slice %arg6[%add3A_17] : memref<2560000xf32, #tpu.memory_space<hbm>> -> memref<16000xf32, #tpu.memory_space<hbm>>
        tpu.wait_dma2 semaphore(%run_scoped3A : memref<!tpu.dma_semaphore, #tpu.memory_space<semaphore_mem>>) src(%arg10 : memref<16000xf32, #tpu.memory_space<vmem>>) dst(%dma_wait3A_39 : memref<16000xf32, #tpu.memory_space<hbm>>)
        tpu.yield
      }) : () -> ()
    }
    %scan3A_13 = arith.constant 5 : i32
    return
  }
}

</mosaic_0001>

<sc_bundles>
// kernel: kernel.3.cloned.1.call-start
scs
__scs_entry_jumppad:
0x0: {  	(pc) =	sbr.rel $0x88, $3  }
0x1: {  	(tag) =	ssettag $0x0;
	lr =	simm.s32 $0x1  }
0x2: {  	[smem:$0x3F9D] =	sst lr;
	_ =	strace $0xD0000000  }
0x3: {  	_ = 	snop  }
0x4: {  	_ = 	snop  }
0x5: {  	_ = 	snop  }
0x6: {  	_ = 	snop  }
0x7: {  	_ = 	snop  }
__scs_overlays_trampoline_lowered:
0x8: {  	[smem:$0x3FAC] =	sst s0  }
0x9: {  	[smem:$0x3FAD] =	sst s1  }
0xa: {  	[smem:$0x3FAE] =	sst s2  }
0xb: {  	[smem:$0x3FAF] =	sst s3  }
0xc: {  	[smem:$0x3FB0] =	sst s4  }
0xd: {  	[smem:$0x3FB1] =	sst s5  }
0xe: {  	[smem:$0x3FB2] =	sst s6  }
0xf: {  	[smem:$0x3FB3] =	sst s7  }
0x10: {  	[smem:$0x3FB4] =	sst s8  }
0x11: {  	[smem:$0x3FB5] =	sst s9;
	s0 =	simm.s32 @!p0 $0x0  }
0x12: {  	s1 =	sld [smem:$0x3F9B];
	s0 =	simm.s32 @p0 $0x1  }
0x13: {  	[smem:$0x3FB6] =	sst s0;
	s0 =	simm.s32 @!p1 $0x0  }
0x14: {  	s2 =	sld [smem:$0x3F9A];
	s0 =	simm.s32 @p1 $0x1  }
0x15: {  	[smem:$0x3FB7] =	sst s0;
	s0 =	simm.s32 @!p2 $0x0  }
0x16: {  	s3 =	sld [smem:$0x3FDB];
	s0 =	simm.s32 @p2 $0x1  }
0x17: {  	s4 =	simm.s32 $0x1BF5;
	[smem:$0x3FB9] =	sst s0  }
0x18: {  	s0 =	sld [smem:$0x3F9C];
	_ =	swait.ge [sflag:s4], $0x0  }
0x19: {  	s7 =	sld [smem:$0x3F9D]  }
0x1a: {  	s8 =	sadd.s32 $0xFFFFE003, lr  }
0x1b: {  	s9 =	sadd.s32 $0xFFFFFEF7, lr;
	s5 =	simm.s32 $0xFFFFFFFF;
	p2 =	slt.u32 s8, $0xFFFFF086  }
0x1c: {  	p1 =	slt.u32 s9, $0xF7A;
	s5 =	simm.s32 @!p2 $0x0  }
0x1d: {  	s5 =	simm.s32 @p1 $0x1;
	p0 =	seq.s32 s7, s2  }
0x1e: {  	s7 =	smul.u32 @!p0 $0xF7A, s2;
	p2 =	seq.s32 @!p0 s5, $0x0  }
0x1f: {  	s9 =	smul.u32 $0xF7A, s1;
	s8 =	simm.s32 @!p0 $0x1BF5;
	p2 =	por !p2, p0  }
0x20: {  	[sflag:s8] =	ssyncset.s32 @!p0 $0xFFFFF086;
	s6 =	sadd.s32 @!p0 s3, s7;
	s7 =	simm.s32 @!p0 $0x108  }
0x21: {  	s3 =	sadd.s32 s3, s9;
	s6 =	sadd.s32 @!p0 $0x88, s6;
	s7 =	simm.s32 @p2 $0x1082  }
0x22: {  	[simem:s7], [sflag:s8] =	dma.local @!p0 [hbm:s6], $0xF7A  }
0x23: {  	s9 =	sor.u32 $0xD0000000, s2;
	s6 =	simm.s32 $0x108;
	_ =	swait.ge @!p0 [sflag:s8], $0x0  }
0x24: {  	s3 =	sadd.s32 $0x88, s3;
	s6 =	simm.s32 @!p1 $0x1082;
	[sflag:s4] =	ssyncset.s32 $0xFFFFF086  }
0x25: {  	[simem:s6], [sflag:s4] =	dma.local [hbm:s3], $0xF7A  }
0x26: {  	[smem:$0x3F9D] =	sst s1;
	(tag) =	ssettag s2;
	_ =	strace s9  }
0x27: {  	s1 =	sld [smem:$0x3FAD]  }
0x28: {  	s2 =	sld [smem:$0x3FAE]  }
0x29: {  	s4 =	sld [smem:$0x3FB0]  }
0x2a: {  	p0 =	seq.s32 s5, $0x0;
	s5 =	sld [smem:$0x3FB1]  }
0x2b: {  	s6 =	sld [smem:$0x3FB2]  }
0x2c: {  	s7 =	sld [smem:$0x3FB3]  }
0x2d: {  	s3 =	simm.s32 $0x108;
	s8 =	sld [smem:$0x3FB4]  }
0x2e: {  	s3 =	simm.s32 @!p0 $0x1082;
	s9 =	sld [smem:$0x3FB5]  }
0x2f: {  	lr =	sadd.s32 s0, s3;
	s0 =	sld [smem:$0x3FAC]  }
0x30: {  	s3 =	sld [smem:$0x3FAF]  }
0x31: {  	[smem:$0x3FB8] =	sst s10  }
0x32: {  	s10 =	sld [smem:$0x3FB6];
	_ =	sdelay $0x3  }
0x33: {  	p0 =	seq.s32 s10, $0x1;
	s10 =	sld [smem:$0x3FB8];
	_ =	sdelay $0x3  }
0x34: {  	[smem:$0x3FB8] =	sst s10  }
0x35: {  	s10 =	sld [smem:$0x3FB7];
	_ =	sdelay $0x3  }
0x36: {  	p1 =	seq.s32 s10, $0x1;
	s10 =	sld [smem:$0x3FB8];
	_ =	sdelay $0x3  }
0x37: {  	[smem:$0x3FB8] =	sst s10  }
0x38: {  	s10 =	sld [smem:$0x3FB9]  }
0x39: {  	_ = 	snop;
	(pc) =	sbr.ind lr, $3  }
0x3a: {  	_ = 	snop  }
0x3b: {  	_ = 	snop  }
0x3c: {  	p2 =	seq.s32 s10, $0x1;
	s10 =	sld [smem:$0x3FB8]  }
0x3d: {  	_ =	shalt  }
0x3e: {  	_ =	shalt  }
0x3f: {  	_ =	shalt  }
0x40: {  	_ =	shalt  }
0x41: {  	_ =	shalt  }
0x42: {  	_ =	shalt  }
0x43: {  	_ =	shalt  }
0x44: {  	_ =	shalt  }
0x45: {  	_ =	shalt  }
0x46: {  	_ =	shalt  }
0x47: {  	_ =	shalt  }
0x48: {  	_ =	shalt  }
0x49: {  	_ =	shalt  }
0x4a: {  	_ =	shalt  }
0x4b: {  	_ =	shalt  }
0x4c: {  	_ =	shalt  }
0x4d: {  	_ =	shalt  }
0x4e: {  	_ =	shalt  }
0x4f: {  	_ =	shalt  }
0x50: {  	_ =	shalt  }
0x51: {  	_ =	shalt  }
0x52: {  	_ =	shalt  }
0x53: {  	_ =	shalt  }
0x54: {  	_ =	shalt  }
0x55: {  	_ =	shalt  }
0x56: {  	_ =	shalt  }
0x57: {  	_ =	shalt  }
0x58: {  	_ =	shalt  }
0x59: {  	_ =	shalt  }
0x5a: {  	_ =	shalt  }
0x5b: {  	_ =	shalt  }
0x5c: {  	_ =	shalt  }
0x5d: {  	_ =	shalt  }
0x5e: {  	_ =	shalt  }
0x5f: {  	_ =	shalt  }
0x60: {  	_ =	shalt  }
0x61: {  	_ =	shalt  }
0x62: {  	_ =	shalt  }
0x63: {  	_ =	shalt  }
0x64: {  	_ =	shalt  }
0x65: {  	_ =	shalt  }
0x66: {  	_ =	shalt  }
0x67: {  	_ =	shalt  }
0x68: {  	_ =	shalt  }
0x69: {  	_ =	shalt  }
0x6a: {  	_ =	shalt  }
0x6b: {  	_ =	shalt  }
0x6c: {  	_ =	shalt  }
0x6d: {  	_ =	shalt  }
0x6e: {  	_ =	shalt  }
0x6f: {  	_ =	shalt  }
0x70: {  	_ =	shalt  }
0x71: {  	_ =	shalt  }
0x72: {  	_ =	shalt  }
0x73: {  	_ =	shalt  }
0x74: {  	_ =	shalt  }
0x75: {  	_ =	shalt  }
0x76: {  	_ =	shalt  }
0x77: {  	_ =	shalt  }
0x78: {  	_ =	shalt  }
0x79: {  	_ =	shalt  }
0x7a: {  	_ =	shalt  }
0x7b: {  	_ =	shalt  }
0x7c: {  	_ =	shalt  }
0x7d: {  	_ =	shalt  }
0x7e: {  	_ =	shalt  }
0x7f: {  	_ =	shalt  }
0x80: {  	_ =	shalt  }
0x81: {  	_ =	shalt  }
0x82: {  	_ =	shalt  }
0x83: {  	_ =	shalt  }
0x84: {  	_ =	shalt  }
0x85: {  	_ =	shalt  }
0x86: {  	_ =	shalt  }
0x87: {  	_ =	shalt  }
.Lfunc_end0:
.L_simem_size_0:
called_computation_lowered:
.L_overlay_start_0:
0x88: {  	s2 =	sld [smem:$0x3FD9]  }
0x89: {  	s3 =	sld [smem:$0x3FFE];
	_ =	sdelay $0x1  }
0x8a: {  	s1 =	srdreg.scid  }
0x8b: {  	s0 =	sand.u32 $0x1, s1  }
0x8c: {  	s17 =	sshll.u32 s0, $0xA;
	s2 =	sadd.s32 s3, s2  }
0x8d: {  	s2 =	sadd.s32 s2, s17  }
0x8e: {  	[smem:$0x3FC4] =	sst s2  }
0x8f: {  	_ = 	snop  }
0x90: {  	s2 =	sld [smem:$0x3FC9]  }
0x91: {  	s18 =	sld [smem:$0x3FC7]  }
0x92: {  	s4 =	sld [smem:$0x3FC6]  }
0x93: {  	s5 =	sld [smem:$0x3FD0];
	(tm) =	ssettm $0x1  }
0x94: {  	s6 =	sld [smem:$0x3FFB];
	_ =	sdelay $0x3  }
0x95: {  	_ =	strace s6  }
0x96: {  	s6 =	sld [smem:$0x3FFC];
	_ =	sdelay $0x3  }
0x97: {  	_ =	strace s6  }
0x98: {  	s6 =	sld [smem:$0x3FFD];
	_ =	sdelay $0x3  }
0x99: {  	_ =	strace s6  }
0x9a: {  	_ =	strace $0x8FFFFFFF  }
0x9b: {  	s19 =	sld [smem:$0x3FDB];
	_ =	sdelay $0x1  }
0x9c: {  	s7 =	simm.s32 $_scs_section_size  }
0x9d: {  	s8 =	simm.s32 $_size__tile_overlayer_lowered;
	s9 =	simm.s32 $_tile_overlayer_lowered  }
0x9e: {  	s22 =	simm.s32 $0x1BFF;
	s21 =	sshll.u32 s9, $0x1;
	s6 =	sadd.s32 s7, s19  }
0x9f: {  	s10 =	simm.s32 $0x0;
	s20 =	sshll.u32 s8, $0x1;
	s8 =	sadd.s32 s21, s6  }
0xa0: {  	[timem:s10], [sflag:s22] =	dma.local [hbm:s8], s20  }
0xa1: {  	_ =	swait.ge [sflag:s22], s20  }
0xa2: {  	s7 =	ssub.s32 $0x0, s20;
	[sflag:s22] =	ssyncset.done $0x0  }
0xa3: {  	[sflag:s22] =	ssyncadd.s32 s7;
	_ =	sdelay $0x1  }
0xa4: {  	s23 =	simm.s32 $0x1B8B  }
0xa5: {  	_ =	swait.ge [sflag:s23], $0x1  }
0xa6: {  	[sflag:s23] =	ssyncset.done $0x0  }
0xa7: {  	s25 =	simm.s32 $0x1B8E;
	s24 =	sld [smem:$0x3FFE];
	[sflag:s23] =	ssyncadd.s32 $0xFFFFFFFF  }
0xa8: {  	s26 =	simm.s32 $execute0_lowered;
	[smem:$0x3FD2] =	sst s25  }
0xa9: {  	s8 =	sshll.u32 s26, $0x1;
	_ =	strace $0x80000046;
	[dreg:$0x1] =	wrdreg $0xFFFFFFFF  }
0xaa: {  	s28 =	simm.s32 $_size_execute0_lowered;
	s6 =	sadd.s32 s6, s8;
	[dreg:$0x0] =	wrdreg $0x0  }
0xab: {  	s8 =	sshll.u32 s28, $0x1;
	[dreg:$0x2] =	wrdreg s6  }
0xac: {  	[dreg:$0x3] =	wrdreg s8  }
0xad: {  	[dreg:$0x4] =	wrdreg $0xC0  }
0xae: {  	_ =	task [dreg:s10], $0x5FFFF  }
0xaf: {  	[dreg:$0x1] =	wrdreg $0xFFFFFFFF  }
0xb0: {  	[dreg:$0x0] =	wrdreg $0x60  }
0xb1: {  	[dreg:$0x2] =	wrdreg s2  }
0xb2: {  	[dreg:$0x3] =	wrdreg s24  }
0xb3: {  	[dreg:$0x4] =	wrdreg s18  }
0xb4: {  	[dreg:$0x5] =	wrdreg s4  }
0xb5: {  	[dreg:$0x6] =	wrdreg s5  }
0xb6: {  	[dreg:$0x7] =	wrdreg $0x9  }
0xb7: {  	_ =	task.clear_ibuf [dreg:s10], $0x8FFFF;
	_ =	strace $0x90000046  }
0xb8: {  	s29 =	simm.s32 $0x9;
	_ =	strace $0x80000048  }
0xb9: {  	_ =	swait.ge [sflag:s29], $0x1  }
0xba: {  	[sflag:s29] =	ssyncadd.s32 $0xFFFFFFFF  }
0xbb: {  	_ =	strace $0x90000048  }
0xbc: {  	_ =	sfence  }
0xbd: {  	s30 =	sld [smem:$0x0];
	_ =	sdelay $0x2  }
0xbe: {  	s31 =	sshll.u32 s1, $0xD;
	s1 =	sshrl.u32 s1, $0x2  }
0xbf: {  	s3 =	sand.u32 $0x4000, s31;
	s1 =	sadd.s32 s1, s30  }
0xc0: {  	s0 =	sor.u32 s3, s0;
	s1 =	sshll.u32 s1, $0x11  }
0xc1: {  	s0 =	sor.u32 s1, s0  }
0xc2: {  	s0 =	sadd.s32 $0x8F2B, s0  }
0xc3: {  	[sflag:s0] =	ssyncadd.remote.s32 $0x1  }
0xc4: {  	_ =	sfence.sel $0xFFFF  }
0xc5: {  	[dreg:$0x0] =	wrdreg $0xFFFFFFFF;
	(pc) =	sbr.abs _section_cstart, $3  }
0xc6: {  	[dreg:$0x1] =	wrdreg $0xFFFFFFFF  }
0xc7: {  	_ =	task.clear_ibuf [dreg:s10], $0x2FFFF;
	_ =	strace $0x9FFFFFFF  }
0xc8: {  	(tm) =	ssettm $0x7FFFFFFF  }
0xc9: {  	_ =	shalt  }
tec
execute0_lowered:
.L_overlay_start_1:
0x0: {  	(tag) =	ssettag $0x1  }
0x1: {  	v0 =	vimm.s32 $0x58585850  }
0x2: {  	v1 =	vimm.s32 $0x68606060;
	vm1 =	vcmask $0xF00;
	vm2 =	vcmask $0x1F10  }
0x3: {  	v2 =	vimm.s32 $0x70706868;
	v3 =	vimm.s32 $0x38383830;
	v4 =	vimm.s32 $0x48404040  }
0x4: {  	vm3 =	vcmask $0x2F20;
	vm0 =	vcmask $0x3330;
	vm4 =	vcmask $0x3730  }
0x5: {  	v5 =	vimm.s32 $0x24924924;
	vm11 =	vcmask $0x3B30;
	v6 =	vimm.s32 $0x92492492  }
0x6: {  	v7 =	vimm.s32 $0x3E28;
	vm8 =	vcmask $0x300;
	vm6 =	vcmask $0x704  }
0x7: {  	vm12 =	vcmask $0xF0C;
	vm5 =	vcmask $0x1310;
	vm13 =	vcmask $0x1714  }
0x8: {  	vm14 =	vcmask $0x1B18;
	vm7 =	vcmask $0x1F1C;
	v8 =	vimm.s32 $0x3E51  }
0x9: {  	v9 =	vimm.s32 $0x3E7A;
	vm15 =	vcmask $0x2320;
	v0 =	vunpack.c.0.s8.s32 v0  }
0xa: {  	v1 =	vunpack.c.0.s8.s32 v1;
	v2 =	vunpack.c.0.s8.s32 v2;
	v3 =	vunpack.c.0.s8.s32 v3  }
0xb: {  	v4 =	vunpack.c.0.s8.s32 v4;
	v5 =	vunpack.c.l.s2.s4 v5;
	v6 =	vunpack.c.l.s2.s4 v6  }
0xc: {  	v7 =	vsel vm8, $0x3E00, v7;
	v8 =	vsel vm8, $0x3E29, v8;
	v0 =	vnsel vm1, $0x78, v0  }
0xd: {  	v9 =	vsel vm8, $0x3E52, v9;
	v0 =	vsel vm2, v1, v0;
	v1 =	vimm.s32 $0x30302828  }
0xe: {  	v7 =	vsel vm6, $0x3E01, v7;
	v6 =	vunpack.c.l.s4.s8 v6;
	v1 =	vunpack.c.0.s8.s32 v1  }
0xf: {  	v8 =	vsel vm6, $0x3E2A, v8;
	v9 =	vsel vm6, $0x3E58, v9;
	v0 =	vsel vm3, v2, v0  }
0x10: {  	v2 =	vimm.s32 $0x8000000;
	v6 =	vunpack.c.0.s8.s32 v6;
	v1 =	vnsel vm1, $0x50, v1  }
0x11: {  	v2 =	vunpack.c.0.s8.s32 v2;
	v1 =	vsel vm2, v3, v1;
	v3 =	vimm.s32 $0x10100808  }
0x12: {  	v1 =	vsel vm3, v4, v1;
	v3 =	vunpack.c.0.s8.s32 v3;
	v4 =	vimm.s32 $0x18181810  }
0x13: {  	v0 =	vsel vm0, $0x70, v0;
	v2 =	vnsel vm1, $0x28, v2;
	v4 =	vunpack.c.0.s8.s32 v4  }
0x14: {  	v1 =	vsel vm4, $0x48, v1;
	v2 =	vsel vm2, v3, v2;
	v3 =	vlaneseq.u32  }
0x15: {  	v2 =	vsel vm3, v4, v2;
	v4 =	vunpack.c.l.s4.s8 v5;
	v5 =	vimm.s32 $0x49249249  }
0x16: {  	v60 =	vmul.u32 $0x8, v3;
	vm3 =	vcmask $0xB08;
	v2 =	vsel vm11, $0x20, v2  }
0x17: {  	v5 =	vunpack.c.l.s2.s4 v5;
	v7 =	vsel vm3, $0x3E02, v7;
	v8 =	vsel vm3, $0x3E30, v8  }
0x18: {  	v9 =	vsel vm3, $0x3E59, v9;
	vm11 =	vcmask $0x2724;
	v4 =	vunpack.c.0.s8.s32 v4  }
0x19: {  	v7 =	vsel vm12, $0x3E08, v7;
	v8 =	vsel vm12, $0x3E31, v8;
	v9 =	vsel vm12, $0x3E5A, v9  }
0x1a: {  	vm12 =	vcmask $0x2B28;
	v5 =	vunpack.c.l.s4.s8 v5;
	v7 =	vsel vm5, $0x3E09, v7  }
0x1b: {  	s23 =	rddreg [dreg:$0x0];
	v8 =	vsel vm5, $0x3E32, v8;
	v9 =	vsel vm5, $0x3E60, v9;
	v3 =	vand.u32 $0x3, v4  }
0x1c: {  	s0 =	rddreg [dreg:$0x1];
	s25 =	simm.s32 $0x0;
	s1 =	srdreg.scid;
	v7 =	vsel vm13, $0x3E0A, v7;
	v8 =	vsel vm13, $0x3E38, v8;
	v9 =	vsel vm13, $0x3E61, v9  }
0x1d: {  	s6 =	stileid.u32;
	s14 =	simm.s32 $0x5;
	s15 =	simm.s32 $0xDAC0;
	vm13 =	vcmask $0x2F2C;
	v5 =	vunpack.c.0.s8.s32 v5;
	v7 =	vsel vm14, $0x3E10, v7  }
0x1e: {  	s17 =	simm.s32 $0x80;
	s18 =	simm.s32 $0x11940;
	s19 =	simm.s32 $0x12D40;
	v8 =	vsel vm14, $0x3E39, v8;
	v9 =	vsel vm14, $0x3E62, v9;
	vm14 =	vcmask $0x3734  }
0x1f: {  	s20 =	simm.s32 $0x11D40;
	s29 =	simm.s32 $0x12540;
	[smem:$0x7FF] =	sst s25;
	v7 =	vsel vm7, $0x3E11, v7;
	v8 =	vsel vm7, $0x3E3A, v8;
	v9 =	vsel vm7, $0x3E68, v9  }
0x20: {  	s31 =	simm.s32 $0x13940;
	s28 =	simm.s32 $0x15140;
	_ =	strace $0x80000047;
	[tilespmem:$0x1FF50] =	vst v0;
	v4 =	vand.u32 $0x3, v5;
	v5 =	vand.u32 $0x3, v6;
	v7 =	vsel vm15, $0x3E12, v7  }
0x21: {  	s30 =	simm.s32 $0x16540;
	s11 =	simm.s32 $0x2;
	s7 =	simm.s32 $0x4;
	[tilespmem:$0x1FF60] =	vst v1;
	v8 =	vsel vm15, $0x3E40, v8;
	v9 =	vsel vm15, $0x3E69, v9;
	v7 =	vsel vm11, $0x3E18, v7  }
0x22: {  	s8 =	simm.s32 $0x0;
	s1 =	sand.u32 $0x1, s1;
	s5 =	sadd.s32 $0x271800, s0;
	[tilespmem:$0x1FF70] =	vst v2;
	vm15 =	vcmask $0x3B38;
	v8 =	vsel vm11, $0x3E41, v8;
	v7 =	vsel vm12, $0x3E19, v7  }
0x23: {  	s4 =	sshll.u32 s6, $0x1;
	s24 =	smul.u32 $0x2710, s6;
	s6 =	simm.s32 $0x12940;
	[tilespmem:$0x1FF80] =	vst v60;
	v9 =	vsel vm11, $0x3E6A, v9;
	v8 =	vsel vm12, $0x3E42, v8;
	v7 =	vsel vm13, $0x3E1A, v7  }
0x24: {  	s2 =	smul.u32 $0x27100, s1;
	s3 =	ssub.s32 $0x2, s1;
	[dreg:$0x6] =	wrdreg s5;
	[tilespmem:$0x1FF90] =	vst v3;
	v9 =	vsel vm12, $0x3E70, v9;
	v8 =	vsel vm13, $0x3E48, v8;
	v7 =	vsel vm0, $0x3E20, v7  }
0x25: {  	s1 =	sor.u32 s1, s4;
	s5 =	simm.s32 $0x3;
	s21 =	sshrl.u32 s3, $0x1;
	[tilespmem:$0x1FFA0] =	vst v4;
	v9 =	vsel vm13, $0x3E71, v9;
	v8 =	vsel vm0, $0x3E49, v8;
	v7 =	vsel vm14, $0x3E21, v7  }
0x26: {  	s1 =	smul.u32 $0x13880, s1;
	[dreg:$0x8] =	wrdreg s24;
	s24 =	simm.s32 $0x12140;
	[tilespmem:$0x1FFB0] =	vst v5;
	v9 =	vsel vm0, $0x3E72, v9;
	v8 =	vsel vm14, $0x3E4A, v8;
	v6 =	vsel vm15, $0x3E22, v7  }
0x27: {  	s0 =	sadd.s32 s2, s0;
	s22 =	ssub.s32 s3, s21;
	s2 =	simm.s32 $0x15540;
	v9 =	vsel vm14, $0x3E78, v9;
	v7 =	vsel vm15, $0x3E50, v8;
	[tilespmem:$0x1FFC0] =	vst v6  }
0x28: {  	s3 =	simm.s32 $0x1;
	[dreg:$0x7] =	wrdreg s1;
	s10 =	sadd.s32 $0x800, s0;
	v8 =	vsel vm15, $0x3E79, v9;
	[tilespmem:$0x1FFD0] =	vst v7  }
0x29: {  	s26 =	smax.u32 s22, $0x1;
	s22 =	simm.s32 $0x13140;
	s0 =	simm.s32 $0x13D40;
	v9 =	vor.u32 $0x3E03, v60;
	[tilespmem:$0x1FFE0] =	vst v8  }
0x2a: {  	s1 =	simm.s32 $0x14140;
	[dreg:$0x9] =	wrdreg s26;
	s26 =	simm.s32 $0x13540;
	[tilespmem:$0x1FFF0] =	vst v9  }
.LBB2_1:
0x2b: {  	[dreg:$0xa] =	wrdreg s8;
	s4 =	simm.s32 $0x0  }
.LBB2_2:
0x2c: {  	s8 =	smul.u32 $0x7D0, s4  }
0x2d: {  	s9 =	rddreg [dreg:$0x8]  }
0x2e: {  	s8 =	sadd.s32 s9, s8  }
0x2f: {  	s9 =	smul.u32 $0x3, s8;
	_ =	sdelay $0x1  }
0x30: {  	s12 =	rddreg [dreg:$0x6];
	s9 =	sshrl.u32 s9, $0x3  }
0x31: {  	s13 =	simm.s32 $0xBB80;
	s9 =	sadd.s32 s12, s9;
	s12 =	simm.s32 $0x0  }
0x32: {  	[tilespmem:s13], [sflag:$0x5] =	stream.linear.gather [hbm4b:s9+s12], $0x1770, $0x38;
	[tilespmem:$0x16940] =	vst v63  }
0x33: {  	_ =	swait.ge [sflag:s14], $0x1770  }
0x34: {  	s16 =	sshrl.u32 s8, $0x3;
	[sflag:s14] =	ssyncset.done $0x0  }
0x35: {  	s21 =	simm.s32 $0xD2F0;
	s9 =	sadd.s32 s23, s16;
	[sflag:s14] =	ssyncadd.s32 $0xFFFFE890  }
0x36: {  	[tilespmem:s21], [sflag:$0x5] =	stream.linear.gather [hbm4b:s9+s12], $0x7D0, $0x38;
	[tilespmem:$0x16940] =	vst v63  }
0x37: {  	_ =	swait.ge [sflag:s14], $0x7D0  }
0x38: {  	[sflag:s14] =	ssyncset.done $0x0  }
0x39: {  	s9 =	simm.s32 $0xBBE0;
	[sflag:s14] =	ssyncadd.s32 $0xFFFFF830  }
0x3a: {  	v23 =	vld [tilespmem:s9+$0xFFFFFFC0]  }
0x3b: {  	v14 =	vld [tilespmem:s9+$0xFFFFFFB0]  }
0x3c: {  	v13 =	vld [tilespmem:s9+$0xFFFFFFE0]  }
0x3d: {  	v11 =	vmov s12;
	v12 =	vld [tilespmem:s9+$0xFFFFFFA0]  }
0x3e: {  	s16 =	simm.s32 $0x10;
	v16 =	vshll.u32 v11, $0x3;
	v15 =	vld [tilespmem:s9+$0xFFFFFFD0]  }
0x3f: {  	s13 =	simm.s32 $0xD310;
	v18 =	vmov s16;
	s16 =	simm.s32 $0x20;
	v20 =	vor.u32 v2, v16;
	v21 =	vor.u32 v0, v16;
	v17 =	vld [tilespmem:s9+$0x0]  }
0x40: {  	v18 =	vshll.u32 v18, $0x3;
	v24 =	vmov s16;
	v26 =	vor.u32 v1, v16;
	v11 =	vld [tilespmem:s13+$0x0]  }
0x41: {  	v55 =	vor.u32 v60, v16;
	v20 =	vor.u32 v3, v20;
	v22 =	vor.u32 v2, v18;
	s21 =	simm.s32 $0x30;
	v41 =	vld [tilespmem:s13+$0xFFFFFFE0]  }
0x42: {  	v29 =	vor.u32 v5, v21;
	v27 =	vor.u32 v1, v18;
	v19 =	vmov s21;
	v21 =	vld [tilespmem:s13+$0xFFFFFFF0]  }
0x43: {  	v34 =	vor.u32 v0, v18;
	v24 =	vshll.u32 v24, $0x3;
	v19 =	vshll.u32 v19, $0x3;
	v25 =	vld [tilespmem:s9+$0x30]  }
0x44: {  	v22 =	vor.u32 v3, v22;
	v27 =	vor.u32 v4, v27;
	v28 =	vor.u32 v2, v19;
	v30 =	vld [tilespmem:s9+$0xFFFFFFF0]  }
0x45: {  	v37 =	vor.u32 v2, v24;
	v38 =	vor.u32 v0, v24;
	v28 =	vor.u32 v3, v28;
	v33 =	vld [tilespmem:s9+$0x20]  }
0x46: {  	v34 =	vor.u32 v5, v34;
	v42 =	vor.u32 v60, v24;
	v31 =	vor.u32 v1, v19;
	v35 =	vld [tilespmem:s9+$0x10]  }
0x47: {  	v44 =	vor.u32 v5, v38;
	v32 =	vor.u32 v0, v19;
	v31 =	vor.u32 v4, v31;
	v39 =	vld [tilespmem:s9+$0x40]  }
0x48: {  	s12 =	simm.s32 $0xBCA0;
	v19 =	vor.u32 v60, v19;
	v32 =	vor.u32 v5, v32;
	v36 =	vld [tilespmem:s13+$0x10];
	[tilespmem:v20+s15+$0x0] =	vst.idx.msk $0xffff, v12  }
0x49: {  	v16 =	vld [tilespmem:s12+$0xFFFFFFB0];
	v20 =	vor.u32 v4, v26;
	v12 =	vor.u32 v60, v18;
	[tilespmem:v22+s15+$0x0] =	vst.idx.msk $0xffff, v15  }
0x4a: {  	s21 =	simm.s32 $0x40;
	s14 =	simm.s32 $0x70;
	v19 =	vor.u32 $0x3, v19;
	v18 =	vor.u32 v1, v24;
	v26 =	vld [tilespmem:s9+$0x50];
	v15 =	vor.u32 v3, v37;
	[tilespmem:v28+s15+$0x0] =	vst.idx.msk $0xffff, v25  }
0x4b: {  	s13 =	simm.s32 $0x50;
	v46 =	vld [tilespmem:s12+$0xFFFFFFD0];
	v22 =	vmov s21;
	v24 =	vmov s14;
	v40 =	vor.u32 $0x3, v12;
	[tilespmem:v27+s15+$0x0] =	vst.idx.msk $0xffff, v13  }
0x4c: {  	v12 =	vld [tilespmem:s12+$0xFFFFFFC0];
	v43 =	vor.u32 v4, v18;
	v45 =	vshll.u32 v22, $0x3;
	v18 =	vmov s13;
	[tilespmem:v31+s15+$0x0] =	vst.idx.msk $0xffff, v39  }
0x4d: {  	v13 =	vld [tilespmem:s12+$0xFFFFFFE0];
	v58 =	vshll.u32 v24, $0x3;
	v56 =	vshll.u32 v18, $0x3;
	[tilespmem:v34+s15+$0x0] =	vst.idx.msk $0xffff, v30;
	v57 =	vor.u32 v1, v45  }
0x4e: {  	v27 =	vld [tilespmem:s12+$0xFFFFFFA0];
	v47 =	vor.u32 v1, v58;
	v31 =	vor.u32 v0, v58;
	v18 =	vor.u32 v2, v56  }
0x4f: {  	s16 =	simm.s32 $0xD350;
	v22 =	vld [tilespmem:s12+$0x0];
	v61 =	vor.u32 v0, v56;
	v30 =	vor.u32 v3, v18;
	[tilespmem:v20+s15+$0x0] =	vst.idx.msk $0xffff, v14  }
0x50: {  	v18 =	vor.u32 v1, v56;
	v14 =	vor.u32 v2, v45;
	[tilespmem:v15+s15+$0x0] =	vst.idx.msk $0xffff, v17;
	v15 =	vld [tilespmem:s16+$0xFFFFFFE0]  }
0x51: {  	v62 =	vor.u32 $0x3, v55;
	s21 =	simm.s32 $0x60;
	v20 =	vor.u32 v0, v45;
	[tilespmem:v32+s15+$0x0] =	vst.idx.msk $0xffff, v26;
	v28 =	vor.u32 v4, v18;
	v26 =	vld [tilespmem:s12+$0x30]  }
0x52: {  	v59 =	vmov s21;
	v18 =	vor.u32 v5, v31;
	v31 =	vld [tilespmem:s12+$0x20];
	v25 =	vor.u32 v3, v14;
	[tilespmem:v40+s15+$0x0] =	vst.idx.msk $0xffff, v21  }
0x53: {  	v48 =	vshll.u32 v59, $0x3;
	v49 =	vor.u32 v60, v56;
	v14 =	vor.u32 v5, v20;
	v20 =	vld [tilespmem:s16+$0x0];
	[tilespmem:v19+s15+$0x0] =	vst.idx.msk $0xffff, v36  }
0x54: {  	v38 =	vor.u32 v1, v48;
	v63 =	vor.u32 v2, v48;
	v21 =	vld [tilespmem:s16+$0xFFFFFFF0];
	[tilespmem:v43+s15+$0x0] =	vst.idx.msk $0xffff, v35  }
0x55: {  	v39 =	vor.u32 v0, v48;
	v37 =	vor.u32 v5, v61;
	v19 =	vld [tilespmem:s12+$0x10];
	v40 =	vor.u32 $0x3, v42;
	[tilespmem:v29+s15+$0x0] =	vst.idx.msk $0xffff, v23  }
0x56: {  	v34 =	vor.u32 v3, v63;
	v17 =	vor.u32 v2, v58;
	v36 =	vld [tilespmem:s12+$0x40];
	[tilespmem:v44+s15+$0x0] =	vst.idx.msk $0xffff, v33  }
0x57: {  	v32 =	vor.u32 v4, v57;
	v24 =	vor.u32 v3, v17;
	[tilespmem:v25+s15+$0x0] =	vst.idx.msk $0xffff, v27;
	v27 =	vld [tilespmem:s12+$0xFFFFFFF0]  }
0x58: {  	s9 =	simm.s32 $0x4;
	v17 =	vor.u32 v4, v47;
	v35 =	vor.u32 v60, v58;
	[tilespmem:v62+s15+$0x0] =	vst.idx.msk $0xffff, v41;
	v25 =	vld [tilespmem:s16+$0x10]  }
0x59: {  	s14 =	simm.s32 $0xBD60;
	s13 =	simm.s32 $0xD390;
	v29 =	vor.u32 v60, v45;
	v23 =	vor.u32 v60, v48;
	v33 =	vor.u32 $0x3, v49;
	[tilespmem:v30+s15+$0x0] =	vst.idx.msk $0xffff, v46;
	v30 =	vld [tilespmem:s12+$0x50];
	s12 =	simm.s32 $0x80  }
.LBB2_3:
0x5a: {  	v41 =	vld [tilespmem:s14+$0xFFFFFFC0];
	v42 =	vmov s12;
	s16 =	sadd.s32 $0x10, s12;
	s21 =	sadd.s32 $0x30, s12;
	s9 =	sadd.s32 $0x4, s9;
	v43 =	vor.u32 v4, v38;
	v44 =	vor.u32 v5, v39;
	[tilespmem:v40+s15+$0x0] =	vst.idx.msk $0xffff, v11;
	v11 =	vmovc v20  }
0x5b: {  	v45 =	vmovc v31;
	v38 =	vld [tilespmem:s14+$0xFFFFFFB0];
	v42 =	vshll.u32 v42, $0x3;
	v20 =	vmov s16;
	s16 =	sadd.s32 $0x20, s12;
	v39 =	vmov s21;
	p0 =	slt.u32 s9, $0x78;
	[tilespmem:v28+s15+$0x0] =	vst.idx.msk $0xffff, v13  }
0x5c: {  	v28 =	vor.u32 v2, v42;
	v31 =	vor.u32 v0, v42;
	v13 =	vld [tilespmem:s14+$0xFFFFFFE0];
	v40 =	vshll.u32 v20, $0x3;
	[tilespmem:v32+s15+$0x0] =	vst.idx.msk $0xffff, v16  }
0x5d: {  	v35 =	vor.u32 $0x3, v35;
	v32 =	vld [tilespmem:s14+$0xFFFFFFA0];
	v46 =	vor.u32 v3, v28;
	v16 =	vor.u32 v2, v40;
	[tilespmem:v24+s15+$0x0] =	vst.idx.msk $0xffff, v26  }
0x5e: {  	v47 =	vor.u32 v5, v31;
	v48 =	vld [tilespmem:s14+$0xFFFFFFD0];
	v49 =	vor.u32 v3, v16;
	v16 =	vmov s16;
	[tilespmem:v37+s15+$0x0] =	vst.idx.msk $0xffff, v27  }
0x5f: {  	v39 =	vshll.u32 v39, $0x3;
	v26 =	vor.u32 v1, v40;
	v27 =	vor.u32 v1, v42;
	v37 =	vld [tilespmem:s14+$0x0];
	[tilespmem:v33+s15+$0x0] =	vst.idx.msk $0xffff, v21  }
0x60: {  	v10 =	vor.u32 v2, v39;
	v31 =	vor.u32 v1, v39;
	v50 =	vshll.u32 v16, $0x3;
	v20 =	vld [tilespmem:s13+$0x0];
	[tilespmem:v34+s15+$0x0] =	vst.idx.msk $0xffff, v22  }
0x61: {  	v24 =	vor.u32 v3, v10;
	v22 =	vor.u32 v0, v39;
	v51 =	vld [tilespmem:s13+$0xFFFFFFE0];
	[tilespmem:v17+s15+$0x0] =	vst.idx.msk $0xffff, v36;
	v16 =	vmov v38  }
0x62: {  	v28 =	vor.u32 v4, v26;
	v17 =	vor.u32 v4, v31;
	v21 =	vld [tilespmem:s13+$0xFFFFFFF0];
	[tilespmem:v18+s15+$0x0] =	vst.idx.msk $0xffff, v30  }
0x63: {  	v52 =	vor.u32 $0x3, v29;
	v30 =	vor.u32 v0, v40;
	v18 =	vor.u32 v5, v22;
	v26 =	vld [tilespmem:s14+$0x30];
	[tilespmem:v35+s15+$0x0] =	vst.idx.msk $0xffff, v25  }
0x64: {  	v10 =	vor.u32 v60, v40;
	v40 =	vor.u32 $0x3, v23;
	[tilespmem:v46+s15+$0x0] =	vst.idx.msk $0xffff, v32;
	v32 =	vor.u32 v4, v27;
	v27 =	vld [tilespmem:s14+$0xFFFFFFF0]  }
.Ltmp0:
0x65: {  	v33 =	vor.u32 $0x3, v10;
	v38 =	vor.u32 v1, v50;
	v35 =	vor.u32 v60, v39;
	v31 =	vld [tilespmem:s14+$0x20];
	[tilespmem:v43+s15+$0x0] =	vst.idx.msk $0xffff, v19;
	(pc) =	sbr.rel @p0 .LBB2_3-.Ltmp0, $4  }
0x66: {  	v23 =	vor.u32 v2, v50;
	v39 =	vor.u32 v0, v50;
	v22 =	vmov v37;
	v19 =	vld [tilespmem:s14+$0x10];
	[tilespmem:v44+s15+$0x0] =	vst.idx.msk $0xffff, v45  }
0x67: {  	v34 =	vor.u32 v3, v23;
	v37 =	vor.u32 v5, v30;
	[tilespmem:v49+s15+$0x0] =	vst.idx.msk $0xffff, v48;
	v25 =	vld [tilespmem:s13+$0x10]  }
0x68: {  	v29 =	vor.u32 v60, v42;
	v23 =	vor.u32 v60, v50;
	v30 =	vld [tilespmem:s14+$0x50];
	[tilespmem:v14+s15+$0x0] =	vst.idx.msk $0xffff, v12;
	v12 =	vmov v41  }
0x69: {  	s12 =	sadd.s32 $0x40, s12;
	s13 =	sadd.s32 $0x40, s13;
	v14 =	vmov v47;
	v36 =	vld [tilespmem:s14+$0x40];
	s14 =	sadd.s32 $0xC0, s14;
	[tilespmem:v52+s15+$0x0] =	vst.idx.msk $0xffff, v15;
	v15 =	vmov v51  }
0x6a: {  	_ =	sdelay $0x3  }
0x6b: {  	[tilespmem:v40+s15+$0x0] =	vst.idx.msk $0xffff, v11  }
0x6c: {  	[tilespmem:v28+s15+$0x0] =	vst.idx.msk $0xffff, v13  }
0x6d: {  	[tilespmem:v32+s15+$0x0] =	vst.idx.msk $0xffff, v16  }
0x6e: {  	[tilespmem:v24+s15+$0x0] =	vst.idx.msk $0xffff, v26  }
0x6f: {  	v11 =	vor.u32 $0x3, v35;
	[tilespmem:v34+s15+$0x0] =	vst.idx.msk $0xffff, v22  }
0x70: {  	[tilespmem:v37+s15+$0x0] =	vst.idx.msk $0xffff, v27  }
0x71: {  	v61 =	vor.u32 v4, v38;
	[tilespmem:v14+s15+$0x0] =	vst.idx.msk $0xffff, v12  }
0x72: {  	v63 =	vor.u32 $0x3, v29;
	[tilespmem:v17+s15+$0x0] =	vst.idx.msk $0xffff, v36  }
0x73: {  	v62 =	vor.u32 v5, v39;
	[tilespmem:v18+s15+$0x0] =	vst.idx.msk $0xffff, v30  }
0x74: {  	[tilespmem:v11+s15+$0x0] =	vst.idx.msk $0xffff, v25;
	v11 =	vor.u32 $0x3, v23  }
0x75: {  	[tilespmem:v33+s15+$0x0] =	vst.idx.msk $0xffff, v21  }
0x76: {  	[tilespmem:v61+s15+$0x0] =	vst.idx.msk $0xffff, v19  }
0x77: {  	[tilespmem:v63+s15+$0x0] =	vst.idx.msk $0xffff, v15  }
0x78: {  	[tilespmem:v62+s15+$0x0] =	vst.idx.msk $0xffff, v31  }
0x79: {  	[tilespmem:v11+s15+$0x0] =	vst.idx.msk $0xffff, v20  }
0x7a: {  	v11 =	vld [tilespmem:$0xD2C0]  }
0x7b: {  	v12 =	vld [tilespmem:$0xD2D0]  }
0x7c: {  	v13 =	vld [tilespmem:$0xD2E0]  }
0x7d: {  	v14 =	vld [tilespmem:$0xDAB0];
	_ =	sdelay $0x1  }
0x7e: {  	[tilespmem:v6+s15+$0x0] =	vst.idx.msk $0xffff, v11  }
0x7f: {  	s4 =	sadd.s32 $0x1, s4;
	[tilespmem:v7+s15+$0x0] =	vst.idx.msk $0xffff, v12  }
0x80: {  	p0 =	sne.s32 s4, $0x5;
	[tilespmem:v8+s15+$0x0] =	vst.idx.msk $0xffff, v13  }
.Ltmp1:
0x81: {  	s8 =	sadd.s32 s8, s10;
	s14 =	simm.s32 $0x5;
	[tilespmem:v9+s15+$0x0] =	vst.idx.msk $0xffff, v14;
	(pc) =	sbr.rel @p0 .LBB2_2-.Ltmp1, $4  }
0x82: {  	[hbm4b:s8+s25] =	stream.linear.scatter [tilespmem:s15], [sflag:$0x5], $0x3E80, $0x38;
	[tilespmem:$0x16940] =	vst v63  }
0x83: {  	_ =	swait.ge [sflag:s14], $0x3E80  }
0x84: {  	[sflag:s14] =	ssyncset.done $0x0  }
0x85: {  	[sflag:s14] =	ssyncadd.s32 $0xFFFFC180  }
0x86: {  	[bflag:$0x0] =	sbarrier.arrive $0xFFFF;
	s4 =	simm.s32 $0x0  }
.LBB2_6:
0x87: {  	s16 =	smul.u32 $0x3E80, s4  }
0x88: {  	s8 =	rddreg [dreg:$0x7]  }
0x89: {  	[dreg:$0xb] =	wrdreg s4;
	s4 =	sadd.s32 s8, s16  }
0x8a: {  	s21 =	rddreg [dreg:$0x2];
	s8 =	sshrl.u32 s4, $0x3  }
0x8b: {  	s9 =	simm.s32 $0x0;
	s4 =	sadd.s32 s21, s8  }
0x8c: {  	[tilespmem:s9], [sflag:$0x5] =	stream.linear.gather [hbm4b:s4+s9], $0x3E80, $0x38;
	[tilespmem:$0x16940] =	vst v63  }
0x8d: {  	_ =	swait.ge [sflag:s14], $0x3E80  }
0x8e: {  	[sflag:s14] =	ssyncset.done $0x0  }
0x8f: {  	[sflag:s14] =	ssyncadd.s32 $0xFFFFC180  }
0x90: {  	s23 =	rddreg [dreg:$0x3]  }
0x91: {  	s25 =	simm.s32 $0x3E80;
	[dreg:$0xc] =	wrdreg s8;
	s4 =	sadd.s32 s23, s8  }
0x92: {  	[tilespmem:s25], [sflag:$0x5] =	stream.linear.gather [hbm4b:s4+s9], $0x3E80, $0x38;
	[tilespmem:$0x16940] =	vst v63  }
0x93: {  	_ =	swait.ge [sflag:s14], $0x3E80  }
0x94: {  	[sflag:s14] =	ssyncset.done $0x0  }
0x95: {  	[sflag:s14] =	ssyncadd.s32 $0xFFFFC180  }
0x96: {  	[tilespmem:s18], [sflag:$0x1] =	stream.indirect.gather [hbm4b:s10+s17], $0x8, s9, s17, $0xb8;
	[tilespmem:$0x16940] =	vst v63  }
0x97: {  	_ = 	snop  }
0x98: {  	[tilespmem:s19], [sflag:$0x2] =	stream.indirect.gather [hbm4b:s10+s17], $0x8, s25, s17, $0xb8;
	[tilespmem:$0x16940] =	vst v63  }
0x99: {  	_ = 	snop  }
0x9a: {  	[tilespmem:s20], [sflag:$0x1] =	stream.indirect.gather [hbm4b:s10+s17], $0x8, s17, s17, $0xb8;
	[tilespmem:$0x16940] =	vst v63  }
0x9b: {  	s12 =	simm.s32 $0x3F00  }
0x9c: {  	[tilespmem:s22], [sflag:$0x2] =	stream.indirect.gather [hbm4b:s10+s17], $0x8, s12, s17, $0xb8;
	[tilespmem:$0x16940] =	vst v63  }
0x9d: {  	s13 =	simm.s32 $0x100  }
0x9e: {  	[tilespmem:s24], [sflag:$0x1] =	stream.indirect.gather [hbm4b:s10+s17], $0x8, s13, s17, $0xb8;
	[tilespmem:$0x16940] =	vst v63  }
0x9f: {  	s14 =	simm.s32 $0x3F80  }
0xa0: {  	[tilespmem:s26], [sflag:$0x2] =	stream.indirect.gather [hbm4b:s10+s17], $0x8, s14, s17, $0xb8;
	[tilespmem:$0x16940] =	vst v63  }
0xa1: {  	s16 =	simm.s32 $0x180  }
0xa2: {  	[tilespmem:s29], [sflag:$0x1] =	stream.indirect.gather [hbm4b:s10+s17], $0x8, s16, s17, $0xb8;
	[tilespmem:$0x16940] =	vst v63  }
0xa3: {  	s21 =	simm.s32 $0x4000  }
0xa4: {  	[tilespmem:s31], [sflag:$0x2] =	stream.indirect.gather [hbm4b:s10+s17], $0x8, s21, s17, $0xb8;
	[tilespmem:$0x16940] =	vst v63  }
0xa5: {  	s23 =	simm.s32 $0x200;
	s4 =	simm.s32 $0x7D40  }
0xa6: {  	[tilespmem:s6], [sflag:$0x1] =	stream.indirect.gather [hbm4b:s10+s17], $0x8, s23, s17, $0xb8;
	[tilespmem:$0x16940] =	vst v63  }
0xa7: {  	s9 =	simm.s32 $0x0;
	s25 =	simm.s32 $0x4080;
	s13 =	simm.s32 $0x7FF0  }
0xa8: {  	[tilespmem:s0], [sflag:$0x2] =	stream.indirect.gather [hbm4b:s10+s17], $0x8, s25, s17, $0xb8;
	[tilespmem:$0x16940] =	vst v63  }
.LBB2_7:
0xa9: {  	s8 =	sshllo.u32 s9, $0x1  }
0xaa: {  	s8 =	smul.u32 $0x280, s8;
	_ =	sdelay $0x1  }
0xab: {  	[tilespmem:s1], [sflag:$0x3] =	stream.indirect.gather [hbm4b:s10+s17], $0x8, s8, s17, $0xb8;
	[tilespmem:$0x16940] =	vst v63  }
0xac: {  	s12 =	sadd.s32 $0x3E80, s8  }
0xad: {  	[tilespmem:s2], [sflag:$0x4] =	stream.indirect.gather [hbm4b:s10+s17], $0x8, s12, s17, $0xb8;
	[tilespmem:$0x16940] =	vst v63  }
0xae: {  	s14 =	simm.s32 $0x14540;
	s25 =	sadd.s32 $0x80, s8  }
0xaf: {  	[tilespmem:s14], [sflag:$0x3] =	stream.indirect.gather [hbm4b:s10+s17], $0x8, s25, s17, $0xb8;
	[tilespmem:$0x16940] =	vst v63  }
0xb0: {  	s21 =	simm.s32 $0x15940;
	s16 =	sadd.s32 $0x3F00, s8  }
0xb1: {  	[tilespmem:s21], [sflag:$0x4] =	stream.indirect.gather [hbm4b:s10+s17], $0x8, s16, s17, $0xb8;
	[tilespmem:$0x16940] =	vst v63  }
0xb2: {  	s23 =	sadd.s32 $0x100, s8;
	s25 =	simm.s32 $0x14940  }
0xb3: {  	[tilespmem:s25], [sflag:$0x3] =	stream.indirect.gather [hbm4b:s10+s17], $0x8, s23, s17, $0xb8;
	[tilespmem:$0x16940] =	vst v63  }
0xb4: {  	s16 =	sadd.s32 $0x3F80, s8;
	s21 =	simm.s32 $0x15D40  }
0xb5: {  	[tilespmem:s21], [sflag:$0x4] =	stream.indirect.gather [hbm4b:s10+s17], $0x8, s16, s17, $0xb8;
	[tilespmem:$0x16940] =	vst v63  }
0xb6: {  	s23 =	sadd.s32 $0x180, s8;
	s25 =	simm.s32 $0x14D40  }
0xb7: {  	[tilespmem:s25], [sflag:$0x3] =	stream.indirect.gather [hbm4b:s10+s17], $0x8, s23, s17, $0xb8;
	[tilespmem:$0x16940] =	vst v63  }
0xb8: {  	s14 =	sadd.s32 $0x4000, s8;
	s16 =	simm.s32 $0x16140  }
0xb9: {  	[tilespmem:s16], [sflag:$0x4] =	stream.indirect.gather [hbm4b:s10+s17], $0x8, s14, s17, $0xb8;
	[tilespmem:$0x16940] =	vst v63  }
0xba: {  	s21 =	sadd.s32 $0x200, s8  }
0xbb: {  	[tilespmem:s28], [sflag:$0x3] =	stream.indirect.gather [hbm4b:s10+s17], $0x8, s21, s17, $0xb8;
	[tilespmem:$0x16940] =	vst v63  }
0xbc: {  	s8 =	sadd.s32 $0x4080, s8  }
0xbd: {  	[tilespmem:s30], [sflag:$0x4] =	stream.indirect.gather [hbm4b:s10+s17], $0x8, s8, s17, $0xb8;
	[tilespmem:$0x16940] =	vst v63  }
0xbe: {  	_ =	swait.ge [sflag:s3], $0x400  }
0xbf: {  	[sflag:s3] =	ssyncset.done $0x0  }
0xc0: {  	[sflag:s3] =	ssyncadd.s32 $0xFFFFFC00  }
0xc1: {  	_ =	swait.ge [sflag:s11], $0x400  }
0xc2: {  	[sflag:s11] =	ssyncset.done $0x0  }
0xc3: {  	[sflag:s11] =	ssyncadd.s32 $0xFFFFFC00  }
0xc4: {  	_ =	swait.ge [sflag:s3], $0x400  }
0xc5: {  	[sflag:s3] =	ssyncset.done $0x0  }
0xc6: {  	[sflag:s3] =	ssyncadd.s32 $0xFFFFFC00  }
0xc7: {  	_ =	swait.ge [sflag:s11], $0x400  }
0xc8: {  	[sflag:s11] =	ssyncset.done $0x0  }
0xc9: {  	[sflag:s11] =	ssyncadd.s32 $0xFFFFFC00  }
0xca: {  	_ =	swait.ge [sflag:s3], $0x400  }
0xcb: {  	[sflag:s3] =	ssyncset.done $0x0  }
0xcc: {  	[sflag:s3] =	ssyncadd.s32 $0xFFFFFC00  }
0xcd: {  	_ =	swait.ge [sflag:s11], $0x400  }
0xce: {  	[sflag:s11] =	ssyncset.done $0x0  }
0xcf: {  	[sflag:s11] =	ssyncadd.s32 $0xFFFFFC00  }
0xd0: {  	_ =	swait.ge [sflag:s3], $0x400  }
0xd1: {  	[sflag:s3] =	ssyncset.done $0x0  }
0xd2: {  	[sflag:s3] =	ssyncadd.s32 $0xFFFFFC00  }
0xd3: {  	s23 =	simm.s32 $0x70;
	_ =	swait.ge [sflag:s11], $0x400  }
0xd4: {  	v11 =	vmov s23;
	[sflag:s11] =	ssyncset.done $0x0  }
0xd5: {  	v11 =	vshll.u32 v11, $0x3;
	[sflag:s11] =	ssyncadd.s32 $0xFFFFFC00  }
0xd6: {  	s25 =	simm.s32 $0x10;
	v14 =	vor.u32 v60, v11;
	_ =	swait.ge [sflag:s3], $0x400  }
0xd7: {  	v11 =	vmov s25;
	v15 =	vor.u32 $0x3, v14;
	[sflag:s3] =	ssyncset.done $0x0  }
0xd8: {  	s14 =	simm.s32 $0x20;
	v11 =	vshll.u32 v11, $0x3;
	[sflag:s3] =	ssyncadd.s32 $0xFFFFFC00  }
0xd9: {  	v12 =	vmov s14;
	v13 =	vor.u32 v60, v11;
	_ =	swait.ge [sflag:s11], $0x400  }
0xda: {  	v11 =	vshll.u32 v12, $0x3;
	[sflag:s11] =	ssyncset.done $0x0  }
0xdb: {  	v12 =	vor.u32 v60, v11;
	[sflag:s11] =	ssyncadd.s32 $0xFFFFFC00  }
0xdc: {  	v16 =	vor.u32 $0x3, v13;
	v17 =	vld.idx.msk [tilespmem:v15+s18+$0x0], $0xffff  }
0xdd: {  	v15 =	vld.idx.msk [tilespmem:v15+s19+$0x0], $0xffff  }
0xde: {  	v19 =	vld.idx.msk [tilespmem:v13+s18+$0x0], $0xffff  }
0xdf: {  	v18 =	vor.u32 $0x1, v14;
	v20 =	vld.idx.msk [tilespmem:v13+s19+$0x0], $0xffff  }
0xe0: {  	v11 =	vld.idx.msk [tilespmem:v12+s18+$0x0], $0xffff  }
0xe1: {  	v21 =	vld.idx.msk [tilespmem:v16+s18+$0x0], $0xffff  }
0xe2: {  	v22 =	vor.u32 $0x2, v14;
	v23 =	vld.idx.msk [tilespmem:v14+s18+$0x0], $0xffff  }
0xe3: {  	v25 =	vld.idx.msk [tilespmem:v14+s19+$0x0], $0xffff  }
0xe4: {  	s16 =	simm.s32 $0x30;
	s25 =	simm.s32 $0x60;
	v39 =	vor.u32 $0x1, v12;
	v26 =	vld.idx.msk [tilespmem:v18+s18+$0x0], $0xffff  }
0xe5: {  	v24 =	vmov s16;
	v33 =	vld.idx.msk [tilespmem:v16+s19+$0x0], $0xffff;
	v16 =	vmov s25  }
0xe6: {  	v14 =	vshll.u32 v24, $0x3;
	v24 =	vor.u32 $0x3, v12;
	v28 =	vld.idx.msk [tilespmem:v18+s19+$0x0], $0xffff;
	v16 =	vshll.u32 v16, $0x3  }
0xe7: {  	s21 =	simm.s32 $0x40;
	v29 =	vld.idx.msk [tilespmem:v22+s18+$0x0], $0xffff;
	v16 =	vor.u32 v60, v16  }
0xe8: {  	v27 =	vmov s21;
	v22 =	vld.idx.msk [tilespmem:v22+s19+$0x0], $0xffff;
	v14 =	vor.u32 v60, v14;
	v63 =	vor.u32 $0x3, v16  }
0xe9: {  	v44 =	vld.idx.msk [tilespmem:v39+s18+$0x0], $0xffff;
	v17 =	vmul.f32 v15, v17;
	v15 =	vshll.u32 v27, $0x3;
	v27 =	vor.u32 $0x3, v14  }
0xea: {  	v39 =	vld.idx.msk [tilespmem:v39+s19+$0x0], $0xffff;
	v15 =	vor.u32 v60, v15  }
0xeb: {  	s23 =	simm.s32 $0x50;
	v34 =	vld.idx.msk [tilespmem:v24+s18+$0x0], $0xffff;
	v31 =	vor.u32 $0x3, v15  }
0xec: {  	v18 =	vmov s23;
	v24 =	vld.idx.msk [tilespmem:v24+s19+$0x0], $0xffff;
	v23 =	vmul.f32 v25, v23;
	v21 =	vmul.f32 v33, v21  }
0xed: {  	v26 =	vmul.f32 v28, v26;
	v19 =	vmul.f32 v20, v19;
	v40 =	vor.u32 $0x1, v15;
	v4 =	vld.idx.msk [tilespmem:v63+s19+$0x0], $0xffff  }
0xee: {  	v30 =	vmax.f32 v17, $1.000000010e-10;
	v17 =	vshll.u32 v18, $0x3;
	v21 =	vmax.f32 v21, $1.000000010e-10;
	v38 =	vld.idx.msk [tilespmem:v27+s18+$0x0], $0xffff  }
0xef: {  	v32 =	vsub.s32 $0x7EF311C3, v30;
	v18 =	vor.u32 v60, v17;
	v5 =	vsub.s32 $0x7EF311C3, v21;
	v25 =	vld.idx.msk [tilespmem:v27+s19+$0x0], $0xffff  }
0xf0: {  	s8 =	simm.s32 $0x0;
	v17 =	vmul.f32 v32, v30;
	v35 =	vor.u32 $0x3, v18;
	v20 =	vmul.f32 v5, v21;
	v28 =	vld.idx.msk [tilespmem:v31+s18+$0x0], $0xffff  }
0xf1: {  	v1 =	vor.u32 $0x1, v13;
	v36 =	vmov s8;
	v31 =	vld.idx.msk [tilespmem:v31+s19+$0x0], $0xffff  }
0xf2: {  	v41 =	vor.u32 $0x1, v18;
	v37 =	vsub.f32 $2.000000000e+00, v17;
	v20 =	vsub.f32 $2.000000000e+00, v20;
	v51 =	vld.idx.msk [tilespmem:v40+s18+$0x0], $0xffff  }
0xf3: {  	v22 =	vmul.f32 v22, v29;
	v23 =	vadd.f32 v26, v23;
	v24 =	vmul.f32 v24, v34;
	v40 =	vld.idx.msk [tilespmem:v40+s19+$0x0], $0xffff  }
0xf4: {  	v17 =	vshll.u32 v36, $0x3;
	v27 =	vmul.f32 v32, v37;
	v20 =	vmul.f32 v5, v20;
	v5 =	vld.idx.msk [tilespmem:v15+s18+$0x0], $0xffff  }
0xf5: {  	v13 =	vor.u32 $0x2, v13;
	v22 =	vadd.f32 v22, v23;
	v17 =	vor.u32 v60, v17;
	v29 =	vld.idx.msk [tilespmem:v35+s18+$0x0], $0xffff  }
0xf6: {  	v24 =	vmax.f32 v24, $1.000000010e-10;
	v0 =	vor.u32 $0x3, v17;
	v2 =	vld.idx.msk [tilespmem:v35+s19+$0x0], $0xffff;
	v26 =	vmul.f32 v27, v30  }
0xf7: {  	v42 =	vor.u32 $0x1, v16;
	v3 =	vor.u32 $0x1, v17;
	v6 =	vsub.s32 $0x7EF311C3, v24;
	v53 =	vld.idx.msk [tilespmem:v41+s18+$0x0], $0xffff  }
0xf8: {  	v22 =	vmul.f32 $9.499999880e-01, v22;
	v43 =	vmul.f32 v6, v24;
	v41 =	vld.idx.msk [tilespmem:v41+s19+$0x0], $0xffff;
	v23 =	vsub.f32 $2.000000000e+00, v26  }
0xf9: {  	v30 =	vor.u32 $0x1, v14;
	v25 =	vmul.f32 v25, v38;
	v21 =	vmul.f32 v20, v21;
	v26 =	vld.idx.msk [tilespmem:v63+s18+$0x0], $0xffff  }
0xfa: {  	v7 =	vsub.f32 $2.000000000e+00, v43;
	v28 =	vmul.f32 v31, v28;
	v31 =	vld.idx.msk [tilespmem:v1+s19+$0x0], $0xffff;
	v23 =	vmul.f32 v23, v27  }
0xfb: {  	v25 =	vmax.f32 v25, $1.000000010e-10;
	v40 =	vmul.f32 v40, v51;
	v21 =	vsub.f32 $2.000000000e+00, v21;
	v32 =	vld.idx.msk [tilespmem:v0+s19+$0x0], $0xffff  }
0xfc: {  	v45 =	vsub.s32 $0x7EF311C3, v25;
	v33 =	vmul.f32 v6, v7;
	v36 =	vld.idx.msk [tilespmem:v3+s18+$0x0], $0xffff;
	v22 =	vmul.f32 v23, v22  }
0xfd: {  	v35 =	vld.idx.msk [tilespmem:v3+s19+$0x0], $0xffff;
	v28 =	vmax.f32 v28, $1.000000010e-10;
	v29 =	vmul.f32 v2, v29;
	v59 =	vmul.f32 v45, v25  }
0xfe: {  	v6 =	vld.idx.msk [tilespmem:v15+s19+$0x0], $0xffff;
	v41 =	vmul.f32 v41, v53;
	v48 =	vsub.s32 $0x7EF311C3, v28;
	v37 =	vand.u32 $0x7FFFFFFF, v22  }
0xff: {  	v27 =	vld.idx.msk [tilespmem:v0+s18+$0x0], $0xffff;
	v20 =	vmul.f32 v21, v20;
	v61 =	vmul.f32 v48, v28;
	v46 =	vsub.f32 $1.000000000e+00, v37  }
0x100: {  	v2 =	vld.idx.msk [tilespmem:v12+s19+$0x0], $0xffff;
	v29 =	vmax.f32 v29, $1.000000010e-10;
	v43 =	vsub.f32 $2.000000000e+00, v59;
	v26 =	vmul.f32 v4, v26  }
0x101: {  	v47 =	vld.idx.msk [tilespmem:v30+s18+$0x0], $0xffff;
	v52 =	vsub.s32 $0x7EF311C3, v29;
	v49 =	vshra.s32 v46, $0x1;
	v50 =	vmul.f32 $5.000000000e-01, v46  }
0x102: {  	v30 =	vld.idx.msk [tilespmem:v30+s19+$0x0], $0xffff;
	v55 =	vmul.f32 v52, v29;
	v43 =	vmul.f32 v45, v43;
	v49 =	vsub.s32 $0x5F3759DF, v49  }
0x103: {  	v15 =	vor.u32 $0x2, v15;
	v23 =	vld.idx.msk [tilespmem:v1+s18+$0x0], $0xffff;
	v35 =	vmul.f32 v35, v36;
	v62 =	vmul.f32 v49, v50  }
0x104: {  	v3 =	vld.idx.msk [tilespmem:v14+s18+$0x0], $0xffff;
	v34 =	vsub.f32 $2.000000000e+00, v61;
	v27 =	vmul.f32 v32, v27;
	v0 =	vmul.f32 $1.872929930e-02, v37  }
0x105: {  	v4 =	vld.idx.msk [tilespmem:v14+s19+$0x0], $0xffff;
	v26 =	vmax.f32 v26, $1.000000010e-10;
	v11 =	vmul.f32 v2, v11;
	v32 =	vmul.f32 v49, v62  }
0x106: {  	v54 =	vsub.s32 $0x7EF311C3, v26;
	v55 =	vsub.f32 $2.000000000e+00, v55;
	v34 =	vmul.f32 v48, v34  }
0x107: {  	v30 =	vmul.f32 v30, v47;
	v58 =	vmul.f32 v54, v26;
	v32 =	vsub.f32 $1.500000000e+00, v32  }
0x108: {  	v57 =	vld.idx.msk [tilespmem:v42+s18+$0x0], $0xffff;
	v27 =	vmax.f32 v27, $1.000000010e-10;
	v23 =	vmul.f32 v31, v23;
	v31 =	vmul.f32 v39, v44  }
0x109: {  	v42 =	vld.idx.msk [tilespmem:v42+s19+$0x0], $0xffff;
	v56 =	vsub.s32 $0x7EF311C3, v27;
	v48 =	vmul.f32 v52, v55;
	v32 =	vmul.f32 v49, v32  }
0x10a: {  	v12 =	vor.u32 $0x2, v12;
	v61 =	vld.idx.msk [tilespmem:v18+s19+$0x0], $0xffff;
	v3 =	vmul.f32 v4, v3;
	v59 =	vmul.f32 v56, v27  }
0x10b: {  	v2 =	vld.idx.msk [tilespmem:v17+s18+$0x0], $0xffff;
	v28 =	vmul.f32 v34, v28;
	v49 =	vsub.f32 $7.426100220e-02, v0;
	v50 =	vmul.f32 v32, v50  }
0x10c: {  	v4 =	vld.idx.msk [tilespmem:v13+s18+$0x0], $0xffff;
	v19 =	vadd.f32 v23, v19;
	v23 =	vmul.f32 v33, v24;
	v1 =	vsub.f32 $2.000000000e+00, v59  }
0x10d: {  	v13 =	vld.idx.msk [tilespmem:v13+s19+$0x0], $0xffff;
	v63 =	vsub.f32 $2.000000000e+00, v58;
	v49 =	vmul.f32 v49, v37;
	v50 =	vmul.f32 v50, v32  }
0x10e: {  	v11 =	vadd.f32 v31, v11;
	v31 =	vmul.f32 v43, v25;
	v62 =	vld.idx.msk [tilespmem:v16+s18+$0x0], $0xffff;
	v55 =	vmul.f32 v56, v1  }
0x10f: {  	v1 =	vld.idx.msk [tilespmem:v16+s19+$0x0], $0xffff;
	v16 =	vor.u32 $0x2, v16;
	v58 =	vadd.f32 $-2.121143940e-01, v49;
	v7 =	vsub.f32 $1.500000000e+00, v50  }
0x110: {  	v14 =	vor.u32 $0x2, v14;
	v25 =	vmul.f32 v6, v5;
	v5 =	vld.idx.msk [tilespmem:v12+s18+$0x0], $0xffff;
	v29 =	vmul.f32 v48, v29  }
0x111: {  	vm0 =	vlt.f32 v22, $0.0e+00;
	v12 =	vld.idx.msk [tilespmem:v12+s19+$0x0], $0xffff;
	v37 =	vmul.f32 v58, v37;
	v32 =	vmul.f32 v7, v32  }
0x112: {  	v28 =	vsub.f32 $2.000000000e+00, v28;
	v38 =	vmul.f32 v54, v63;
	v59 =	vld.idx.msk [tilespmem:v18+s18+$0x0], $0xffff;
	v13 =	vmul.f32 v13, v4  }
0x113: {  	v63 =	vor.u32 $0x2, v17;
	v17 =	vld.idx.msk [tilespmem:v17+s19+$0x0], $0xffff;
	v37 =	vadd.f32 $1.570728780e+00, v37;
	v32 =	vmul.f32 v32, v46  }
0x114: {  	v23 =	vsub.f32 $2.000000000e+00, v23;
	v13 =	vadd.f32 v13, v19;
	v19 =	vmul.f32 v28, v34;
	v28 =	vld.idx.msk [tilespmem:v16+s18+$0x0], $0xffff  }
0x115: {  	v21 =	vsub.f32 $2.000000000e+00, v29;
	v26 =	vmul.f32 v38, v26;
	v16 =	vld.idx.msk [tilespmem:v16+s19+$0x0], $0xffff;
	v24 =	vmul.f32 v32, v37  }
0x116: {  	v18 =	vor.u32 $0x2, v18;
	v23 =	vmul.f32 v23, v33;
	v12 =	vmul.f32 v12, v5;
	v49 =	vld.idx.msk [tilespmem:v14+s18+$0x0], $0xffff  }
0x117: {  	v21 =	vmul.f32 v21, v48;
	v0 =	vmul.f32 v42, v57;
	v14 =	vld.idx.msk [tilespmem:v14+s19+$0x0], $0xffff;
	v6 =	vsub.f32 $3.141592740e+00, v24  }
0x118: {  	v30 =	vadd.f32 v30, v3;
	v22 =	vmul.f32 v55, v27;
	v42 =	vmul.f32 v1, v62  }
0x119: {  	v27 =	vadd.f32 v40, v25;
	v25 =	vsel vm0, v6, v24;
	v24 =	vsub.f32 $2.000000000e+00, v31;
	v31 =	vld.idx.msk [tilespmem:v15+s18+$0x0], $0xffff  }
0x11a: {  	v26 =	vsub.f32 $2.000000000e+00, v26;
	v36 =	vadd.f32 v0, v42;
	v16 =	vmul.f32 v16, v28;
	v15 =	vld.idx.msk [tilespmem:v15+s19+$0x0], $0xffff  }
0x11b: {  	v17 =	vmul.f32 v17, v2;
	v11 =	vadd.f32 v12, v11;
	v13 =	vmul.f32 $9.499999880e-01, v13  }
0x11c: {  	v29 =	vld.idx.msk [tilespmem:v18+s18+$0x0], $0xffff;
	v26 =	vmul.f32 v26, v38;
	v14 =	vmul.f32 v14, v49;
	v16 =	vadd.f32 v16, v36  }
0x11d: {  	v18 =	vld.idx.msk [tilespmem:v18+s19+$0x0], $0xffff;
	v22 =	vsub.f32 $2.000000000e+00, v22;
	v11 =	vmul.f32 $9.499999880e-01, v11;
	v7 =	vmul.f32 v61, v59  }
0x11e: {  	v14 =	vadd.f32 v14, v30;
	v30 =	vmul.f32 v20, v13;
	v16 =	vmul.f32 $9.499999880e-01, v16  }
0x11f: {  	v22 =	vmul.f32 v22, v55;
	v15 =	vmul.f32 v15, v31  }
0x120: {  	v12 =	vld.idx.msk [tilespmem:v63+s18+$0x0], $0xffff;
	v41 =	vadd.f32 v41, v7;
	vm6 =	vlt.f32 v30, $0.0e+00;
	v33 =	vmul.f32 v26, v16  }
0x121: {  	v50 =	vmul.f32 v24, v43;
	v24 =	vand.u32 $0x7FFFFFFF, v30;
	v31 =	vld.idx.msk [tilespmem:v63+s19+$0x0], $0xffff;
	v13 =	vadd.f32 v15, v27  }
0x122: {  	v15 =	vadd.f32 v35, v17;
	v17 =	vmul.f32 $9.499999880e-01, v14;
	v14 =	vmul.f32 v18, v29  }
0x123: {  	vm0 =	vlt.f32 v33, $0.0e+00;
	v27 =	vmul.f32 v23, v11;
	v11 =	vsub.f32 $1.000000000e+00, v24  }
0x124: {  	vm0 =	vmmov vm0;
	v13 =	vmul.f32 $9.499999880e-01, v13;
	v18 =	vadd.f32 v14, v41  }
0x125: {  	v14 =	vand.u32 $0x7FFFFFFF, v27;
	v28 =	vmul.f32 v50, v17;
	v51 =	vshra.s32 v11, $0x1  }
0x126: {  	v34 =	vmul.f32 $5.000000000e-01, v11;
	vm4 =	vlt.f32 v27, $0.0e+00;
	v17 =	vmul.f32 v31, v12  }
0x127: {  	v12 =	vsub.f32 $1.000000000e+00, v14;
	v32 =	vsub.s32 $0x5F3759DF, v51;
	v20 =	vmul.f32 $9.499999880e-01, v18  }
0x128: {  	v18 =	vand.u32 $0x7FFFFFFF, v28;
	v29 =	vmul.f32 v19, v13;
	v58 =	vmul.f32 v32, v34  }
0x129: {  	vm3 =	vlt.f32 v28, $0.0e+00;
	v15 =	vadd.f32 v17, v15;
	v13 =	vsub.f32 $1.000000000e+00, v18  }
0x12a: {  	v26 =	vshra.s32 v12, $0x1;
	v36 =	vmul.f32 $5.000000000e-01, v12;
	v31 =	vmul.f32 v21, v20  }
0x12b: {  	v20 =	vand.u32 $0x7FFFFFFF, v29;
	v26 =	vsub.s32 $0x5F3759DF, v26;
	v47 =	vmul.f32 v32, v58  }
0x12c: {  	vm2 =	vlt.f32 v29, $0.0e+00;
	v19 =	vmul.f32 $9.499999880e-01, v15;
	v17 =	vsub.f32 $1.000000000e+00, v20  }
0x12d: {  	v52 =	vshra.s32 v13, $0x1;
	v38 =	vmul.f32 $5.000000000e-01, v13;
	v59 =	vmul.f32 v26, v36  }
0x12e: {  	v21 =	vand.u32 $0x7FFFFFFF, v31;
	v37 =	vsub.s32 $0x5F3759DF, v52;
	v47 =	vsub.f32 $1.500000000e+00, v47  }
0x12f: {  	vm1 =	vlt.f32 v31, $0.0e+00;
	v31 =	vmul.f32 $1.872929930e-02, v18;
	v15 =	vsub.f32 $1.000000000e+00, v21  }
0x130: {  	v35 =	vmul.f32 v22, v19;
	v22 =	vand.u32 $0x7FFFFFFF, v33;
	v40 =	vmul.f32 $5.000000000e-01, v17  }
0x131: {  	v53 =	vshra.s32 v17, $0x1;
	v61 =	vmul.f32 v37, v38;
	v28 =	vmul.f32 v26, v59  }
0x132: {  	v16 =	vsub.f32 $1.000000000e+00, v22;
	v39 =	vsub.s32 $0x5F3759DF, v53;
	v32 =	vmul.f32 v32, v47  }
0x133: {  	v53 =	vmul.f32 $1.872929930e-02, v20;
	v31 =	vsub.f32 $7.426100220e-02, v31;
	v23 =	vand.u32 $0x7FFFFFFF, v35  }
0x134: {  	v54 =	vshra.s32 v15, $0x1;
	v42 =	vmul.f32 $5.000000000e-01, v15;
	v62 =	vmul.f32 v39, v40  }
0x135: {  	v0 =	vmul.f32 v37, v61;
	v28 =	vsub.f32 $1.500000000e+00, v28;
	vm7 =	vlt.f32 v35, $0.0e+00  }
0x136: {  	v19 =	vsub.f32 $1.000000000e+00, v23;
	v55 =	vshra.s32 v16, $0x1;
	v44 =	vmul.f32 $5.000000000e-01, v16  }
0x137: {  	v41 =	vsub.s32 $0x5F3759DF, v54;
	v54 =	vmul.f32 $1.872929930e-02, v21;
	v34 =	vmul.f32 v32, v34  }
0x138: {  	v33 =	vsub.f32 $7.426100220e-02, v53;
	v31 =	vmul.f32 v31, v18;
	v43 =	vsub.s32 $0x5F3759DF, v55  }
0x139: {  	v30 =	vmul.f32 v41, v42;
	v1 =	vmul.f32 v39, v62;
	v3 =	vsub.f32 $1.500000000e+00, v0  }
0x13a: {  	v5 =	vmul.f32 v26, v28;
	v55 =	vmul.f32 $1.872929930e-02, v23;
	v56 =	vshra.s32 v19, $0x1  }
0x13b: {  	v57 =	vmul.f32 $5.000000000e-01, v19;
	v63 =	vmul.f32 v43, v44;
	v35 =	vsub.f32 $7.426100220e-02, v54  }
0x13c: {  	v34 =	vmul.f32 v34, v32;
	v33 =	vmul.f32 v33, v20;
	v54 =	vadd.f32 $-2.121143940e-01, v31  }
0x13d: {  	v45 =	vsub.s32 $0x5F3759DF, v56;
	v30 =	vmul.f32 v41, v30;
	v56 =	vmul.f32 $1.872929930e-02, v22  }
0x13e: {  	v4 =	vsub.f32 $1.500000000e+00, v1;
	v36 =	vmul.f32 v5, v36;
	v27 =	vmul.f32 v45, v57  }
0x13f: {  	v2 =	vmul.f32 v43, v63;
	v34 =	vsub.f32 $1.500000000e+00, v34;
	v35 =	vmul.f32 v35, v21  }
0x140: {  	v26 =	vsub.f32 $1.500000000e+00, v30;
	v30 =	vmul.f32 v37, v3;
	v6 =	vmul.f32 v39, v4  }
0x141: {  	v39 =	vsub.f32 $7.426100220e-02, v55;
	v36 =	vmul.f32 v36, v5;
	v27 =	vmul.f32 v45, v27  }
0x142: {  	v28 =	vsub.f32 $1.500000000e+00, v2;
	v29 =	vmul.f32 v41, v26;
	v38 =	vmul.f32 v30, v38  }
0x143: {  	v50 =	vadd.f32 $-2.121143940e-01, v33;
	v40 =	vmul.f32 v6, v40;
	v59 =	vmul.f32 v39, v23  }
0x144: {  	v51 =	vadd.f32 $-2.121143940e-01, v35;
	v39 =	vmul.f32 v34, v32;
	v7 =	vmul.f32 v43, v28  }
0x145: {  	v27 =	vsub.f32 $1.500000000e+00, v27;
	v28 =	vmul.f32 $1.872929930e-02, v14;
	v42 =	vmul.f32 v29, v42  }
0x146: {  	v43 =	vsub.f32 $7.426100220e-02, v56;
	v38 =	vmul.f32 v38, v30;
	v40 =	vmul.f32 v40, v6  }
0x147: {  	v36 =	vsub.f32 $1.500000000e+00, v36;
	v26 =	vmul.f32 v45, v27;
	v27 =	vmul.f32 $1.872929930e-02, v24  }
0x148: {  	v49 =	vadd.f32 $-2.121143940e-01, v59;
	v44 =	vmul.f32 v7, v44;
	v62 =	vmul.f32 v43, v22  }
0x149: {  	v28 =	vsub.f32 $7.426100220e-02, v28;
	v43 =	vmul.f32 v36, v5;
	v42 =	vmul.f32 v42, v29  }
0x14a: {  	v38 =	vsub.f32 $1.500000000e+00, v38;
	v40 =	vsub.f32 $1.500000000e+00, v40;
	v45 =	vmul.f32 v26, v57  }
0x14b: {  	v27 =	vsub.f32 $7.426100220e-02, v27;
	v44 =	vmul.f32 v44, v7;
	v58 =	vmul.f32 v28, v14  }
0x14c: {  	v52 =	vadd.f32 $-2.121143940e-01, v62;
	v61 =	vsub.f32 $1.500000000e+00, v42;
	v42 =	vmul.f32 v38, v30  }
0x14d: {  	v45 =	vmul.f32 v45, v26;
	v57 =	vmul.f32 v27, v24;
	v63 =	vsub.f32 $1.500000000e+00, v44  }
0x14e: {  	s12 =	simm.s32 $0x0;
	v53 =	vadd.f32 $-2.121143940e-01, v58;
	v44 =	vmul.f32 v40, v6;
	v46 =	vmul.f32 v61, v29  }
0x14f: {  	s14 =	simm.s32 $0x80;
	s16 =	smov.u32 s4;
	s8 =	smov.u32 s4;
	[tilespmem:s4+$0x30] =	vst v25;
	v27 =	vsub.f32 $1.500000000e+00, v45;
	v28 =	vadd.f32 $-2.121143940e-01, v57;
	v40 =	vmul.f32 v63, v7  }
.LBB2_8:
0x150: {  	_ = 	snop  }
0x151: {  	s21 =	sadd.s32 $0x10, s14  }
0x152: {  	v56 =	vmul.f32 v28, v24;
	v24 =	vmov s21  }
0x153: {  	s23 =	sadd.s32 $0x20, s14;
	v24 =	vshll.u32 v24, $0x3  }
0x154: {  	s25 =	sadd.s32 $0x70, s14;
	v55 =	vmul.f32 v27, v26;
	v26 =	vmov s23;
	v24 =	vor.u32 v60, v24  }
0x155: {  	v27 =	vmov s25;
	v26 =	vshll.u32 v26, $0x3  }
0x156: {  	v27 =	vshll.u32 v27, $0x3;
	v37 =	vor.u32 v60, v26  }
0x157: {  	v25 =	vmov s14;
	v57 =	vor.u32 v60, v27  }
0x158: {  	s21 =	sadd.s32 $0x30, s14;
	s23 =	sadd.s32 $0x40, s14;
	s25 =	sadd.s32 $0x60, s14;
	v25 =	vshll.u32 v25, $0x3  }
0x159: {  	v28 =	vmov s21;
	v29 =	vmov s23;
	s23 =	sadd.s32 $0x50, s14;
	v31 =	vmov s25;
	v10 =	vld.idx.msk [tilespmem:v24+s18+$0x0], $0xffff  }
0x15a: {  	v30 =	vmov s23;
	v28 =	vshll.u32 v28, $0x3;
	v27 =	vor.u32 $0x3, v57;
	v2 =	vld.idx.msk [tilespmem:v24+s19+$0x0], $0xffff  }
0x15b: {  	v29 =	vshll.u32 v29, $0x3;
	v31 =	vshll.u32 v31, $0x3;
	v30 =	vshll.u32 v30, $0x3;
	v36 =	vld.idx.msk [tilespmem:v37+s18+$0x0], $0xffff  }
0x15c: {  	v35 =	vor.u32 v60, v28;
	v34 =	vor.u32 v60, v29;
	v58 =	vor.u32 $0x3, v24;
	v3 =	vld.idx.msk [tilespmem:v57+s18+$0x0], $0xffff  }
0x15d: {  	v33 =	vor.u32 v60, v30;
	v4 =	vor.u32 $0x1, v57;
	v6 =	vor.u32 $0x2, v57;
	v57 =	vld.idx.msk [tilespmem:v57+s19+$0x0], $0xffff  }
0x15e: {  	v59 =	vor.u32 $0x3, v37;
	v1 =	vor.u32 $0x1, v37;
	v30 =	vor.u32 $0x2, v37;
	v37 =	vld.idx.msk [tilespmem:v37+s19+$0x0], $0xffff  }
0x15f: {  	v29 =	vor.u32 v60, v25;
	v31 =	vor.u32 v60, v31;
	v60 =	vor.u32 $0x3, v35;
	v61 =	vld.idx.msk [tilespmem:v27+s18+$0x0], $0xffff  }
0x160: {  	v14 =	vmul.f32 v53, v14;
	v8 =	vld.idx.msk [tilespmem:v27+s19+$0x0], $0xffff  }
0x161: {  	v53 =	vmul.f32 v54, v18;
	v21 =	vmul.f32 v51, v21;
	v5 =	vld.idx.msk [tilespmem:v58+s18+$0x0], $0xffff  }
0x162: {  	vm5 =	vmmov vm7;
	v22 =	vmul.f32 v52, v22;
	v23 =	vmul.f32 v49, v23;
	v51 =	vld.idx.msk [tilespmem:v58+s19+$0x0], $0xffff  }
0x163: {  	v39 =	vmul.f32 v39, v11;
	v43 =	vmul.f32 v43, v12;
	v52 =	vadd.f32 $1.570728780e+00, v53;
	v53 =	vld.idx.msk [tilespmem:v59+s18+$0x0], $0xffff  }
0x164: {  	v42 =	vmul.f32 v42, v13;
	v15 =	vmul.f32 v46, v15;
	v62 =	vor.u32 $0x3, v34;
	v46 =	vld.idx.msk [tilespmem:v60+s18+$0x0], $0xffff  }
0x165: {  	v44 =	vmul.f32 v44, v17;
	v56 =	vadd.f32 $1.570728780e+00, v56;
	v18 =	vmul.f32 v2, v10;
	v2 =	vld.idx.msk [tilespmem:v4+s19+$0x0], $0xffff  }
0x166: {  	v12 =	vmul.f32 v40, v16;
	v49 =	vadd.f32 $1.570728780e+00, v14;
	v17 =	vadd.f32 $1.570728780e+00, v21;
	v10 =	vld.idx.msk [tilespmem:v6+s18+$0x0], $0xffff  }
0x167: {  	v14 =	vadd.f32 $1.570728780e+00, v22;
	v13 =	vadd.f32 $1.570728780e+00, v23;
	v7 =	vor.u32 $0x3, v31;
	v6 =	vld.idx.msk [tilespmem:v6+s19+$0x0], $0xffff  }
0x168: {  	v9 =	vor.u32 $0x3, v29;
	v63 =	vor.u32 $0x3, v33;
	v8 =	vmul.f32 v8, v61;
	v61 =	vld.idx.msk [tilespmem:v4+s18+$0x0], $0xffff  }
0x169: {  	v0 =	vor.u32 $0x1, v24;
	v48 =	vor.u32 $0x1, v35;
	v47 =	vor.u32 $0x1, v34;
	v40 =	vld.idx.msk [tilespmem:v62+s18+$0x0], $0xffff  }
0x16a: {  	v23 =	vmul.f32 v39, v56;
	v39 =	vmul.f32 v43, v49;
	v49 =	vld.idx.msk [tilespmem:v1+s18+$0x0], $0xffff;
	v4 =	vmax.f32 v8, $1.000000010e-10  }
0x16b: {  	v38 =	vor.u32 $0x1, v29;
	v1 =	vld.idx.msk [tilespmem:v1+s19+$0x0], $0xffff;
	v8 =	vmul.f32 v50, v20;
	v20 =	vsub.s32 $0x7EF311C3, v4  }
0x16c: {  	v41 =	vor.u32 $0x1, v31;
	v3 =	vmul.f32 v57, v3;
	v57 =	vld.idx.msk [tilespmem:v60+s19+$0x0], $0xffff;
	v50 =	vmul.f32 v20, v4  }
0x16d: {  	v8 =	vadd.f32 $1.570728780e+00, v8;
	v2 =	vmul.f32 v2, v61;
	v61 =	vmul.f32 v6, v10;
	v10 =	vld.idx.msk [tilespmem:v63+s18+$0x0], $0xffff  }
0x16e: {  	v32 =	vor.u32 $0x2, v24;
	v28 =	vor.u32 $0x2, v35;
	v11 =	vsub.f32 $2.000000000e+00, v50;
	v50 =	vld.idx.msk [tilespmem:v59+s19+$0x0], $0xffff  }
0x16f: {  	v25 =	vor.u32 $0x2, v31;
	v21 =	vmul.f32 v42, v52;
	v16 =	vmul.f32 v44, v8;
	v8 =	vld.idx.msk [tilespmem:v0+s18+$0x0], $0xffff  }
0x170: {  	v15 =	vmul.f32 v15, v17;
	v45 =	vor.u32 $0x1, v33;
	v5 =	vmul.f32 v51, v5;
	v0 =	vld.idx.msk [tilespmem:v0+s19+$0x0], $0xffff  }
0x171: {  	v26 =	vor.u32 $0x2, v33;
	v54 =	vmul.f32 v20, v11;
	v11 =	vmul.f32 v55, v19;
	v55 =	vld.idx.msk [tilespmem:v62+s19+$0x0], $0xffff  }
0x172: {  	v24 =	vor.u32 $0x2, v29;
	v36 =	vmul.f32 v37, v36;
	v2 =	vadd.f32 v2, v3;
	v62 =	vld.idx.msk [tilespmem:v63+s19+$0x0], $0xffff  }
0x173: {  	v1 =	vmul.f32 v1, v49;
	v57 =	vmul.f32 v57, v46;
	v20 =	vmax.f32 v5, $1.000000010e-10;
	v63 =	vld.idx.msk [tilespmem:v7+s18+$0x0], $0xffff  }
0x174: {  	v7 =	vld.idx.msk [tilespmem:v7+s19+$0x0], $0xffff;
	v2 =	vadd.f32 v61, v2;
	v42 =	vsub.s32 $0x7EF311C3, v20;
	v4 =	vmul.f32 v54, v4  }
0x175: {  	v1 =	vadd.f32 v1, v36;
	v56 =	vmul.f32 v42, v20;
	v61 =	vmul.f32 v50, v53  }
0x176: {  	v58 =	vld.idx.msk [tilespmem:v9+s18+$0x0], $0xffff;
	v2 =	vmul.f32 $9.499999880e-01, v2;
	v0 =	vmul.f32 v0, v8;
	v60 =	vsub.f32 $2.000000000e+00, v4  }
0x177: {  	v59 =	vld.idx.msk [tilespmem:v9+s19+$0x0], $0xffff;
	v4 =	vmax.f32 v57, $1.000000010e-10;
	v9 =	vsub.f32 $2.000000000e+00, v56;
	v22 =	vmax.f32 v61, $1.000000010e-10  }
0x178: {  	v49 =	vld.idx.msk [tilespmem:v34+s18+$0x0], $0xffff;
	v6 =	vmul.f32 v55, v40;
	v40 =	vsub.s32 $0x7EF311C3, v4;
	v3 =	vmul.f32 v60, v54  }
0x179: {  	v46 =	vld.idx.msk [tilespmem:v48+s19+$0x0], $0xffff;
	v5 =	vmul.f32 v62, v10;
	v7 =	vmul.f32 v7, v63;
	v0 =	vadd.f32 v0, v18  }
0x17a: {  	v56 =	vld.idx.msk [tilespmem:v47+s18+$0x0], $0xffff;
	v50 =	vsub.s32 $0x7EF311C3, v22;
	v61 =	vmul.f32 v40, v4;
	v19 =	vmul.f32 v3, v2  }
0x17b: {  	v47 =	vld.idx.msk [tilespmem:v47+s19+$0x0], $0xffff;
	v9 =	vmul.f32 v42, v9;
	v60 =	vmul.f32 v50, v22;
	v6 =	vmax.f32 v6, $1.000000010e-10  }
0x17c: {  	v18 =	vld.idx.msk [tilespmem:v34+s19+$0x0], $0xffff;
	v5 =	vmax.f32 v5, $1.000000010e-10;
	v7 =	vmax.f32 v7, $1.000000010e-10;
	v44 =	vand.u32 $0x7FFFFFFF, v19  }
0x17d: {  	v54 =	vld.idx.msk [tilespmem:v48+s18+$0x0], $0xffff;
	v52 =	vsub.s32 $0x7EF311C3, v6;
	v2 =	vmul.f32 v59, v58;
	v10 =	vsub.f32 $1.000000000e+00, v44  }
0x17e: {  	v42 =	vld.idx.msk [tilespmem:v41+s18+$0x0], $0xffff;
	v51 =	vsub.f32 $2.000000000e+00, v61;
	v57 =	vsub.s32 $0x7EF311C3, v5;
	v20 =	vmul.f32 v9, v20  }
0x17f: {  	v41 =	vld.idx.msk [tilespmem:v41+s19+$0x0], $0xffff;
	v3 =	vsub.f32 $2.000000000e+00, v60;
	v62 =	vshra.s32 v10, $0x1;
	v53 =	vmul.f32 $5.000000000e-01, v10  }
0x180: {  	v55 =	vmul.f32 v52, v6;
	v59 =	vmul.f32 v57, v5;
	v43 =	vsub.s32 $0x5F3759DF, v62  }
0x181: {  	v58 =	vsub.s32 $0x7EF311C3, v7;
	v40 =	vmul.f32 v40, v51;
	v63 =	vmul.f32 v43, v53  }
0x182: {  	v61 =	vld.idx.msk [tilespmem:v45+s18+$0x0], $0xffff;
	v18 =	vmul.f32 v18, v49;
	v20 =	vsub.f32 $2.000000000e+00, v20;
	v3 =	vmul.f32 v50, v3  }
0x183: {  	v45 =	vld.idx.msk [tilespmem:v45+s19+$0x0], $0xffff;
	v55 =	vsub.f32 $2.000000000e+00, v55;
	v46 =	vmul.f32 v46, v54;
	v48 =	vmul.f32 v43, v63  }
0x184: {  	v59 =	vsub.f32 $2.000000000e+00, v59;
	v54 =	vmul.f32 v47, v56;
	v41 =	vmul.f32 v41, v42  }
0x185: {  	v4 =	vmul.f32 v40, v4;
	v9 =	vmul.f32 v20, v9;
	v48 =	vsub.f32 $1.500000000e+00, v48  }
0x186: {  	v2 =	vmax.f32 v2, $1.000000010e-10;
	v51 =	vmul.f32 v52, v55;
	v55 =	vmul.f32 v57, v59  }
0x187: {  	v8 =	vld.idx.msk [tilespmem:v35+s19+$0x0], $0xffff;
	v60 =	vsub.s32 $0x7EF311C3, v2;
	v43 =	vmul.f32 v43, v48;
	v48 =	vmul.f32 $1.872929930e-02, v44  }
0x188: {  	v56 =	vld.idx.msk [tilespmem:v33+s18+$0x0], $0xffff;
	v52 =	vsub.f32 $3.141592740e+00, v23;
	v45 =	vmul.f32 v45, v61;
	v62 =	vmul.f32 v58, v7  }
0x189: {  	v33 =	vld.idx.msk [tilespmem:v33+s19+$0x0], $0xffff;
	v22 =	vmul.f32 v3, v22;
	v53 =	vmul.f32 v43, v53;
	v48 =	vsub.f32 $7.426100220e-02, v48  }
0x18a: {  	v59 =	vld.idx.msk [tilespmem:v35+s18+$0x0], $0xffff;
	v23 =	vsel vm6, v52, v23;
	v50 =	vsub.f32 $2.000000000e+00, v62;
	v63 =	vmul.f32 v60, v2  }
0x18b: {  	v27 =	vor.u32 $0x2, v34;
	[tilespmem:s8+$0xFFFFFFD0] =	vst v23;
	v23 =	vld.idx.msk [tilespmem:v31+s19+$0x0], $0xffff;
	v53 =	vmul.f32 v53, v43;
	v48 =	vmul.f32 v48, v44  }
0x18c: {  	v49 =	vld.idx.msk [tilespmem:v32+s18+$0x0], $0xffff;
	v50 =	vmul.f32 v58, v50;
	v58 =	vsub.f32 $3.141592740e+00, v39;
	v62 =	vsub.f32 $2.000000000e+00, v63  }
0x18d: {  	v6 =	vmul.f32 v51, v6;
	v32 =	vld.idx.msk [tilespmem:v32+s19+$0x0], $0xffff;
	v53 =	vsub.f32 $1.500000000e+00, v53;
	v48 =	vadd.f32 $-2.121143940e-01, v48  }
0x18e: {  	v39 =	vsel vm4, v58, v39;
	v58 =	vld.idx.msk [tilespmem:v31+s18+$0x0], $0xffff;
	v57 =	vmul.f32 v60, v62;
	v60 =	vsub.f32 $3.141592740e+00, v21  }
0x18f: {  	v35 =	vsub.f32 $3.141592740e+00, v16;
	v31 =	vld.idx.msk [tilespmem:v29+s18+$0x0], $0xffff;
	v43 =	vmul.f32 v53, v43;
	v44 =	vmul.f32 v48, v44  }
0x190: {  	v4 =	vsub.f32 $2.000000000e+00, v4;
	v5 =	vmul.f32 v55, v5;
	v29 =	vld.idx.msk [tilespmem:v29+s19+$0x0], $0xffff;
	[tilespmem:s8+$0xFFFFFFE0] =	vst v39;
	v21 =	vsel vm3, v60, v21  }
0x191: {  	vm3 =	vlt.f32 v19, $0.0e+00;
	v19 =	vld.idx.msk [tilespmem:v30+s18+$0x0], $0xffff;
	v10 =	vmul.f32 v43, v10;
	v48 =	vadd.f32 $1.570728780e+00, v44  }
0x192: {  	v18 =	vadd.f32 v54, v18;
	v33 =	vmul.f32 v33, v56;
	v6 =	vsub.f32 $2.000000000e+00, v6;
	[tilespmem:s8+$0xFFFFFFF0] =	vst v21;
	v21 =	vld.idx.msk [tilespmem:v30+s19+$0x0], $0xffff  }
0x193: {  	v4 =	vmul.f32 v4, v40;
	v5 =	vsub.f32 $2.000000000e+00, v5;
	v63 =	vld.idx.msk [tilespmem:v38+s18+$0x0], $0xffff;
	v10 =	vmul.f32 v10, v48  }
0x194: {  	v16 =	vsel vm2, v35, v16;
	v8 =	vmul.f32 v8, v59;
	v38 =	vld.idx.msk [tilespmem:v38+s19+$0x0], $0xffff;
	v6 =	vmul.f32 v6, v51  }
0x195: {  	v5 =	vmul.f32 v5, v55;
	v7 =	vmul.f32 v50, v7;
	v42 =	vsub.f32 $3.141592740e+00, v10  }
0x196: {  	v8 =	vadd.f32 v46, v8;
	v17 =	vmul.f32 v29, v31;
	v29 =	vmul.f32 v32, v49  }
0x197: {  	v20 =	vld.idx.msk [tilespmem:v27+s18+$0x0], $0xffff;
	v7 =	vsub.f32 $2.000000000e+00, v7;
	s8 =	sadd.s32 $0x80, s8;
	v19 =	vmul.f32 v21, v19;
	v10 =	vsel vm3, v42, v10  }
0x198: {  	v2 =	vmul.f32 v57, v2;
	v0 =	vadd.f32 v29, v0;
	[tilespmem:s8+$0x30] =	vst v10;
	v10 =	vsub.f32 $2.000000000e+00, v22;
	v22 =	vld.idx.msk [tilespmem:v28+s18+$0x0], $0xffff  }
0x199: {  	v38 =	vmul.f32 v38, v63;
	v7 =	vmul.f32 v7, v50;
	v1 =	vadd.f32 v19, v1;
	v28 =	vld.idx.msk [tilespmem:v28+s19+$0x0], $0xffff  }
0x19a: {  	v27 =	vld.idx.msk [tilespmem:v27+s19+$0x0], $0xffff;
	v23 =	vmul.f32 v23, v58;
	v2 =	vsub.f32 $2.000000000e+00, v2;
	v0 =	vmul.f32 $9.499999880e-01, v0  }
0x19b: {  	v30 =	vadd.f32 v45, v33;
	v21 =	vld.idx.msk [tilespmem:v26+s19+$0x0], $0xffff;
	v1 =	vmul.f32 $9.499999880e-01, v1;
	v3 =	vmul.f32 v10, v3  }
0x19c: {  	v31 =	vsub.f32 $3.141592740e+00, v15;
	v23 =	vadd.f32 v41, v23;
	v2 =	vmul.f32 v2, v57;
	v10 =	vld.idx.msk [tilespmem:v26+s18+$0x0], $0xffff  }
0x19d: {  	v17 =	vadd.f32 v38, v17;
	v29 =	vld.idx.msk [tilespmem:v24+s18+$0x0], $0xffff;
	v0 =	vmul.f32 v9, v0;
	v1 =	vmul.f32 v3, v1  }
0x19e: {  	v15 =	vsel vm1, v31, v15;
	v26 =	vld.idx.msk [tilespmem:v25+s18+$0x0], $0xffff;
	v19 =	vmul.f32 v28, v22;
	v28 =	vmul.f32 v12, v14  }
0x19f: {  	vm6 =	vlt.f32 v0, $0.0e+00;
	v22 =	vld.idx.msk [tilespmem:v25+s19+$0x0], $0xffff;
	v14 =	vmul.f32 v27, v20;
	v25 =	vmul.f32 v11, v13  }
0x1a0: {  	v12 =	vld.idx.msk [tilespmem:v24+s19+$0x0], $0xffff;
	v24 =	vand.u32 $0x7FFFFFFF, v0;
	vm4 =	vlt.f32 v1, $0.0e+00;
	v8 =	vadd.f32 v19, v8  }
0x1a1: {  	v9 =	vsub.f32 $3.141592740e+00, v28;
	v11 =	vadd.f32 v14, v18;
	v10 =	vmul.f32 v21, v10  }
0x1a2: {  	v27 =	vsub.f32 $3.141592740e+00, v25;
	v14 =	vand.u32 $0x7FFFFFFF, v1;
	v8 =	vmul.f32 $9.499999880e-01, v8  }
0x1a3: {  	v52 =	vmul.f32 $9.499999880e-01, v11;
	v10 =	vadd.f32 v10, v30;
	v11 =	vsub.f32 $1.000000000e+00, v24  }
0x1a4: {  	v9 =	vsel vm0, v9, v28;
	v13 =	vmul.f32 v22, v26;
	v4 =	vmul.f32 v4, v8  }
0x1a5: {  	v8 =	vmul.f32 v12, v29;
	v10 =	vmul.f32 $9.499999880e-01, v10;
	v12 =	vsub.f32 $1.000000000e+00, v14  }
0x1a6: {  	v3 =	vmul.f32 v6, v52;
	v13 =	vadd.f32 v13, v23;
	v18 =	vand.u32 $0x7FFFFFFF, v4  }
0x1a7: {  	v53 =	vadd.f32 v8, v17;
	v5 =	vmul.f32 v5, v10;
	v10 =	vshra.s32 v11, $0x1  }
0x1a8: {  	v20 =	vand.u32 $0x7FFFFFFF, v3;
	v54 =	vshra.s32 v12, $0x1;
	v29 =	vmul.f32 $5.000000000e-01, v12  }
0x1a9: {  	vm3 =	vlt.f32 v4, $0.0e+00;
	vm2 =	vlt.f32 v3, $0.0e+00;
	v8 =	vmul.f32 $9.499999880e-01, v13  }
0x1aa: {  	v13 =	vsub.f32 $1.000000000e+00, v18;
	v17 =	vsub.f32 $1.000000000e+00, v20;
	v10 =	vsub.s32 $0x5F3759DF, v10  }
0x1ab: {  	v28 =	vmul.f32 $1.872929930e-02, v20;
	v6 =	vmul.f32 $9.499999880e-01, v53;
	v21 =	vand.u32 $0x7FFFFFFF, v5  }
0x1ac: {  	vm1 =	vlt.f32 v5, $0.0e+00;
	v7 =	vmul.f32 v7, v8;
	v8 =	vmul.f32 $5.000000000e-01, v11  }
0x1ad: {  	[tilespmem:s16+$0x10] =	vst v15;
	v15 =	vsub.f32 $1.000000000e+00, v21;
	v26 =	vshra.s32 v13, $0x1;
	v30 =	vmul.f32 $5.000000000e-01, v13  }
0x1ae: {  	v31 =	vshra.s32 v17, $0x1;
	v32 =	vmul.f32 $5.000000000e-01, v17;
	v28 =	vsub.f32 $7.426100220e-02, v28  }
0x1af: {  	v2 =	vmul.f32 v2, v6;
	v6 =	vsub.s32 $0x5F3759DF, v54;
	v26 =	vsub.s32 $0x5F3759DF, v26  }
0x1b0: {  	v31 =	vsub.s32 $0x5F3759DF, v31;
	v54 =	vmul.f32 $1.872929930e-02, v24;
	v34 =	vmul.f32 $5.000000000e-01, v15  }
0x1b1: {  	v22 =	vand.u32 $0x7FFFFFFF, v7;
	v61 =	vmul.f32 v10, v8;
	v62 =	vmul.f32 v6, v29  }
0x1b2: {  	v55 =	vshra.s32 v15, $0x1;
	v63 =	vmul.f32 v26, v30;
	v45 =	vmul.f32 v31, v32  }
0x1b3: {  	[tilespmem:s16+$0x0] =	vst v16;
	vm8 =	vlt.f32 v7, $0.0e+00;
	v16 =	vsub.f32 $1.000000000e+00, v22;
	v33 =	vsub.s32 $0x5F3759DF, v55  }
0x1b4: {  	v23 =	vand.u32 $0x7FFFFFFF, v2;
	v55 =	vmul.f32 $1.872929930e-02, v14;
	v46 =	vmul.f32 v33, v34  }
0x1b5: {  	vm7 =	vlt.f32 v2, $0.0e+00;
	v39 =	vmul.f32 v10, v61;
	v0 =	vmul.f32 v6, v62  }
0x1b6: {  	v2 =	vsub.f32 $7.426100220e-02, v54;
	v1 =	vmul.f32 v26, v63;
	v50 =	vmul.f32 v31, v45  }
0x1b7: {  	[tilespmem:s16+$0x20] =	vst v9;
	v19 =	vsub.f32 $1.000000000e+00, v23;
	v9 =	vmul.f32 $1.872929930e-02, v23;
	v62 =	vmul.f32 v28, v20  }
0x1b8: {  	v56 =	vshra.s32 v16, $0x1;
	v57 =	vmul.f32 $5.000000000e-01, v16;
	v7 =	vsub.f32 $7.426100220e-02, v55  }
0x1b9: {  	v2 =	vmul.f32 v2, v24;
	v58 =	vshra.s32 v19, $0x1;
	v59 =	vmul.f32 $5.000000000e-01, v19  }
0x1ba: {  	v35 =	vsub.s32 $0x5F3759DF, v56;
	v49 =	vsub.f32 $1.500000000e+00, v39;
	v4 =	vmul.f32 v33, v46  }
0x1bb: {  	v0 =	vsub.f32 $1.500000000e+00, v0;
	v1 =	vsub.f32 $1.500000000e+00, v1;
	v56 =	vmul.f32 $1.872929930e-02, v22  }
0x1bc: {  	v37 =	vsub.s32 $0x5F3759DF, v58;
	v47 =	vmul.f32 v35, v57;
	v7 =	vmul.f32 v7, v14  }
0x1bd: {  	v5 =	vsub.f32 $1.500000000e+00, v50;
	v48 =	vmul.f32 v37, v59;
	v3 =	vmul.f32 v10, v49  }
0x1be: {  	v9 =	vsub.f32 $7.426100220e-02, v9;
	v0 =	vmul.f32 v6, v0;
	v1 =	vmul.f32 v26, v1  }
0x1bf: {  	v4 =	vsub.f32 $1.500000000e+00, v4;
	v5 =	vmul.f32 v31, v5;
	v31 =	vmul.f32 $1.872929930e-02, v21  }
0x1c0: {  	v25 =	vsel vm5, v27, v25;
	v9 =	vmul.f32 v9, v23;
	v52 =	vmul.f32 v35, v47  }
0x1c1: {  	vm0 =	vmmov vm8;
	v51 =	vmul.f32 v37, v48;
	v4 =	vmul.f32 v33, v4  }
0x1c2: {  	v50 =	vadd.f32 $-2.121143940e-01, v62;
	v8 =	vmul.f32 v3, v8;
	v29 =	vmul.f32 v0, v29  }
0x1c3: {  	v28 =	vadd.f32 $-2.121143940e-01, v2;
	v30 =	vmul.f32 v1, v30;
	v32 =	vmul.f32 v5, v32  }
0x1c4: {  	v31 =	vsub.f32 $7.426100220e-02, v31;
	v33 =	vsub.f32 $7.426100220e-02, v56;
	v34 =	vmul.f32 v4, v34  }
0x1c5: {  	v53 =	vsub.f32 $1.500000000e+00, v52;
	v8 =	vmul.f32 v8, v3;
	v29 =	vmul.f32 v29, v0  }
0x1c6: {  	v10 =	vsub.f32 $1.500000000e+00, v51;
	v27 =	vmul.f32 v30, v1;
	v30 =	vmul.f32 v32, v5  }
0x1c7: {  	v49 =	vadd.f32 $-2.121143940e-01, v9;
	v31 =	vmul.f32 v31, v21;
	v33 =	vmul.f32 v33, v22  }
0x1c8: {  	v6 =	vmul.f32 v35, v53;
	v53 =	vadd.f32 $-2.121143940e-01, v7;
	v26 =	vmul.f32 v37, v10  }
0x1c9: {  	[tilespmem:s16+$0xFFFFFFC0] =	vst v25;
	v10 =	vmul.f32 $1.872929930e-02, v18;
	v8 =	vsub.f32 $1.500000000e+00, v8;
	v25 =	vmul.f32 v34, v4  }
0x1ca: {  	s12 =	sadd.s32 $0x8, s12;
	v29 =	vsub.f32 $1.500000000e+00, v29;
	v61 =	vsub.f32 $1.500000000e+00, v27;
	v35 =	vmul.f32 v6, v57  }
0x1cb: {  	p0 =	slt.u32 s12, $0x20;
	v30 =	vsub.f32 $1.500000000e+00, v30;
	v51 =	vadd.f32 $-2.121143940e-01, v31;
	v57 =	vmul.f32 v26, v59  }
.Ltmp2:
0x1cc: {  	v10 =	vsub.f32 $7.426100220e-02, v10;
	v39 =	vmul.f32 v8, v3;
	v58 =	vmul.f32 v35, v6;
	(pc) =	sbr.rel @p0 .LBB2_8-.Ltmp2, $4  }
0x1cd: {  	v25 =	vsub.f32 $1.500000000e+00, v25;
	v43 =	vmul.f32 v29, v0;
	v42 =	vmul.f32 v61, v1  }
0x1ce: {  	v59 =	vmul.f32 v57, v26;
	v10 =	vmul.f32 v10, v18;
	v63 =	vsub.f32 $1.500000000e+00, v58  }
0x1cf: {  	v52 =	vadd.f32 $-2.121143940e-01, v33;
	v44 =	vmul.f32 v30, v5;
	v46 =	vmul.f32 v25, v4  }
0x1d0: {  	s14 =	sadd.s32 $0x80, s14;
	v60 =	vld [tilespmem:$0x1FF80];
	s16 =	smov.u32 s8;
	v27 =	vsub.f32 $1.500000000e+00, v59;
	v54 =	vadd.f32 $-2.121143940e-01, v10;
	v40 =	vmul.f32 v63, v6  }
0x1d1: {  	v1 =	vmul.f32 v28, v24;
	v2 =	vmul.f32 v53, v14  }
0x1d2: {  	v4 =	vmul.f32 v50, v20;
	v5 =	vmul.f32 v51, v21  }
0x1d3: {  	v6 =	vmul.f32 v52, v22;
	v7 =	vmul.f32 v49, v23  }
0x1d4: {  	v8 =	vmul.f32 v39, v11;
	v9 =	vmul.f32 v43, v12  }
0x1d5: {  	v10 =	vmul.f32 v42, v13;
	v11 =	vmul.f32 v44, v17  }
0x1d6: {  	v12 =	vmul.f32 v46, v15;
	v3 =	vmul.f32 v54, v18;
	v1 =	vadd.f32 $1.570728780e+00, v1  }
0x1d7: {  	v0 =	vmul.f32 v27, v26;
	v2 =	vadd.f32 $1.570728780e+00, v2;
	v4 =	vadd.f32 $1.570728780e+00, v4  }
0x1d8: {  	v5 =	vadd.f32 $1.570728780e+00, v5;
	v3 =	vadd.f32 $1.570728780e+00, v3;
	v1 =	vmul.f32 v8, v1  }
0x1d9: {  	v6 =	vadd.f32 $1.570728780e+00, v6;
	v7 =	vadd.f32 $1.570728780e+00, v7;
	v2 =	vmul.f32 v9, v2  }
0x1da: {  	v0 =	vmul.f32 v0, v19;
	v3 =	vmul.f32 v10, v3;
	v9 =	vsub.f32 $3.141592740e+00, v1  }
0x1db: {  	v8 =	vmul.f32 v40, v16;
	v5 =	vmul.f32 v12, v5;
	v10 =	vsub.f32 $3.141592740e+00, v2  }
0x1dc: {  	v4 =	vmul.f32 v11, v4;
	v11 =	vsub.f32 $3.141592740e+00, v3;
	v1 =	vsel vm6, v9, v1  }
0x1dd: {  	v34 =	vmul.f32 v8, v6;
	v35 =	vsub.f32 $3.141592740e+00, v5;
	v2 =	vsel vm4, v10, v2;
	[tilespmem:s8+$0xFFFFFFD0] =	vst v1  }
0x1de: {  	v0 =	vmul.f32 v0, v7;
	v9 =	vsub.f32 $3.141592740e+00, v4;
	v3 =	vsel vm3, v11, v3;
	[tilespmem:s8+$0xFFFFFFE0] =	vst v2  }
0x1df: {  	v37 =	vsub.f32 $3.141592740e+00, v34;
	v2 =	vsel vm1, v35, v5;
	[tilespmem:s8+$0xFFFFFFF0] =	vst v3  }
0x1e0: {  	v38 =	vsub.f32 $3.141592740e+00, v0;
	v36 =	vsel vm2, v9, v4;
	[tilespmem:s16+$0x10] =	vst v2  }
0x1e1: {  	vm1 =	vmmov vm7;
	v1 =	vsel vm0, v37, v34;
	s8 =	smul.u32 $0x500, s9;
	[tilespmem:s16+$0x0] =	vst v36  }
0x1e2: {  	v0 =	vsel vm1, v38, v0;
	[tilespmem:s16+$0x20] =	vst v1  }
0x1e3: {  	[tilespmem:s16+$0xFFFFFFC0] =	vst v0;
	s12 =	sadd.s32 $0x500, s8  }
0x1e4: {  	[tilespmem:s18], [sflag:$0x1] =	stream.indirect.gather [hbm4b:s10+s17], $0x8, s12, s17, $0xb8;
	[tilespmem:$0x16940] =	vst v63  }
0x1e5: {  	s14 =	sadd.s32 $0x4380, s8  }
0x1e6: {  	[tilespmem:s19], [sflag:$0x2] =	stream.indirect.gather [hbm4b:s10+s17], $0x8, s14, s17, $0xb8;
	[tilespmem:$0x16940] =	vst v63  }
0x1e7: {  	s16 =	sadd.s32 $0x580, s8  }
0x1e8: {  	[tilespmem:s20], [sflag:$0x1] =	stream.indirect.gather [hbm4b:s10+s17], $0x8, s16, s17, $0xb8;
	[tilespmem:$0x16940] =	vst v63  }
0x1e9: {  	s21 =	sadd.s32 $0x4400, s8  }
0x1ea: {  	[tilespmem:s22], [sflag:$0x2] =	stream.indirect.gather [hbm4b:s10+s17], $0x8, s21, s17, $0xb8;
	[tilespmem:$0x16940] =	vst v63  }
0x1eb: {  	s23 =	sadd.s32 $0x600, s8  }
0x1ec: {  	[tilespmem:s24], [sflag:$0x1] =	stream.indirect.gather [hbm4b:s10+s17], $0x8, s23, s17, $0xb8;
	[tilespmem:$0x16940] =	vst v63  }
0x1ed: {  	s25 =	sadd.s32 $0x4480, s8  }
0x1ee: {  	[tilespmem:s26], [sflag:$0x2] =	stream.indirect.gather [hbm4b:s10+s17], $0x8, s25, s17, $0xb8;
	[tilespmem:$0x16940] =	vst v63  }
0x1ef: {  	s14 =	sadd.s32 $0x680, s8  }
0x1f0: {  	[tilespmem:s29], [sflag:$0x1] =	stream.indirect.gather [hbm4b:s10+s17], $0x8, s14, s17, $0xb8;
	[tilespmem:$0x16940] =	vst v63  }
0x1f1: {  	s16 =	sadd.s32 $0x4500, s8  }
0x1f2: {  	[tilespmem:s31], [sflag:$0x2] =	stream.indirect.gather [hbm4b:s10+s17], $0x8, s16, s17, $0xb8;
	[tilespmem:$0x16940] =	vst v63  }
0x1f3: {  	s21 =	sadd.s32 $0x700, s8  }
0x1f4: {  	[tilespmem:s6], [sflag:$0x1] =	stream.indirect.gather [hbm4b:s10+s17], $0x8, s21, s17, $0xb8;
	[tilespmem:$0x16940] =	vst v63  }
0x1f5: {  	s8 =	sadd.s32 $0x4580, s8  }
0x1f6: {  	[tilespmem:s0], [sflag:$0x2] =	stream.indirect.gather [hbm4b:s10+s17], $0x8, s8, s17, $0xb8;
	[tilespmem:$0x16940] =	vst v63  }
0x1f7: {  	_ =	swait.ge [sflag:s5], $0x400  }
0x1f8: {  	[sflag:s5] =	ssyncset.done $0x0  }
0x1f9: {  	[sflag:s5] =	ssyncadd.s32 $0xFFFFFC00  }
0x1fa: {  	_ =	swait.ge [sflag:s7], $0x400  }
0x1fb: {  	[sflag:s7] =	ssyncset.done $0x0  }
0x1fc: {  	[sflag:s7] =	ssyncadd.s32 $0xFFFFFC00  }
0x1fd: {  	_ =	swait.ge [sflag:s5], $0x400  }
0x1fe: {  	[sflag:s5] =	ssyncset.done $0x0  }
0x1ff: {  	[sflag:s5] =	ssyncadd.s32 $0xFFFFFC00  }
0x200: {  	_ =	swait.ge [sflag:s7], $0x400  }
0x201: {  	[sflag:s7] =	ssyncset.done $0x0  }
0x202: {  	[sflag:s7] =	ssyncadd.s32 $0xFFFFFC00  }
0x203: {  	_ =	swait.ge [sflag:s5], $0x400  }
0x204: {  	[sflag:s5] =	ssyncset.done $0x0  }
0x205: {  	[sflag:s5] =	ssyncadd.s32 $0xFFFFFC00  }
0x206: {  	_ =	swait.ge [sflag:s7], $0x400  }
0x207: {  	[sflag:s7] =	ssyncset.done $0x0  }
0x208: {  	[sflag:s7] =	ssyncadd.s32 $0xFFFFFC00  }
0x209: {  	_ =	swait.ge [sflag:s5], $0x400  }
0x20a: {  	[sflag:s5] =	ssyncset.done $0x0  }
0x20b: {  	[sflag:s5] =	ssyncadd.s32 $0xFFFFFC00  }
0x20c: {  	s23 =	simm.s32 $0x70;
	_ =	swait.ge [sflag:s7], $0x400  }
0x20d: {  	v39 =	vmov s23;
	[sflag:s7] =	ssyncset.done $0x0  }
0x20e: {  	v0 =	vshll.u32 v39, $0x3;
	[sflag:s7] =	ssyncadd.s32 $0xFFFFFC00  }
0x20f: {  	s25 =	simm.s32 $0x10;
	v0 =	vor.u32 v60, v0;
	_ =	swait.ge [sflag:s5], $0x400  }
0x210: {  	v40 =	vmov s25;
	v41 =	vor.u32 $0x3, v0;
	[sflag:s5] =	ssyncset.done $0x0  }
0x211: {  	v1 =	vshll.u32 v40, $0x3;
	[sflag:s5] =	ssyncadd.s32 $0xFFFFFC00  }
0x212: {  	v13 =	vor.u32 v60, v1;
	_ =	swait.ge [sflag:s7], $0x400  }
0x213: {  	[sflag:s7] =	ssyncset.done $0x0  }
0x214: {  	v44 =	vor.u32 $0x3, v13;
	[sflag:s7] =	ssyncadd.s32 $0xFFFFFC00  }
0x215: {  	v45 =	vld.idx.msk [tilespmem:v41+s1+$0x0], $0xffff  }
0x216: {  	v2 =	vld.idx.msk [tilespmem:v41+s2+$0x0], $0xffff  }
0x217: {  	v48 =	vor.u32 $0x1, v0;
	v46 =	vld.idx.msk [tilespmem:v13+s1+$0x0], $0xffff  }
0x218: {  	s14 =	simm.s32 $0x20;
	v47 =	vld.idx.msk [tilespmem:v13+s2+$0x0], $0xffff  }
0x219: {  	v8 =	vor.u32 $0x2, v0;
	v42 =	vmov s14;
	v49 =	vld.idx.msk [tilespmem:v44+s1+$0x0], $0xffff  }
0x21a: {  	v43 =	vshll.u32 v42, $0x3;
	s16 =	simm.s32 $0x30;
	v9 =	vld.idx.msk [tilespmem:v0+s1+$0x0], $0xffff  }
0x21b: {  	v12 =	vor.u32 v60, v43;
	v10 =	vmov s16;
	s21 =	simm.s32 $0x40;
	v0 =	vld.idx.msk [tilespmem:v0+s2+$0x0], $0xffff  }
0x21c: {  	v10 =	vshll.u32 v10, $0x3;
	v16 =	vor.u32 $0x3, v12;
	v15 =	vmov s21;
	v19 =	vld.idx.msk [tilespmem:v48+s1+$0x0], $0xffff  }
0x21d: {  	v14 =	vor.u32 v60, v10;
	v51 =	vshll.u32 v15, $0x3;
	v50 =	vld.idx.msk [tilespmem:v48+s2+$0x0], $0xffff  }
0x21e: {  	v10 =	vor.u32 $0x3, v14;
	v15 =	vor.u32 v60, v51;
	v20 =	vld.idx.msk [tilespmem:v8+s1+$0x0], $0xffff  }
0x21f: {  	v29 =	vor.u32 $0x1, v15;
	v52 =	vld.idx.msk [tilespmem:v8+s2+$0x0], $0xffff  }
0x220: {  	s23 =	simm.s32 $0x50;
	v1 =	vld.idx.msk [tilespmem:v44+s2+$0x0], $0xffff  }
0x221: {  	v17 =	vmov s23;
	v23 =	vld.idx.msk [tilespmem:v16+s1+$0x0], $0xffff  }
0x222: {  	v21 =	vor.u32 $0x3, v15;
	v8 =	vshll.u32 v17, $0x3;
	v25 =	vld.idx.msk [tilespmem:v16+s2+$0x0], $0xffff  }
0x223: {  	s25 =	simm.s32 $0x60;
	v27 =	vld.idx.msk [tilespmem:v10+s1+$0x0], $0xffff;
	v18 =	vor.u32 v60, v8  }
0x224: {  	v17 =	vmov s25;
	v40 =	vld.idx.msk [tilespmem:v29+s1+$0x0], $0xffff;
	v24 =	vor.u32 $0x3, v18;
	v2 =	vmul.f32 v2, v45  }
0x225: {  	v29 =	vld.idx.msk [tilespmem:v29+s2+$0x0], $0xffff;
	v17 =	vshll.u32 v17, $0x3  }
0x226: {  	s8 =	simm.s32 $0x0;
	v30 =	vor.u32 $0x1, v18;
	v0 =	vmul.f32 v0, v9;
	v9 =	vld.idx.msk [tilespmem:v10+s2+$0x0], $0xffff;
	v2 =	vmax.f32 v2, $1.000000010e-10  }
0x227: {  	v26 =	vmov s8;
	v16 =	vor.u32 v60, v17;
	v10 =	vld.idx.msk [tilespmem:v21+s1+$0x0], $0xffff;
	v22 =	vsub.s32 $0x7EF311C3, v2  }
0x228: {  	v17 =	vshll.u32 v26, $0x3;
	v26 =	vor.u32 $0x3, v16;
	v21 =	vld.idx.msk [tilespmem:v21+s2+$0x0], $0xffff;
	v8 =	vmul.f32 v22, v2  }
0x229: {  	v28 =	vor.u32 $0x1, v12;
	v17 =	vor.u32 v60, v17;
	v3 =	vmul.f32 v50, v19;
	v54 =	vld.idx.msk [tilespmem:v24+s1+$0x0], $0xffff  }
0x22a: {  	v53 =	vmul.f32 v52, v20;
	v20 =	vor.u32 $0x1, v14;
	v55 =	vld.idx.msk [tilespmem:v24+s2+$0x0], $0xffff;
	v8 =	vsub.f32 $2.000000000e+00, v8  }
0x22b: {  	v31 =	vor.u32 $0x1, v16;
	v1 =	vmul.f32 v1, v49;
	v23 =	vmul.f32 v25, v23;
	v42 =	vld.idx.msk [tilespmem:v30+s1+$0x0], $0xffff  }
0x22c: {  	v19 =	vor.u32 $0x3, v17;
	v4 =	vmul.f32 v47, v46;
	v30 =	vld.idx.msk [tilespmem:v30+s2+$0x0], $0xffff;
	v8 =	vmul.f32 v22, v8  }
0x22d: {  	v29 =	vmul.f32 v29, v40;
	v0 =	vadd.f32 v3, v0;
	v1 =	vmax.f32 v1, $1.000000010e-10;
	v56 =	vld.idx.msk [tilespmem:v26+s1+$0x0], $0xffff  }
0x22e: {  	v25 =	vld.idx.msk [tilespmem:v26+s2+$0x0], $0xffff;
	v26 =	vsub.s32 $0x7EF311C3, v1;
	v22 =	vor.u32 $0x1, v13;
	v2 =	vmul.f32 v8, v2  }
0x22f: {  	v24 =	vor.u32 $0x1, v17;
	v0 =	vadd.f32 v53, v0;
	v57 =	vmul.f32 v26, v1;
	v36 =	vld.idx.msk [tilespmem:v20+s1+$0x0], $0xffff  }
0x230: {  	v23 =	vmax.f32 v23, $1.000000010e-10;
	v9 =	vmul.f32 v9, v27;
	v20 =	vld.idx.msk [tilespmem:v20+s2+$0x0], $0xffff;
	v2 =	vsub.f32 $2.000000000e+00, v2  }
0x231: {  	v10 =	vmul.f32 v21, v10;
	v0 =	vmul.f32 $9.499999880e-01, v0;
	v5 =	vsub.f32 $2.000000000e+00, v57;
	v57 =	vld.idx.msk [tilespmem:v14+s2+$0x0], $0xffff  }
0x232: {  	v27 =	vsub.s32 $0x7EF311C3, v23;
	v6 =	vmul.f32 v55, v54;
	v55 =	vld.idx.msk [tilespmem:v14+s1+$0x0], $0xffff;
	v2 =	vmul.f32 v2, v8  }
0x233: {  	v32 =	vmul.f32 v27, v23;
	v9 =	vmax.f32 v9, $1.000000010e-10;
	v10 =	vmax.f32 v10, $1.000000010e-10;
	v21 =	vld.idx.msk [tilespmem:v22+s2+$0x0], $0xffff  }
0x234: {  	v14 =	vor.u32 $0x2, v14;
	v30 =	vmul.f32 v30, v42;
	v8 =	vld.idx.msk [tilespmem:v19+s1+$0x0], $0xffff;
	v0 =	vmul.f32 v2, v0  }
0x235: {  	v34 =	vsub.s32 $0x7EF311C3, v9;
	v58 =	vsub.f32 $2.000000000e+00, v32;
	v37 =	vsub.s32 $0x7EF311C3, v10;
	v19 =	vld.idx.msk [tilespmem:v19+s2+$0x0], $0xffff  }
0x236: {  	v3 =	vmul.f32 v25, v56;
	v5 =	vmul.f32 v26, v5;
	v2 =	vld.idx.msk [tilespmem:v22+s1+$0x0], $0xffff;
	v22 =	vand.u32 $0x7FFFFFFF, v0  }
0x237: {  	v13 =	vor.u32 $0x2, v13;
	v59 =	vmul.f32 v34, v9;
	v35 =	vsub.f32 $1.000000000e+00, v22  }
0x238: {  	v52 =	vld.idx.msk [tilespmem:v31+s1+$0x0], $0xffff;
	v25 =	vmul.f32 v37, v10;
	v6 =	vmax.f32 v6, $1.000000010e-10;
	v3 =	vmax.f32 v3, $1.000000010e-10  }
0x239: {  	v26 =	vld.idx.msk [tilespmem:v24+s1+$0x0], $0xffff;
	v7 =	vmul.f32 v27, v58;
	v38 =	vshra.s32 v35, $0x1;
	v61 =	vmul.f32 $5.000000000e-01, v35  }
0x23a: {  	v24 =	vld.idx.msk [tilespmem:v24+s2+$0x0], $0xffff;
	v20 =	vmul.f32 v20, v36;
	v1 =	vmul.f32 v5, v1;
	v38 =	vsub.s32 $0x5F3759DF, v38  }
0x23b: {  	v31 =	vld.idx.msk [tilespmem:v31+s2+$0x0], $0xffff;
	v41 =	vsub.s32 $0x7EF311C3, v6;
	v8 =	vmul.f32 v19, v8;
	v19 =	vmul.f32 v38, v61  }
0x23c: {  	v32 =	vsub.f32 $2.000000000e+00, v59;
	v62 =	vsub.s32 $0x7EF311C3, v3;
	v63 =	vmul.f32 v41, v6  }
0x23d: {  	v25 =	vsub.f32 $2.000000000e+00, v25;
	v47 =	vmul.f32 v62, v3;
	v19 =	vmul.f32 v38, v19  }
0x23e: {  	v11 =	vld.idx.msk [tilespmem:v12+s1+$0x0], $0xffff;
	v49 =	vmul.f32 v7, v23;
	v1 =	vsub.f32 $2.000000000e+00, v1;
	v32 =	vmul.f32 v34, v32  }
0x23f: {  	v33 =	vld.idx.msk [tilespmem:v28+s1+$0x0], $0xffff;
	v34 =	vmul.f32 v37, v25;
	v24 =	vmul.f32 v24, v26;
	v19 =	vsub.f32 $1.500000000e+00, v19  }
0x240: {  	v28 =	vld.idx.msk [tilespmem:v28+s2+$0x0], $0xffff;
	v44 =	vsub.f32 $2.000000000e+00, v63;
	v26 =	vmul.f32 v31, v52;
	v1 =	vmul.f32 v1, v5  }
0x241: {  	v25 =	vld.idx.msk [tilespmem:v12+s2+$0x0], $0xffff;
	v12 =	vor.u32 $0x2, v12;
	v53 =	vmul.f32 $1.872929930e-02, v22;
	v19 =	vmul.f32 v38, v19  }
0x242: {  	v27 =	vsub.f32 $2.000000000e+00, v47;
	v37 =	vmul.f32 v41, v44;
	v9 =	vmul.f32 v32, v9  }
0x243: {  	v42 =	vld.idx.msk [tilespmem:v16+s1+$0x0], $0xffff;
	v10 =	vmul.f32 v34, v10;
	v38 =	vsub.f32 $7.426100220e-02, v53;
	v39 =	vmul.f32 v19, v61  }
0x244: {  	v31 =	vld.idx.msk [tilespmem:v16+s2+$0x0], $0xffff;
	v16 =	vor.u32 $0x2, v16;
	v27 =	vmul.f32 v62, v27;
	v6 =	vmul.f32 v37, v6  }
0x245: {  	v58 =	vld.idx.msk [tilespmem:v15+s1+$0x0], $0xffff;
	v47 =	vor.u32 $0x2, v17;
	v38 =	vmul.f32 v38, v22;
	v39 =	vmul.f32 v39, v19  }
0x246: {  	v63 =	vld.idx.msk [tilespmem:v18+s2+$0x0], $0xffff;
	v8 =	vmax.f32 v8, $1.000000010e-10;
	v2 =	vmul.f32 v21, v2;
	v21 =	vmul.f32 v28, v33  }
0x247: {  	v28 =	vld.idx.msk [tilespmem:v15+s2+$0x0], $0xffff;
	v45 =	vsub.s32 $0x7EF311C3, v8;
	v61 =	vadd.f32 $-2.121143940e-01, v38;
	v59 =	vsub.f32 $1.500000000e+00, v39  }
0x248: {  	v62 =	vld.idx.msk [tilespmem:v18+s1+$0x0], $0xffff;
	v18 =	vor.u32 $0x2, v18;
	v11 =	vmul.f32 v25, v11;
	v48 =	vmul.f32 v45, v8  }
0x249: {  	v9 =	vsub.f32 $2.000000000e+00, v9;
	v23 =	vld.idx.msk [tilespmem:v12+s1+$0x0], $0xffff;
	v22 =	vmul.f32 v61, v22;
	v19 =	vmul.f32 v59, v19  }
0x24a: {  	v10 =	vsub.f32 $2.000000000e+00, v10;
	v25 =	vmul.f32 v57, v55;
	v3 =	vmul.f32 v27, v3;
	v12 =	vld.idx.msk [tilespmem:v12+s2+$0x0], $0xffff  }
0x24b: {  	v54 =	vsub.f32 $2.000000000e+00, v48;
	v48 =	vld.idx.msk [tilespmem:v17+s1+$0x0], $0xffff;
	v22 =	vadd.f32 $1.570728780e+00, v22;
	v19 =	vmul.f32 v19, v35  }
0x24c: {  	v15 =	vor.u32 $0x2, v15;
	v11 =	vadd.f32 v21, v11;
	v17 =	vld.idx.msk [tilespmem:v17+s2+$0x0], $0xffff;
	v21 =	vmul.f32 v28, v58  }
0x24d: {  	v51 =	vsub.f32 $2.000000000e+00, v6;
	v56 =	vmul.f32 v45, v54;
	v19 =	vmul.f32 v19, v22;
	v22 =	vld.idx.msk [tilespmem:v13+s1+$0x0], $0xffff  }
0x24e: {  	v10 =	vmul.f32 v10, v34;
	v20 =	vadd.f32 v20, v25;
	v3 =	vsub.f32 $2.000000000e+00, v3;
	v13 =	vld.idx.msk [tilespmem:v13+s2+$0x0], $0xffff  }
0x24f: {  	v50 =	vmul.f32 v56, v8;
	v8 =	vadd.f32 v29, v21;
	v21 =	vld.idx.msk [tilespmem:v14+s1+$0x0], $0xffff;
	v25 =	vsub.f32 $3.141592740e+00, v19  }
0x250: {  	vm0 =	vlt.f32 v0, $0.0e+00;
	v5 =	vmul.f32 v51, v37;
	v54 =	vmul.f32 v12, v23;
	v14 =	vld.idx.msk [tilespmem:v14+s2+$0x0], $0xffff  }
0x251: {  	v3 =	vmul.f32 v3, v27;
	v2 =	vadd.f32 v2, v4;
	v25 =	vsel vm0, v25, v19;
	v19 =	vld.idx.msk [tilespmem:v15+s1+$0x0], $0xffff  }
0x252: {  	v4 =	vsub.f32 $2.000000000e+00, v49;
	v28 =	vmul.f32 v63, v62;
	v6 =	vadd.f32 v54, v11;
	v15 =	vld.idx.msk [tilespmem:v15+s2+$0x0], $0xffff  }
0x253: {  	v53 =	vmul.f32 v9, v32;
	v9 =	vld.idx.msk [tilespmem:v18+s2+$0x0], $0xffff;
	v52 =	vmul.f32 v13, v22  }
0x254: {  	v4 =	vmul.f32 v4, v7;
	v28 =	vadd.f32 v30, v28;
	v6 =	vmul.f32 $9.499999880e-01, v6;
	v13 =	vld.idx.msk [tilespmem:v18+s1+$0x0], $0xffff  }
0x255: {  	v12 =	vld.idx.msk [tilespmem:v16+s1+$0x0], $0xffff;
	v29 =	vmul.f32 v31, v42;
	v17 =	vmul.f32 v17, v48;
	v2 =	vadd.f32 v52, v2  }
0x256: {  	v16 =	vld.idx.msk [tilespmem:v16+s2+$0x0], $0xffff;
	v0 =	vsub.f32 $2.000000000e+00, v50;
	v4 =	vmul.f32 v4, v6;
	v14 =	vmul.f32 v14, v21  }
0x257: {  	v26 =	vadd.f32 v26, v29;
	v18 =	vld.idx.msk [tilespmem:v47+s1+$0x0], $0xffff;
	v2 =	vmul.f32 $9.499999880e-01, v2;
	v11 =	vmul.f32 v15, v19  }
0x258: {  	v0 =	vmul.f32 v0, v56;
	vm4 =	vlt.f32 v4, $0.0e+00;
	v14 =	vadd.f32 v14, v20;
	v15 =	vld.idx.msk [tilespmem:v47+s2+$0x0], $0xffff  }
0x259: {  	v9 =	vmul.f32 v9, v13;
	v1 =	vmul.f32 v1, v2;
	v55 =	vadd.f32 v11, v8  }
0x25a: {  	v8 =	vadd.f32 v24, v17;
	v17 =	vmul.f32 $9.499999880e-01, v14;
	v14 =	vand.u32 $0x7FFFFFFF, v4  }
0x25b: {  	v56 =	vadd.f32 v9, v28;
	v9 =	vmul.f32 v16, v12;
	v12 =	vsub.f32 $1.000000000e+00, v14  }
0x25c: {  	v24 =	vand.u32 $0x7FFFFFFF, v1;
	v2 =	vmul.f32 $9.499999880e-01, v55;
	v7 =	vmul.f32 v53, v17  }
0x25d: {  	vm6 =	vlt.f32 v1, $0.0e+00;
	v11 =	vsub.f32 $1.000000000e+00, v24;
	v13 =	vmul.f32 v15, v18  }
0x25e: {  	v6 =	vmul.f32 $9.499999880e-01, v56;
	v9 =	vadd.f32 v9, v26;
	v55 =	vmul.f32 $1.872929930e-02, v24  }
0x25f: {  	v56 =	vmul.f32 $1.872929930e-02, v14;
	v18 =	vand.u32 $0x7FFFFFFF, v7;
	v2 =	vmul.f32 v10, v2  }
0x260: {  	v10 =	vmul.f32 $5.000000000e-01, v12;
	vm3 =	vlt.f32 v7, $0.0e+00;
	v8 =	vadd.f32 v13, v8  }
0x261: {  	v5 =	vmul.f32 v5, v6;
	v57 =	vmul.f32 $9.499999880e-01, v9;
	v9 =	vshra.s32 v11, $0x1  }
0x262: {  	v13 =	vsub.f32 $1.000000000e+00, v18;
	v6 =	vmul.f32 $5.000000000e-01, v11;
	v20 =	vand.u32 $0x7FFFFFFF, v2  }
0x263: {  	v9 =	vsub.s32 $0x5F3759DF, v9;
	vm2 =	vlt.f32 v2, $0.0e+00;
	v8 =	vmul.f32 $9.499999880e-01, v8  }
0x264: {  	v21 =	vand.u32 $0x7FFFFFFF, v5;
	v3 =	vmul.f32 v3, v57;
	v17 =	vsub.f32 $1.000000000e+00, v20  }
0x265: {  	v26 =	vshra.s32 v13, $0x1;
	v27 =	vmul.f32 $5.000000000e-01, v13;
	v62 =	vmul.f32 v9, v6  }
0x266: {  	vm1 =	vlt.f32 v5, $0.0e+00;
	v57 =	vmul.f32 $1.872929930e-02, v18;
	v15 =	vsub.f32 $1.000000000e+00, v21  }
0x267: {  	v26 =	vsub.s32 $0x5F3759DF, v26;
	v0 =	vmul.f32 v0, v8;
	v8 =	vshra.s32 v12, $0x1  }
0x268: {  	v22 =	vand.u32 $0x7FFFFFFF, v3;
	v28 =	vshra.s32 v17, $0x1;
	v29 =	vmul.f32 $5.000000000e-01, v17  }
0x269: {  	v44 =	vmul.f32 v26, v27;
	vm0 =	vlt.f32 v3, $0.0e+00;
	v3 =	vsub.f32 $7.426100220e-02, v56  }
0x26a: {  	v36 =	vmul.f32 v9, v62;
	v5 =	vsub.f32 $7.426100220e-02, v57;
	v16 =	vsub.f32 $1.000000000e+00, v22  }
0x26b: {  	v30 =	vshra.s32 v15, $0x1;
	v31 =	vmul.f32 $5.000000000e-01, v15;
	v8 =	vsub.s32 $0x5F3759DF, v8  }
0x26c: {  	v28 =	vsub.s32 $0x5F3759DF, v28;
	vm0 =	vmmov vm0;
	v23 =	vand.u32 $0x7FFFFFFF, v0  }
0x26d: {  	v30 =	vsub.s32 $0x5F3759DF, v30;
	v63 =	vmul.f32 v8, v10;
	v45 =	vmul.f32 v28, v29  }
0x26e: {  	v50 =	vmul.f32 v26, v44;
	v36 =	vsub.f32 $1.500000000e+00, v36;
	v3 =	vmul.f32 v3, v14  }
0x26f: {  	v5 =	vmul.f32 v5, v18;
	v19 =	vsub.f32 $1.000000000e+00, v23;
	v33 =	vmul.f32 $5.000000000e-01, v16  }
0x270: {  	v58 =	vshra.s32 v16, $0x1;
	v46 =	vmul.f32 v30, v31;
	v49 =	vmul.f32 v8, v63  }
0x271: {  	v32 =	vsub.s32 $0x5F3759DF, v58;
	v51 =	vmul.f32 v28, v45;
	v9 =	vmul.f32 v9, v36  }
0x272: {  	v53 =	vsub.f32 $1.500000000e+00, v50;
	v58 =	vmul.f32 $1.872929930e-02, v20;
	v61 =	vmul.f32 $5.000000000e-01, v19  }
0x273: {  	v59 =	vshra.s32 v19, $0x1;
	v47 =	vmul.f32 v32, v33;
	v1 =	vmul.f32 v30, v46  }
0x274: {  	v34 =	vsub.s32 $0x5F3759DF, v59;
	v7 =	vsub.f32 $1.500000000e+00, v49;
	v36 =	vmul.f32 v26, v53  }
0x275: {  	v54 =	vsub.f32 $1.500000000e+00, v51;
	v6 =	vmul.f32 v9, v6;
	v48 =	vmul.f32 v34, v61  }
0x276: {  	vm7 =	vlt.f32 v0, $0.0e+00;
	v52 =	vmul.f32 v32, v47;
	v7 =	vmul.f32 v8, v7  }
0x277: {  	v0 =	vsub.f32 $7.426100220e-02, v58;
	v37 =	vmul.f32 v28, v54;
	v28 =	vmul.f32 $1.872929930e-02, v23  }
0x278: {  	v1 =	vsub.f32 $1.500000000e+00, v1;
	v27 =	vmul.f32 v36, v27;
	v6 =	vmul.f32 v6, v9  }
0x279: {  	v53 =	vadd.f32 $-2.121143940e-01, v3;
	v0 =	vmul.f32 v0, v20;
	v4 =	vmul.f32 v34, v48  }
0x27a: {  	v54 =	vadd.f32 $-2.121143940e-01, v5;
	v1 =	vmul.f32 v30, v1;
	v30 =	vmul.f32 $1.872929930e-02, v22  }
0x27b: {  	v8 =	vsub.f32 $1.500000000e+00, v52;
	v10 =	vmul.f32 v7, v10;
	v29 =	vmul.f32 v37, v29  }
0x27c: {  	v28 =	vsub.f32 $7.426100220e-02, v28;
	v27 =	vmul.f32 v27, v36;
	v6 =	vsub.f32 $1.500000000e+00, v6  }
0x27d: {  	v50 =	vadd.f32 $-2.121143940e-01, v0;
	v2 =	vmul.f32 v32, v8;
	v8 =	vmul.f32 $1.872929930e-02, v21  }
0x27e: {  	v4 =	vsub.f32 $1.500000000e+00, v4;
	v31 =	vmul.f32 v1, v31;
	v10 =	vmul.f32 v10, v7  }
0x27f: {  	v30 =	vsub.f32 $7.426100220e-02, v30;
	v29 =	vmul.f32 v29, v37;
	v62 =	vmul.f32 v28, v23  }
0x280: {  	v39 =	vmul.f32 v6, v9;
	v26 =	vmul.f32 v34, v4;
	v4 =	vsub.f32 $7.426100220e-02, v55  }
0x281: {  	v8 =	vsub.f32 $7.426100220e-02, v8;
	v32 =	vmul.f32 v2, v33;
	v31 =	vmul.f32 v31, v1  }
0x282: {  	v30 =	vmul.f32 v30, v22;
	v10 =	vsub.f32 $1.500000000e+00, v10;
	v29 =	vsub.f32 $1.500000000e+00, v29  }
0x283: {  	v49 =	vadd.f32 $-2.121143940e-01, v62;
	v59 =	vmul.f32 v26, v61;
	v32 =	vmul.f32 v32, v2  }
0x284: {  	v4 =	vmul.f32 v4, v24;
	v61 =	vsub.f32 $1.500000000e+00, v27;
	v8 =	vmul.f32 v8, v21  }
0x285: {  	v31 =	vsub.f32 $1.500000000e+00, v31;
	v52 =	vadd.f32 $-2.121143940e-01, v30;
	v43 =	vmul.f32 v10, v7  }
0x286: {  	v44 =	vmul.f32 v29, v37;
	v33 =	vmul.f32 v59, v26;
	v63 =	vsub.f32 $1.500000000e+00, v32  }
0x287: {  	s12 =	simm.s32 $0x0;
	v28 =	vadd.f32 $-2.121143940e-01, v4;
	v42 =	vmul.f32 v61, v36;
	v51 =	vadd.f32 $-2.121143940e-01, v8  }
0x288: {  	s14 =	simm.s32 $0x80;
	s16 =	smov.u32 s13;
	s8 =	smov.u32 s13;
	[tilespmem:s13+$0x0] =	vst v25;
	v46 =	vmul.f32 v31, v1;
	v27 =	vsub.f32 $1.500000000e+00, v33;
	v40 =	vmul.f32 v63, v2  }
.LBB2_10:
0x289: {  	_ = 	snop  }
0x28a: {  	s21 =	sadd.s32 $0x10, s14  }
0x28b: {  	s23 =	sadd.s32 $0x20, s14;
	v3 =	vmov s21  }
0x28c: {  	v0 =	vmov s14;
	s25 =	sadd.s32 $0x70, s14;
	v4 =	vmov s23;
	v3 =	vshll.u32 v3, $0x3  }
0x28d: {  	s21 =	sadd.s32 $0x30, s14;
	s23 =	sadd.s32 $0x40, s14;
	v5 =	vmov s25;
	v0 =	vshll.u32 v0, $0x3;
	v3 =	vor.u32 v60, v3  }
0x28e: {  	s25 =	sadd.s32 $0x60, s14;
	v6 =	vmov s21;
	v7 =	vmov s23;
	v4 =	vshll.u32 v4, $0x3  }
0x28f: {  	s23 =	sadd.s32 $0x50, s14;
	v5 =	vshll.u32 v5, $0x3;
	v9 =	vmov s25;
	v37 =	vor.u32 v60, v4  }
0x290: {  	v8 =	vmov s23;
	v6 =	vshll.u32 v6, $0x3;
	v5 =	vor.u32 v60, v5  }
0x291: {  	v7 =	vshll.u32 v7, $0x3;
	v9 =	vshll.u32 v9, $0x3;
	v8 =	vshll.u32 v8, $0x3  }
0x292: {  	v35 =	vor.u32 v60, v6;
	v34 =	vor.u32 v60, v7;
	v29 =	vor.u32 v60, v0;
	v57 =	vld.idx.msk [tilespmem:v3+s1+$0x0], $0xffff  }
0x293: {  	v31 =	vor.u32 v60, v9;
	v10 =	vor.u32 $0x3, v5;
	v33 =	vor.u32 v60, v8;
	v60 =	vld.idx.msk [tilespmem:v3+s2+$0x0], $0xffff  }
0x294: {  	v36 =	vld.idx.msk [tilespmem:v37+s1+$0x0], $0xffff  }
0x295: {  	v1 =	vmul.f32 v27, v26;
	v2 =	vmul.f32 v28, v24;
	v0 =	vor.u32 $0x3, v3;
	v63 =	vld.idx.msk [tilespmem:v5+s1+$0x0], $0xffff  }
0x296: {  	v14 =	vmul.f32 v53, v14;
	v61 =	vor.u32 $0x1, v5;
	v62 =	vor.u32 $0x2, v5;
	v5 =	vld.idx.msk [tilespmem:v5+s2+$0x0], $0xffff  }
0x297: {  	v4 =	vor.u32 $0x3, v37;
	v59 =	vor.u32 $0x1, v37;
	v30 =	vor.u32 $0x2, v37;
	v37 =	vld.idx.msk [tilespmem:v37+s2+$0x0], $0xffff  }
0x298: {  	v53 =	vmul.f32 v54, v18;
	v20 =	vmul.f32 v50, v20;
	v7 =	vld.idx.msk [tilespmem:v10+s1+$0x0], $0xffff  }
0x299: {  	v21 =	vmul.f32 v51, v21;
	v22 =	vmul.f32 v52, v22;
	v10 =	vld.idx.msk [tilespmem:v10+s2+$0x0], $0xffff  }
0x29a: {  	v6 =	vor.u32 $0x3, v35;
	v58 =	vor.u32 $0x1, v3;
	v32 =	vor.u32 $0x2, v3;
	v3 =	vld.idx.msk [tilespmem:v0+s1+$0x0], $0xffff  }
0x29b: {  	v23 =	vmul.f32 v49, v23;
	v39 =	vmul.f32 v39, v11;
	v54 =	vld.idx.msk [tilespmem:v61+s2+$0x0], $0xffff  }
0x29c: {  	vm5 =	vmmov vm7;
	v43 =	vmul.f32 v43, v12;
	v42 =	vmul.f32 v42, v13;
	v50 =	vld.idx.msk [tilespmem:v62+s1+$0x0], $0xffff  }
0x29d: {  	v44 =	vmul.f32 v44, v17;
	v15 =	vmul.f32 v46, v15;
	v2 =	vadd.f32 $1.570728780e+00, v2;
	v51 =	vld.idx.msk [tilespmem:v62+s2+$0x0], $0xffff  }
0x29e: {  	v49 =	vadd.f32 $1.570728780e+00, v14;
	v53 =	vadd.f32 $1.570728780e+00, v53;
	v48 =	vor.u32 $0x1, v35;
	v0 =	vld.idx.msk [tilespmem:v0+s2+$0x0], $0xffff  }
0x29f: {  	v12 =	vmul.f32 v40, v16;
	v17 =	vadd.f32 $1.570728780e+00, v21;
	v14 =	vadd.f32 $1.570728780e+00, v22;
	v62 =	vld.idx.msk [tilespmem:v6+s1+$0x0], $0xffff  }
0x2a0: {  	v13 =	vadd.f32 $1.570728780e+00, v23;
	v8 =	vor.u32 $0x3, v34;
	v55 =	vor.u32 $0x3, v31;
	v6 =	vld.idx.msk [tilespmem:v6+s2+$0x0], $0xffff  }
0x2a1: {  	v56 =	vor.u32 $0x3, v29;
	v47 =	vor.u32 $0x1, v34;
	v9 =	vor.u32 $0x3, v33;
	v46 =	vld.idx.msk [tilespmem:v58+s2+$0x0], $0xffff  }
0x2a2: {  	v38 =	vor.u32 $0x1, v29;
	v41 =	vor.u32 $0x1, v31;
	v7 =	vmul.f32 v10, v7;
	v10 =	vld.idx.msk [tilespmem:v61+s1+$0x0], $0xffff  }
0x2a3: {  	v28 =	vor.u32 $0x2, v35;
	v27 =	vor.u32 $0x2, v34;
	v23 =	vmul.f32 v39, v2;
	v40 =	vld.idx.msk [tilespmem:v48+s2+$0x0], $0xffff  }
0x2a4: {  	v24 =	vor.u32 $0x2, v29;
	v39 =	vmul.f32 v43, v49;
	v18 =	vmul.f32 v60, v57;
	v60 =	vld.idx.msk [tilespmem:v4+s1+$0x0], $0xffff  }
0x2a5: {  	v21 =	vmul.f32 v42, v53;
	v15 =	vmul.f32 v15, v17;
	v4 =	vld.idx.msk [tilespmem:v4+s2+$0x0], $0xffff;
	v7 =	vmax.f32 v7, $1.000000010e-10  }
0x2a6: {  	v2 =	vld.idx.msk [tilespmem:v9+s1+$0x0], $0xffff;
	v5 =	vmul.f32 v5, v63;
	v0 =	vmul.f32 v0, v3;
	v57 =	vsub.s32 $0x7EF311C3, v7  }
0x2a7: {  	v25 =	vor.u32 $0x2, v31;
	v3 =	vld.idx.msk [tilespmem:v8+s2+$0x0], $0xffff;
	v52 =	vmul.f32 v57, v7;
	v10 =	vmul.f32 v54, v10  }
0x2a8: {  	v45 =	vor.u32 $0x1, v33;
	v61 =	vadd.f32 $1.570728780e+00, v20;
	v62 =	vmul.f32 v6, v62;
	v54 =	vld.idx.msk [tilespmem:v48+s1+$0x0], $0xffff  }
0x2a9: {  	v11 =	vsub.f32 $2.000000000e+00, v52;
	v5 =	vadd.f32 v10, v5;
	v10 =	vmul.f32 v51, v50;
	v51 =	vld.idx.msk [tilespmem:v9+s2+$0x0], $0xffff  }
0x2aa: {  	v20 =	vmax.f32 v0, $1.000000010e-10;
	v0 =	vmax.f32 v62, $1.000000010e-10;
	v50 =	vmul.f32 v4, v60;
	v60 =	vld.idx.msk [tilespmem:v56+s2+$0x0], $0xffff  }
0x2ab: {  	v43 =	vsub.s32 $0x7EF311C3, v0;
	v63 =	vmul.f32 v57, v11;
	v11 =	vmul.f32 v1, v19;
	v1 =	vld.idx.msk [tilespmem:v8+s1+$0x0], $0xffff  }
0x2ac: {  	v36 =	vmul.f32 v37, v36;
	v62 =	vmul.f32 v43, v0;
	v8 =	vsub.s32 $0x7EF311C3, v20;
	v57 =	vld.idx.msk [tilespmem:v56+s1+$0x0], $0xffff  }
0x2ad: {  	v16 =	vmul.f32 v44, v61;
	v56 =	vld.idx.msk [tilespmem:v47+s1+$0x0], $0xffff;
	v5 =	vadd.f32 v10, v5;
	v10 =	vmul.f32 v8, v20  }
0x2ae: {  	v47 =	vld.idx.msk [tilespmem:v47+s2+$0x0], $0xffff;
	v22 =	vmax.f32 v50, $1.000000010e-10;
	v50 =	vsub.f32 $2.000000000e+00, v62;
	v7 =	vmul.f32 v63, v7  }
0x2af: {  	v49 =	vld.idx.msk [tilespmem:v59+s1+$0x0], $0xffff;
	v42 =	vsub.s32 $0x7EF311C3, v22;
	v40 =	vmul.f32 v40, v54;
	v5 =	vmul.f32 $9.499999880e-01, v5  }
0x2b0: {  	v52 =	vld.idx.msk [tilespmem:v59+s2+$0x0], $0xffff;
	v61 =	vmul.f32 v42, v22;
	v10 =	vsub.f32 $2.000000000e+00, v10;
	v43 =	vmul.f32 v43, v50  }
0x2b1: {  	v9 =	vld.idx.msk [tilespmem:v55+s1+$0x0], $0xffff;
	v7 =	vsub.f32 $2.000000000e+00, v7;
	v2 =	vmul.f32 v51, v2;
	v1 =	vmul.f32 v3, v1  }
0x2b2: {  	v26 =	vor.u32 $0x2, v33;
	v3 =	vld.idx.msk [tilespmem:v58+s1+$0x0], $0xffff;
	v8 =	vmul.f32 v8, v10;
	v0 =	vmul.f32 v43, v0  }
0x2b3: {  	v10 =	vld.idx.msk [tilespmem:v41+s1+$0x0], $0xffff;
	v54 =	vmul.f32 v47, v56;
	v7 =	vmul.f32 v7, v63;
	v2 =	vmax.f32 v2, $1.000000010e-10  }
0x2b4: {  	v63 =	vld.idx.msk [tilespmem:v55+s2+$0x0], $0xffff;
	v1 =	vmax.f32 v1, $1.000000010e-10;
	v20 =	vmul.f32 v8, v20;
	v0 =	vsub.f32 $2.000000000e+00, v0  }
0x2b5: {  	v41 =	vld.idx.msk [tilespmem:v41+s2+$0x0], $0xffff;
	v19 =	vmul.f32 v7, v5;
	v7 =	vsub.f32 $2.000000000e+00, v61;
	v51 =	vsub.s32 $0x7EF311C3, v1  }
0x2b6: {  	v56 =	vld.idx.msk [tilespmem:v33+s1+$0x0], $0xffff;
	v5 =	vmul.f32 v60, v57;
	v57 =	vsub.s32 $0x7EF311C3, v2;
	v55 =	vmul.f32 v51, v1  }
0x2b7: {  	v33 =	vld.idx.msk [tilespmem:v33+s2+$0x0], $0xffff;
	v59 =	vmul.f32 v57, v2;
	v20 =	vsub.f32 $2.000000000e+00, v20;
	v44 =	vand.u32 $0x7FFFFFFF, v19  }
0x2b8: {  	v0 =	vmul.f32 v0, v43;
	v7 =	vmul.f32 v42, v7;
	v4 =	vsub.f32 $1.000000000e+00, v44  }
0x2b9: {  	v5 =	vmax.f32 v5, $1.000000010e-10;
	v3 =	vmul.f32 v46, v3;
	v6 =	vmul.f32 v63, v9  }
0x2ba: {  	v61 =	vld.idx.msk [tilespmem:v45+s1+$0x0], $0xffff;
	v46 =	vmul.f32 v52, v49;
	v9 =	vshra.s32 v4, $0x1;
	v53 =	vmul.f32 $5.000000000e-01, v4  }
0x2bb: {  	v45 =	vld.idx.msk [tilespmem:v45+s2+$0x0], $0xffff;
	v10 =	vmul.f32 v41, v10;
	v6 =	vmax.f32 v6, $1.000000010e-10;
	v9 =	vsub.s32 $0x5F3759DF, v9  }
0x2bc: {  	v52 =	vld.idx.msk [tilespmem:v34+s1+$0x0], $0xffff;
	v33 =	vmul.f32 v33, v56;
	v58 =	vsub.s32 $0x7EF311C3, v6;
	v63 =	vmul.f32 v9, v53  }
0x2bd: {  	v60 =	vsub.s32 $0x7EF311C3, v5;
	v8 =	vmul.f32 v20, v8;
	v20 =	vld.idx.msk [tilespmem:v27+s1+$0x0], $0xffff;
	v62 =	vmul.f32 v58, v6  }
0x2be: {  	v55 =	vsub.f32 $2.000000000e+00, v55;
	v59 =	vsub.f32 $2.000000000e+00, v59;
	v27 =	vld.idx.msk [tilespmem:v27+s2+$0x0], $0xffff;
	v48 =	vmul.f32 v9, v63  }
0x2bf: {  	v3 =	vadd.f32 v3, v18;
	v18 =	vld.idx.msk [tilespmem:v34+s2+$0x0], $0xffff;
	v63 =	vmul.f32 v60, v5;
	v42 =	vsub.f32 $2.000000000e+00, v62  }
0x2c0: {  	v50 =	vmul.f32 v51, v55;
	v55 =	vmul.f32 v57, v59;
	v59 =	vld.idx.msk [tilespmem:v35+s1+$0x0], $0xffff;
	v48 =	vsub.f32 $1.500000000e+00, v48  }
0x2c1: {  	v22 =	vmul.f32 v7, v22;
	v35 =	vld.idx.msk [tilespmem:v35+s2+$0x0], $0xffff;
	v62 =	vsub.f32 $2.000000000e+00, v63;
	v42 =	vmul.f32 v58, v42  }
0x2c2: {  	v63 =	vld.idx.msk [tilespmem:v38+s1+$0x0], $0xffff;
	v58 =	vsub.f32 $3.141592740e+00, v39;
	v9 =	vmul.f32 v9, v48;
	v48 =	vmul.f32 $1.872929930e-02, v44  }
0x2c3: {  	v36 =	vadd.f32 v46, v36;
	v45 =	vmul.f32 v45, v61;
	v38 =	vld.idx.msk [tilespmem:v38+s2+$0x0], $0xffff;
	v57 =	vmul.f32 v60, v62  }
0x2c4: {  	v60 =	vsub.f32 $3.141592740e+00, v21;
	v39 =	vsel vm4, v58, v39;
	v58 =	vld.idx.msk [tilespmem:v31+s1+$0x0], $0xffff;
	v48 =	vsub.f32 $7.426100220e-02, v48  }
0x2c5: {  	v49 =	vsub.f32 $3.141592740e+00, v16;
	v1 =	vmul.f32 v50, v1;
	v31 =	vld.idx.msk [tilespmem:v31+s2+$0x0], $0xffff;
	[tilespmem:s8+$0xFFFFFFB0] =	vst v39;
	v53 =	vmul.f32 v9, v53  }
0x2c6: {  	v21 =	vsel vm3, v60, v21;
	vm3 =	vlt.f32 v19, $0.0e+00;
	v19 =	vld.idx.msk [tilespmem:v30+s1+$0x0], $0xffff;
	v48 =	vmul.f32 v48, v44  }
0x2c7: {  	v51 =	vsub.f32 $3.141592740e+00, v23;
	v2 =	vmul.f32 v55, v2;
	[tilespmem:s8+$0xFFFFFFC0] =	vst v21;
	v21 =	vld.idx.msk [tilespmem:v30+s2+$0x0], $0xffff;
	v53 =	vmul.f32 v53, v9  }
0x2c8: {  	v18 =	vmul.f32 v18, v52;
	v52 =	vsub.f32 $2.000000000e+00, v22;
	v22 =	vld.idx.msk [tilespmem:v28+s1+$0x0], $0xffff;
	v48 =	vadd.f32 $-2.121143940e-01, v48  }
0x2c9: {  	v23 =	vsel vm6, v51, v23;
	v1 =	vsub.f32 $2.000000000e+00, v1;
	v17 =	vld.idx.msk [tilespmem:v28+s2+$0x0], $0xffff;
	v53 =	vsub.f32 $1.500000000e+00, v53  }
0x2ca: {  	[tilespmem:s8+$0xFFFFFFA0] =	vst v23;
	v2 =	vsub.f32 $2.000000000e+00, v2;
	v23 =	vmul.f32 v35, v59;
	v44 =	vmul.f32 v48, v44;
	v48 =	vld.idx.msk [tilespmem:v29+s1+$0x0], $0xffff  }
0x2cb: {  	v16 =	vsel vm2, v49, v16;
	v1 =	vmul.f32 v1, v50;
	v9 =	vmul.f32 v53, v9;
	v53 =	vld.idx.msk [tilespmem:v26+s1+$0x0], $0xffff  }
0x2cc: {  	v18 =	vadd.f32 v54, v18;
	v2 =	vmul.f32 v2, v55;
	v19 =	vmul.f32 v21, v19;
	v21 =	vld.idx.msk [tilespmem:v26+s2+$0x0], $0xffff  }
0x2cd: {  	v6 =	vmul.f32 v42, v6;
	v26 =	vld.idx.msk [tilespmem:v25+s1+$0x0], $0xffff;
	v4 =	vmul.f32 v9, v4;
	v9 =	vadd.f32 $1.570728780e+00, v44  }
0x2ce: {  	v23 =	vadd.f32 v40, v23;
	v5 =	vmul.f32 v57, v5;
	v17 =	vmul.f32 v17, v22;
	v22 =	vld.idx.msk [tilespmem:v25+s2+$0x0], $0xffff  }
0x2cf: {  	v6 =	vsub.f32 $2.000000000e+00, v6;
	v38 =	vmul.f32 v38, v63;
	v4 =	vmul.f32 v4, v9;
	v9 =	vld.idx.msk [tilespmem:v29+s2+$0x0], $0xffff  }
0x2d0: {  	[tilespmem:s16+$0xFFFFFFD0] =	vst v16;
	v30 =	vadd.f32 v45, v33;
	v5 =	vsub.f32 $2.000000000e+00, v5;
	v31 =	vmul.f32 v31, v58;
	v29 =	vld.idx.msk [tilespmem:v32+s1+$0x0], $0xffff  }
0x2d1: {  	v6 =	vmul.f32 v6, v42;
	v25 =	vmul.f32 v11, v13;
	v16 =	vadd.f32 v17, v23;
	v32 =	vld.idx.msk [tilespmem:v32+s2+$0x0], $0xffff  }
0x2d2: {  	v5 =	vmul.f32 v5, v57;
	v10 =	vadd.f32 v10, v31;
	v17 =	vmul.f32 v27, v20  }
0x2d3: {  	v27 =	vsub.f32 $3.141592740e+00, v25;
	v13 =	vmul.f32 $9.499999880e-01, v16;
	v51 =	vsub.f32 $3.141592740e+00, v4  }
0x2d4: {  	v19 =	vadd.f32 v19, v36;
	v11 =	vadd.f32 v17, v18;
	v16 =	vmul.f32 v22, v26  }
0x2d5: {  	v25 =	vsel vm5, v27, v25;
	v0 =	vmul.f32 v0, v13;
	v4 =	vsel vm3, v51, v4  }
0x2d6: {  	s8 =	sadd.s32 $0x80, s8;
	v10 =	vadd.f32 v16, v10;
	v9 =	vmul.f32 v9, v48;
	v28 =	vmul.f32 v32, v29  }
0x2d7: {  	[tilespmem:s8+$0x0] =	vst v4;
	v4 =	vmul.f32 v52, v7;
	v29 =	vsub.f32 $3.141592740e+00, v15;
	v7 =	vmul.f32 v21, v53  }
0x2d8: {  	v18 =	vand.u32 $0x7FFFFFFF, v0;
	v54 =	vmul.f32 $9.499999880e-01, v10;
	v3 =	vadd.f32 v28, v3  }
0x2d9: {  	v31 =	vld.idx.msk [tilespmem:v24+s1+$0x0], $0xffff;
	v15 =	vsel vm1, v29, v15;
	v28 =	vmul.f32 v12, v14;
	v14 =	vmul.f32 $9.499999880e-01, v19  }
0x2da: {  	v12 =	vld.idx.msk [tilespmem:v24+s2+$0x0], $0xffff;
	v7 =	vadd.f32 v7, v30;
	[tilespmem:s16+$0xFFFFFFE0] =	vst v15;
	v15 =	vmul.f32 $9.499999880e-01, v11;
	v6 =	vmul.f32 v6, v54  }
0x2db: {  	vm3 =	vlt.f32 v0, $0.0e+00;
	v3 =	vmul.f32 $9.499999880e-01, v3;
	v4 =	vmul.f32 v4, v14  }
0x2dc: {  	v9 =	vadd.f32 v38, v9;
	v7 =	vmul.f32 $9.499999880e-01, v7;
	v1 =	vmul.f32 v1, v15  }
0x2dd: {  	v22 =	vand.u32 $0x7FFFFFFF, v6;
	vm8 =	vlt.f32 v6, $0.0e+00;
	v3 =	vmul.f32 v8, v3  }
0x2de: {  	v8 =	vsub.f32 $3.141592740e+00, v28;
	v14 =	vand.u32 $0x7FFFFFFF, v4;
	v2 =	vmul.f32 v2, v7  }
0x2df: {  	v16 =	vsub.f32 $1.000000000e+00, v22;
	vm4 =	vlt.f32 v4, $0.0e+00;
	v13 =	vmul.f32 v12, v31  }
0x2e0: {  	v12 =	vsub.f32 $1.000000000e+00, v14;
	v20 =	vand.u32 $0x7FFFFFFF, v1;
	vm2 =	vlt.f32 v1, $0.0e+00  }
0x2e1: {  	v24 =	vand.u32 $0x7FFFFFFF, v3;
	v21 =	vand.u32 $0x7FFFFFFF, v2;
	v17 =	vsub.f32 $1.000000000e+00, v20  }
0x2e2: {  	v56 =	vshra.s32 v16, $0x1;
	v36 =	vmul.f32 $5.000000000e-01, v16;
	vm6 =	vlt.f32 v3, $0.0e+00  }
0x2e3: {  	vm1 =	vlt.f32 v2, $0.0e+00;
	v8 =	vsel vm0, v8, v28;
	v28 =	vmul.f32 $1.872929930e-02, v20  }
0x2e4: {  	vm0 =	vmmov vm8;
	v11 =	vsub.f32 $1.000000000e+00, v24;
	v9 =	vadd.f32 v13, v9  }
0x2e5: {  	v13 =	vsub.f32 $1.000000000e+00, v18;
	v15 =	vsub.f32 $1.000000000e+00, v21;
	v29 =	vmul.f32 $5.000000000e-01, v12  }
0x2e6: {  	v35 =	vsub.s32 $0x5F3759DF, v56;
	v54 =	vmul.f32 $1.872929930e-02, v24;
	v56 =	vmul.f32 $1.872929930e-02, v22  }
0x2e7: {  	v31 =	vshra.s32 v17, $0x1;
	v32 =	vmul.f32 $5.000000000e-01, v17;
	v46 =	vmul.f32 v35, v36  }
0x2e8: {  	v28 =	vsub.f32 $7.426100220e-02, v28;
	v10 =	vshra.s32 v11, $0x1;
	v9 =	vmul.f32 $9.499999880e-01, v9  }
0x2e9: {  	v7 =	vmul.f32 $5.000000000e-01, v11;
	v26 =	vshra.s32 v13, $0x1;
	v30 =	vmul.f32 $5.000000000e-01, v13  }
0x2ea: {  	v55 =	vshra.s32 v15, $0x1;
	v34 =	vmul.f32 $5.000000000e-01, v15;
	v31 =	vsub.s32 $0x5F3759DF, v31  }
0x2eb: {  	v10 =	vsub.s32 $0x5F3759DF, v10;
	v26 =	vsub.s32 $0x5F3759DF, v26;
	v63 =	vmul.f32 v31, v32  }
0x2ec: {  	v33 =	vsub.s32 $0x5F3759DF, v55;
	v53 =	vmul.f32 v35, v46;
	v55 =	vmul.f32 $1.872929930e-02, v14  }
0x2ed: {  	v5 =	vmul.f32 v5, v9;
	v9 =	vshra.s32 v12, $0x1;
	v59 =	vmul.f32 v10, v7  }
0x2ee: {  	v62 =	vmul.f32 v26, v30;
	v45 =	vmul.f32 v33, v34;
	v9 =	vsub.s32 $0x5F3759DF, v9  }
0x2ef: {  	v51 =	vmul.f32 v31, v63;
	v6 =	vsub.f32 $7.426100220e-02, v55;
	v61 =	vmul.f32 v9, v29  }
0x2f0: {  	v23 =	vand.u32 $0x7FFFFFFF, v5;
	v39 =	vmul.f32 v10, v59;
	v49 =	vmul.f32 v26, v62  }
0x2f1: {  	v0 =	vmul.f32 v33, v45;
	vm7 =	vlt.f32 v5, $0.0e+00;
	v5 =	vsub.f32 $7.426100220e-02, v54  }
0x2f2: {  	v62 =	vmul.f32 v28, v20;
	v19 =	vsub.f32 $1.000000000e+00, v23;
	v4 =	vsub.f32 $1.500000000e+00, v51  }
0x2f3: {  	[tilespmem:s16+$0xFFFFFFF0] =	vst v8;
	v8 =	vmul.f32 $1.872929930e-02, v23;
	v6 =	vmul.f32 v6, v14;
	v50 =	vsub.f32 $1.500000000e+00, v39  }
0x2f4: {  	v48 =	vmul.f32 v9, v61;
	v3 =	vsub.f32 $1.500000000e+00, v49;
	v0 =	vsub.f32 $1.500000000e+00, v0  }
0x2f5: {  	v5 =	vmul.f32 v5, v24;
	v57 =	vshra.s32 v19, $0x1;
	v58 =	vmul.f32 $5.000000000e-01, v19  }
0x2f6: {  	v4 =	vmul.f32 v31, v4;
	v31 =	vmul.f32 $1.872929930e-02, v21;
	v8 =	vsub.f32 $7.426100220e-02, v8  }
0x2f7: {  	v37 =	vsub.s32 $0x5F3759DF, v57;
	v2 =	vmul.f32 v10, v50;
	v3 =	vmul.f32 v26, v3  }
0x2f8: {  	v1 =	vsub.f32 $1.500000000e+00, v48;
	v0 =	vmul.f32 v33, v0;
	v47 =	vmul.f32 v37, v58  }
0x2f9: {  	v33 =	vsub.f32 $7.426100220e-02, v56;
	v32 =	vmul.f32 v4, v32;
	v8 =	vmul.f32 v8, v23  }
0x2fa: {  	v31 =	vsub.f32 $7.426100220e-02, v31;
	v1 =	vmul.f32 v9, v1;
	v7 =	vmul.f32 v2, v7  }
0x2fb: {  	v9 =	vsub.f32 $1.500000000e+00, v53;
	v30 =	vmul.f32 v3, v30;
	v34 =	vmul.f32 v0, v34  }
0x2fc: {  	v28 =	vadd.f32 $-2.121143940e-01, v5;
	v33 =	vmul.f32 v33, v22;
	v52 =	vmul.f32 v37, v47  }
0x2fd: {  	v50 =	vadd.f32 $-2.121143940e-01, v62;
	v31 =	vmul.f32 v31, v21;
	v9 =	vmul.f32 v35, v9  }
0x2fe: {  	v53 =	vadd.f32 $-2.121143940e-01, v6;
	v29 =	vmul.f32 v1, v29;
	v7 =	vmul.f32 v7, v2  }
0x2ff: {  	v49 =	vadd.f32 $-2.121143940e-01, v8;
	v27 =	vmul.f32 v30, v3;
	v30 =	vmul.f32 v32, v4  }
0x300: {  	[tilespmem:s16+$0xFFFFFF90] =	vst v25;
	v25 =	vmul.f32 v34, v0;
	v10 =	vsub.f32 $1.500000000e+00, v52;
	v51 =	vadd.f32 $-2.121143940e-01, v31  }
0x301: {  	v35 =	vmul.f32 v9, v36;
	v29 =	vmul.f32 v29, v1;
	v7 =	vsub.f32 $1.500000000e+00, v7  }
0x302: {  	s12 =	sadd.s32 $0x8, s12;
	v61 =	vsub.f32 $1.500000000e+00, v27;
	v26 =	vmul.f32 v37, v10;
	v10 =	vmul.f32 $1.872929930e-02, v18  }
0x303: {  	p0 =	slt.u32 s12, $0x20;
	v30 =	vsub.f32 $1.500000000e+00, v30;
	v25 =	vsub.f32 $1.500000000e+00, v25;
	v39 =	vmul.f32 v7, v2  }
.Ltmp3:
0x304: {  	v10 =	vsub.f32 $7.426100220e-02, v10;
	v57 =	vmul.f32 v26, v58;
	v58 =	vmul.f32 v35, v9;
	(pc) =	sbr.rel @p0 .LBB2_10-.Ltmp3, $4  }
0x305: {  	v29 =	vsub.f32 $1.500000000e+00, v29;
	v42 =	vmul.f32 v61, v3;
	v44 =	vmul.f32 v30, v4  }
0x306: {  	v59 =	vmul.f32 v57, v26;
	v10 =	vmul.f32 v10, v18;
	v63 =	vsub.f32 $1.500000000e+00, v58  }
0x307: {  	v52 =	vadd.f32 $-2.121143940e-01, v33;
	v46 =	vmul.f32 v25, v0;
	v43 =	vmul.f32 v29, v1  }
0x308: {  	s14 =	sadd.s32 $0x80, s14;
	v60 =	vld [tilespmem:$0x1FF80];
	s16 =	smov.u32 s8;
	v27 =	vsub.f32 $1.500000000e+00, v59;
	v54 =	vadd.f32 $-2.121143940e-01, v10;
	v40 =	vmul.f32 v63, v9  }
0x309: {  	v1 =	vmul.f32 v28, v24;
	v2 =	vmul.f32 v53, v14  }
0x30a: {  	v4 =	vmul.f32 v50, v20;
	v5 =	vmul.f32 v51, v21  }
0x30b: {  	v6 =	vmul.f32 v52, v22;
	v7 =	vmul.f32 v49, v23  }
0x30c: {  	v8 =	vmul.f32 v39, v11;
	v9 =	vmul.f32 v43, v12  }
0x30d: {  	v10 =	vmul.f32 v42, v13;
	v51 =	vmul.f32 v44, v17  }
0x30e: {  	v52 =	vmul.f32 v46, v15;
	v0 =	vmul.f32 v27, v26;
	v1 =	vadd.f32 $1.570728780e+00, v1  }
0x30f: {  	v3 =	vmul.f32 v54, v18;
	v53 =	vmul.f32 v40, v16;
	v2 =	vadd.f32 $1.570728780e+00, v2  }
0x310: {  	v4 =	vadd.f32 $1.570728780e+00, v4;
	v5 =	vadd.f32 $1.570728780e+00, v5;
	v1 =	vmul.f32 v8, v1  }
0x311: {  	v6 =	vadd.f32 $1.570728780e+00, v6;
	v3 =	vadd.f32 $1.570728780e+00, v3;
	v2 =	vmul.f32 v9, v2  }
0x312: {  	v7 =	vadd.f32 $1.570728780e+00, v7;
	v4 =	vmul.f32 v51, v4;
	v54 =	vsub.f32 $3.141592740e+00, v1  }
0x313: {  	v0 =	vmul.f32 v0, v19;
	v3 =	vmul.f32 v10, v3;
	v55 =	vsub.f32 $3.141592740e+00, v2  }
0x314: {  	v5 =	vmul.f32 v52, v5;
	v57 =	vsub.f32 $3.141592740e+00, v4;
	v1 =	vsel vm6, v54, v1  }
0x315: {  	s9 =	sadd.s32 $0x1, s9;
	v58 =	vmul.f32 v53, v6;
	v56 =	vsub.f32 $3.141592740e+00, v3;
	v2 =	vsel vm4, v55, v2;
	[tilespmem:s8+$0xFFFFFFA0] =	vst v1  }
0x316: {  	p0 =	sne.s32 s9, $0xC;
	v0 =	vmul.f32 v0, v7;
	v59 =	vsub.f32 $3.141592740e+00, v5;
	v61 =	vsel vm2, v57, v4;
	[tilespmem:s8+$0xFFFFFFB0] =	vst v2  }
.Ltmp4:
0x317: {  	v62 =	vsub.f32 $3.141592740e+00, v58;
	v3 =	vsel vm3, v56, v3;
	[tilespmem:s16+$0xFFFFFFD0] =	vst v61;
	(pc) =	sbr.rel @p0 .LBB2_7-.Ltmp4, $4  }
0x318: {  	v63 =	vsub.f32 $3.141592740e+00, v0;
	v2 =	vsel vm1, v59, v5;
	[tilespmem:s8+$0xFFFFFFC0] =	vst v3  }
0x319: {  	vm15 =	vmmov vm7;
	v1 =	vsel vm0, v62, v58;
	[tilespmem:s16+$0xFFFFFFE0] =	vst v2  }
0x31a: {  	v0 =	vsel vm15, v63, v0;
	[tilespmem:s16+$0xFFFFFFF0] =	vst v1  }
0x31b: {  	s4 =	sadd.s32 $0x500, s4;
	s13 =	sadd.s32 $0x500, s13;
	[tilespmem:s16+$0xFFFFFF90] =	vst v0  }
0x31c: {  	_ =	swait.ge [sflag:s3], $0x400  }
0x31d: {  	[sflag:s3] =	ssyncset.done $0x0  }
0x31e: {  	[sflag:s3] =	ssyncadd.s32 $0xFFFFFC00  }
0x31f: {  	_ =	swait.ge [sflag:s11], $0x400  }
0x320: {  	[sflag:s11] =	ssyncset.done $0x0  }
0x321: {  	[sflag:s11] =	ssyncadd.s32 $0xFFFFFC00  }
0x322: {  	_ =	swait.ge [sflag:s3], $0x400  }
0x323: {  	[sflag:s3] =	ssyncset.done $0x0  }
0x324: {  	[sflag:s3] =	ssyncadd.s32 $0xFFFFFC00  }
0x325: {  	_ =	swait.ge [sflag:s11], $0x400  }
0x326: {  	[sflag:s11] =	ssyncset.done $0x0  }
0x327: {  	[sflag:s11] =	ssyncadd.s32 $0xFFFFFC00  }
0x328: {  	_ =	swait.ge [sflag:s3], $0x400  }
0x329: {  	[sflag:s3] =	ssyncset.done $0x0  }
0x32a: {  	[sflag:s3] =	ssyncadd.s32 $0xFFFFFC00  }
0x32b: {  	_ =	swait.ge [sflag:s11], $0x400  }
0x32c: {  	[sflag:s11] =	ssyncset.done $0x0  }
0x32d: {  	[sflag:s11] =	ssyncadd.s32 $0xFFFFFC00  }
0x32e: {  	_ =	swait.ge [sflag:s3], $0x400  }
0x32f: {  	[sflag:s3] =	ssyncset.done $0x0  }
0x330: {  	[sflag:s3] =	ssyncadd.s32 $0xFFFFFC00  }
0x331: {  	s4 =	simm.s32 $0x60;
	_ =	swait.ge [sflag:s11], $0x400  }
0x332: {  	v0 =	vmov s4;
	[sflag:s11] =	ssyncset.done $0x0  }
0x333: {  	v0 =	vshll.u32 v0, $0x3;
	[sflag:s11] =	ssyncadd.s32 $0xFFFFFC00  }
0x334: {  	s13 =	simm.s32 $0x0;
	v0 =	vor.u32 v60, v0;
	_ =	swait.ge [sflag:s3], $0x400  }
0x335: {  	v1 =	vmov s13;
	v2 =	vor.u32 $0x3, v0;
	[sflag:s3] =	ssyncset.done $0x0  }
0x336: {  	v1 =	vshll.u32 v1, $0x3;
	[sflag:s3] =	ssyncadd.s32 $0xFFFFFC00  }
0x337: {  	v1 =	vor.u32 v60, v1;
	_ =	swait.ge [sflag:s11], $0x400  }
0x338: {  	[sflag:s11] =	ssyncset.done $0x0  }
0x339: {  	v54 =	vor.u32 $0x3, v1;
	[sflag:s11] =	ssyncadd.s32 $0xFFFFFC00  }
0x33a: {  	v4 =	vld.idx.msk [tilespmem:v2+s18+$0x0], $0xffff  }
0x33b: {  	v2 =	vld.idx.msk [tilespmem:v2+s19+$0x0], $0xffff  }
0x33c: {  	v7 =	vor.u32 $0x1, v0;
	v5 =	vld.idx.msk [tilespmem:v1+s18+$0x0], $0xffff  }
0x33d: {  	s14 =	simm.s32 $0x10;
	v6 =	vld.idx.msk [tilespmem:v1+s19+$0x0], $0xffff  }
0x33e: {  	s16 =	simm.s32 $0x20;
	s21 =	simm.s32 $0x30;
	v3 =	vmov s14;
	v9 =	vor.u32 $0x2, v0;
	v8 =	vld.idx.msk [tilespmem:v54+s18+$0x0], $0xffff  }
0x33f: {  	s8 =	simm.s32 $0x40;
	v12 =	vmov s16;
	v15 =	vmov s21;
	v3 =	vshll.u32 v3, $0x3;
	v10 =	vld.idx.msk [tilespmem:v0+s18+$0x0], $0xffff  }
0x340: {  	v16 =	vmov s8;
	v12 =	vshll.u32 v12, $0x3;
	v13 =	vor.u32 v60, v3;
	v0 =	vld.idx.msk [tilespmem:v0+s19+$0x0], $0xffff  }
0x341: {  	v17 =	vor.u32 v60, v12;
	v12 =	vshll.u32 v15, $0x3;
	v14 =	vor.u32 $0x3, v13;
	v55 =	vld.idx.msk [tilespmem:v7+s18+$0x0], $0xffff  }
0x342: {  	s25 =	simm.s32 $0x70;
	v20 =	vor.u32 v60, v12;
	v12 =	vshll.u32 v16, $0x3;
	v7 =	vld.idx.msk [tilespmem:v7+s19+$0x0], $0xffff  }
0x343: {  	v23 =	vmov s25;
	v16 =	vor.u32 $0x3, v20;
	v24 =	vor.u32 v60, v12;
	v18 =	vld.idx.msk [tilespmem:v9+s18+$0x0], $0xffff  }
0x344: {  	v12 =	vshll.u32 v23, $0x3;
	v23 =	vor.u32 $0x3, v24;
	v9 =	vld.idx.msk [tilespmem:v9+s19+$0x0], $0xffff  }
0x345: {  	s23 =	simm.s32 $0x50;
	v3 =	vld.idx.msk [tilespmem:v54+s19+$0x0], $0xffff  }
0x346: {  	v19 =	vmov s23;
	v15 =	vor.u32 $0x3, v17;
	v25 =	vld.idx.msk [tilespmem:v14+s18+$0x0], $0xffff  }
0x347: {  	v19 =	vshll.u32 v19, $0x3;
	v26 =	vld.idx.msk [tilespmem:v14+s19+$0x0], $0xffff  }
0x348: {  	v19 =	vor.u32 v60, v19;
	v28 =	vld.idx.msk [tilespmem:v16+s18+$0x0], $0xffff;
	v2 =	vmul.f32 v2, v4  }
0x349: {  	v14 =	vor.u32 $0x3, v19;
	v30 =	vld.idx.msk [tilespmem:v23+s18+$0x0], $0xffff  }
0x34a: {  	v31 =	vor.u32 $0x1, v19;
	v12 =	vor.u32 v60, v12;
	v58 =	vld.idx.msk [tilespmem:v23+s19+$0x0], $0xffff;
	v2 =	vmax.f32 v2, $1.000000010e-10  }
0x34b: {  	v27 =	vor.u32 $0x3, v12;
	v0 =	vmul.f32 v0, v10;
	v10 =	vld.idx.msk [tilespmem:v15+s18+$0x0], $0xffff;
	v21 =	vsub.s32 $0x7EF311C3, v2  }
0x34c: {  	v32 =	vor.u32 $0x2, v13;
	v29 =	vor.u32 $0x1, v24;
	v15 =	vld.idx.msk [tilespmem:v15+s19+$0x0], $0xffff;
	v22 =	vmul.f32 v21, v2  }
0x34d: {  	v23 =	vor.u32 $0x1, v12;
	v4 =	vmul.f32 v7, v55;
	v57 =	vmul.f32 v9, v18;
	v9 =	vld.idx.msk [tilespmem:v16+s19+$0x0], $0xffff  }
0x34e: {  	v16 =	vor.u32 $0x1, v17;
	v3 =	vmul.f32 v3, v8;
	v8 =	vld.idx.msk [tilespmem:v14+s18+$0x0], $0xffff;
	v22 =	vsub.f32 $2.000000000e+00, v22  }
0x34f: {  	v18 =	vor.u32 $0x1, v20;
	v59 =	vld.idx.msk [tilespmem:v14+s19+$0x0], $0xffff;
	v14 =	vor.u32 $0x2, v17;
	v25 =	vmul.f32 v26, v25  }
0x350: {  	v62 =	vld.idx.msk [tilespmem:v27+s19+$0x0], $0xffff;
	v5 =	vmul.f32 v6, v5;
	v0 =	vadd.f32 v4, v0;
	v56 =	vmul.f32 v21, v22  }
0x351: {  	v52 =	vld.idx.msk [tilespmem:v17+s18+$0x0], $0xffff;
	v3 =	vmax.f32 v3, $1.000000010e-10;
	v25 =	vmax.f32 v25, $1.000000010e-10;
	v4 =	vmul.f32 v58, v30  }
0x352: {  	v17 =	vld.idx.msk [tilespmem:v17+s19+$0x0], $0xffff;
	v58 =	vor.u32 $0x2, v20;
	v61 =	vsub.s32 $0x7EF311C3, v3;
	v2 =	vmul.f32 v56, v2  }
0x353: {  	v26 =	vld.idx.msk [tilespmem:v27+s18+$0x0], $0xffff;
	v33 =	vsub.s32 $0x7EF311C3, v25;
	v0 =	vadd.f32 v57, v0;
	v27 =	vmul.f32 v61, v3  }
0x354: {  	v11 =	vld.idx.msk [tilespmem:v13+s18+$0x0], $0xffff;
	v34 =	vmul.f32 v33, v25;
	v10 =	vmul.f32 v15, v10;
	v2 =	vsub.f32 $2.000000000e+00, v2  }
0x355: {  	v48 =	vld.idx.msk [tilespmem:v31+s18+$0x0], $0xffff;
	v4 =	vmax.f32 v4, $1.000000010e-10;
	v9 =	vmul.f32 v9, v28;
	v7 =	vmul.f32 v59, v8  }
0x356: {  	v31 =	vld.idx.msk [tilespmem:v31+s19+$0x0], $0xffff;
	v44 =	vsub.s32 $0x7EF311C3, v4;
	v0 =	vmul.f32 $9.499999880e-01, v0;
	v2 =	vmul.f32 v2, v56  }
0x357: {  	v57 =	vld.idx.msk [tilespmem:v20+s18+$0x0], $0xffff;
	v59 =	vor.u32 $0x2, v24;
	v17 =	vmul.f32 v17, v52;
	v27 =	vsub.f32 $2.000000000e+00, v27  }
0x358: {  	v20 =	vld.idx.msk [tilespmem:v20+s19+$0x0], $0xffff;
	v34 =	vsub.f32 $2.000000000e+00, v34;
	v46 =	vmul.f32 v44, v4;
	v0 =	vmul.f32 v2, v0  }
0x359: {  	v39 =	vld.idx.msk [tilespmem:v16+s18+$0x0], $0xffff;
	v10 =	vmax.f32 v10, $1.000000010e-10;
	v9 =	vmax.f32 v9, $1.000000010e-10;
	v21 =	vor.u32 $0x1, v1  }
0x35a: {  	v16 =	vld.idx.msk [tilespmem:v16+s19+$0x0], $0xffff;
	v7 =	vmax.f32 v7, $1.000000010e-10;
	v22 =	vor.u32 $0x1, v13;
	v28 =	vand.u32 $0x7FFFFFFF, v0  }
0x35b: {  	v42 =	vld.idx.msk [tilespmem:v18+s18+$0x0], $0xffff;
	v37 =	vsub.s32 $0x7EF311C3, v10;
	v41 =	vsub.s32 $0x7EF311C3, v9;
	v35 =	vsub.f32 $1.000000000e+00, v28  }
0x35c: {  	v18 =	vld.idx.msk [tilespmem:v18+s19+$0x0], $0xffff;
	v45 =	vsub.s32 $0x7EF311C3, v7;
	v6 =	vmul.f32 v61, v27;
	v27 =	vmul.f32 v33, v34  }
0x35d: {  	v13 =	vld.idx.msk [tilespmem:v13+s19+$0x0], $0xffff;
	v40 =	vmul.f32 v37, v10;
	v30 =	vshra.s32 v35, $0x1;
	v38 =	vmul.f32 $5.000000000e-01, v35  }
0x35e: {  	v43 =	vmul.f32 v41, v9;
	v49 =	vmul.f32 v45, v7;
	v15 =	vld.idx.msk [tilespmem:v21+s18+$0x0], $0xffff;
	v30 =	vsub.s32 $0x5F3759DF, v30  }
0x35f: {  	v1 =	vor.u32 $0x2, v1;
	v20 =	vmul.f32 v20, v57;
	v21 =	vld.idx.msk [tilespmem:v21+s19+$0x0], $0xffff;
	v8 =	vmul.f32 v30, v38  }
0x360: {  	v46 =	vsub.f32 $2.000000000e+00, v46;
	v16 =	vmul.f32 v16, v39;
	v3 =	vmul.f32 v6, v3;
	v36 =	vld.idx.msk [tilespmem:v22+s18+$0x0], $0xffff  }
0x361: {  	v18 =	vmul.f32 v18, v42;
	v43 =	vsub.f32 $2.000000000e+00, v43;
	v22 =	vld.idx.msk [tilespmem:v22+s19+$0x0], $0xffff;
	v8 =	vmul.f32 v30, v8  }
0x362: {  	v42 =	vor.u32 $0x2, v19;
	v3 =	vsub.f32 $2.000000000e+00, v3;
	v11 =	vmul.f32 v13, v11;
	v13 =	vld.idx.msk [tilespmem:v23+s18+$0x0], $0xffff  }
0x363: {  	v55 =	vmul.f32 v41, v43;
	v23 =	vld.idx.msk [tilespmem:v23+s19+$0x0], $0xffff;
	v56 =	vmul.f32 v44, v46;
	v8 =	vsub.f32 $1.500000000e+00, v8  }
0x364: {  	v16 =	vadd.f32 v16, v17;
	v17 =	vld.idx.msk [tilespmem:v1+s18+$0x0], $0xffff;
	v3 =	vmul.f32 v3, v6;
	v2 =	vmul.f32 v62, v26  }
0x365: {  	v1 =	vld.idx.msk [tilespmem:v1+s19+$0x0], $0xffff;
	v26 =	vsub.f32 $2.000000000e+00, v40;
	v63 =	vmul.f32 $1.872929930e-02, v28;
	v8 =	vmul.f32 v30, v8  }
0x366: {  	v18 =	vadd.f32 v18, v20;
	v9 =	vmul.f32 v55, v9;
	v40 =	vld.idx.msk [tilespmem:v29+s18+$0x0], $0xffff;
	v4 =	vmul.f32 v56, v4  }
0x367: {  	v29 =	vld.idx.msk [tilespmem:v29+s19+$0x0], $0xffff;
	v26 =	vmul.f32 v37, v26;
	v33 =	vsub.f32 $7.426100220e-02, v63;
	v54 =	vmul.f32 v8, v38  }
0x368: {  	v62 =	vld.idx.msk [tilespmem:v24+s18+$0x0], $0xffff;
	v9 =	vsub.f32 $2.000000000e+00, v9;
	v15 =	vmul.f32 v21, v15;
	v21 =	vmul.f32 v22, v36  }
0x369: {  	v2 =	vmax.f32 v2, $1.000000010e-10;
	v63 =	vld.idx.msk [tilespmem:v19+s18+$0x0], $0xffff;
	v33 =	vmul.f32 v33, v28;
	v37 =	vmul.f32 v54, v8  }
0x36a: {  	vm0 =	vlt.f32 v0, $0.0e+00;
	v13 =	vmul.f32 v23, v13;
	v1 =	vmul.f32 v1, v17;
	v19 =	vld.idx.msk [tilespmem:v19+s19+$0x0], $0xffff  }
0x36b: {  	v24 =	vld.idx.msk [tilespmem:v24+s19+$0x0], $0xffff;
	v47 =	vsub.s32 $0x7EF311C3, v2;
	v33 =	vadd.f32 $-2.121143940e-01, v33;
	v22 =	vsub.f32 $1.500000000e+00, v37  }
0x36c: {  	v4 =	vsub.f32 $2.000000000e+00, v4;
	v9 =	vmul.f32 v9, v55;
	v50 =	vmul.f32 v47, v2  }
0x36d: {  	v5 =	vadd.f32 v15, v5;
	v28 =	vmul.f32 v33, v28;
	v8 =	vmul.f32 v22, v8  }
0x36e: {  	v15 =	vmul.f32 v31, v48;
	v11 =	vadd.f32 v21, v11;
	v21 =	vmul.f32 v27, v25  }
0x36f: {  	v31 =	vld.idx.msk [tilespmem:v12+s18+$0x0], $0xffff;
	v19 =	vmul.f32 v19, v63;
	v28 =	vadd.f32 $1.570728780e+00, v28;
	v8 =	vmul.f32 v8, v35  }
0x370: {  	v29 =	vmul.f32 v29, v40;
	v20 =	vmul.f32 v24, v62;
	v53 =	vsub.f32 $2.000000000e+00, v50;
	v50 =	vld.idx.msk [tilespmem:v58+s19+$0x0], $0xffff  }
0x371: {  	v19 =	vadd.f32 v15, v19;
	v15 =	vsub.f32 $2.000000000e+00, v21;
	v21 =	vld.idx.msk [tilespmem:v58+s18+$0x0], $0xffff;
	v8 =	vmul.f32 v8, v28  }
0x372: {  	v10 =	vmul.f32 v26, v10;
	v30 =	vsub.f32 $2.000000000e+00, v49;
	v49 =	vadd.f32 v29, v20;
	v20 =	vld.idx.msk [tilespmem:v32+s19+$0x0], $0xffff  }
0x373: {  	v1 =	vadd.f32 v1, v5;
	v61 =	vmul.f32 v47, v53;
	v28 =	vld.idx.msk [tilespmem:v32+s18+$0x0], $0xffff;
	v24 =	vsub.f32 $3.141592740e+00, v8  }
0x374: {  	v10 =	vsub.f32 $2.000000000e+00, v10;
	v30 =	vmul.f32 v45, v30;
	v22 =	vor.u32 $0x2, v12;
	v12 =	vld.idx.msk [tilespmem:v12+s19+$0x0], $0xffff  }
0x375: {  	v1 =	vmul.f32 $9.499999880e-01, v1;
	v2 =	vmul.f32 v61, v2;
	v25 =	vsel vm0, v24, v8;
	v8 =	vld.idx.msk [tilespmem:v14+s18+$0x0], $0xffff  }
0x376: {  	v4 =	vmul.f32 v4, v56;
	v7 =	vmul.f32 v30, v7;
	v14 =	vld.idx.msk [tilespmem:v14+s19+$0x0], $0xffff  }
0x377: {  	v10 =	vmul.f32 v10, v26;
	v1 =	vmul.f32 v3, v1;
	v2 =	vsub.f32 $2.000000000e+00, v2  }
0x378: {  	v17 =	vld.idx.msk [tilespmem:v59+s18+$0x0], $0xffff;
	v6 =	vmul.f32 v50, v21;
	v7 =	vsub.f32 $2.000000000e+00, v7;
	v51 =	vmul.f32 v20, v28  }
0x379: {  	v23 =	vld.idx.msk [tilespmem:v42+s18+$0x0], $0xffff;
	v15 =	vmul.f32 v15, v27;
	v2 =	vmul.f32 v2, v61  }
0x37a: {  	v6 =	vadd.f32 v6, v18;
	v7 =	vmul.f32 v7, v30;
	v5 =	vadd.f32 v51, v11;
	v11 =	vld.idx.msk [tilespmem:v42+s19+$0x0], $0xffff  }
0x37b: {  	v12 =	vmul.f32 v12, v31;
	v20 =	vld.idx.msk [tilespmem:v59+s19+$0x0], $0xffff;
	v8 =	vmul.f32 v14, v8  }
0x37c: {  	v54 =	vmul.f32 $9.499999880e-01, v6;
	v5 =	vmul.f32 $9.499999880e-01, v5  }
0x37d: {  	v13 =	vadd.f32 v13, v12;
	v12 =	vld.idx.msk [tilespmem:v22+s19+$0x0], $0xffff;
	v24 =	vand.u32 $0x7FFFFFFF, v1;
	v8 =	vadd.f32 v8, v16  }
0x37e: {  	vm0 =	vlt.f32 v1, $0.0e+00;
	v14 =	vld.idx.msk [tilespmem:v22+s18+$0x0], $0xffff;
	v53 =	vmul.f32 v15, v5;
	v5 =	vmul.f32 v9, v54  }
0x37f: {  	v55 =	vmul.f32 v11, v23;
	v11 =	vsub.f32 $1.000000000e+00, v24;
	v52 =	vmul.f32 $9.499999880e-01, v8  }
0x380: {  	v8 =	vmul.f32 v20, v17;
	v15 =	vand.u32 $0x7FFFFFFF, v53;
	v21 =	vand.u32 $0x7FFFFFFF, v5  }
0x381: {  	vm4 =	vlt.f32 v53, $0.0e+00;
	v6 =	vadd.f32 v55, v19;
	v17 =	vsub.f32 $1.000000000e+00, v21  }
0x382: {  	v55 =	vmul.f32 $1.872929930e-02, v24;
	v0 =	vadd.f32 v8, v49;
	v3 =	vmul.f32 v10, v52  }
0x383: {  	v8 =	vmul.f32 v12, v14;
	v12 =	vsub.f32 $1.000000000e+00, v15;
	v56 =	vmul.f32 $9.499999880e-01, v6  }
0x384: {  	v26 =	vshra.s32 v17, $0x1;
	v28 =	vmul.f32 $5.000000000e-01, v17;
	v0 =	vmul.f32 $9.499999880e-01, v0  }
0x385: {  	v19 =	vand.u32 $0x7FFFFFFF, v3;
	v57 =	vadd.f32 v8, v13;
	v8 =	vshra.s32 v11, $0x1  }
0x386: {  	v9 =	vshra.s32 v12, $0x1;
	v26 =	vsub.s32 $0x5F3759DF, v26;
	vm2 =	vlt.f32 v3, $0.0e+00  }
0x387: {  	v13 =	vsub.f32 $1.000000000e+00, v19;
	v63 =	vmul.f32 v26, v28;
	v0 =	vmul.f32 v4, v0  }
0x388: {  	v8 =	vsub.s32 $0x5F3759DF, v8;
	v4 =	vmul.f32 v7, v56;
	v6 =	vmul.f32 $9.499999880e-01, v57  }
0x389: {  	v9 =	vsub.s32 $0x5F3759DF, v9;
	v7 =	vmul.f32 $5.000000000e-01, v11;
	v56 =	vmul.f32 $1.872929930e-02, v15  }
0x38a: {  	v57 =	vmul.f32 $1.872929930e-02, v21;
	v10 =	vshra.s32 v13, $0x1;
	v27 =	vmul.f32 $5.000000000e-01, v13  }
0x38b: {  	v50 =	vmul.f32 v26, v63;
	v20 =	vand.u32 $0x7FFFFFFF, v0;
	v22 =	vand.u32 $0x7FFFFFFF, v4  }
0x38c: {  	v2 =	vmul.f32 v2, v6;
	v6 =	vmul.f32 $5.000000000e-01, v12;
	v10 =	vsub.s32 $0x5F3759DF, v10  }
0x38d: {  	v59 =	vmul.f32 v8, v7;
	vm1 =	vlt.f32 v0, $0.0e+00;
	v0 =	vsub.f32 $7.426100220e-02, v55  }
0x38e: {  	vm7 =	vlt.f32 v4, $0.0e+00;
	v4 =	vsub.f32 $7.426100220e-02, v56;
	v14 =	vsub.f32 $1.000000000e+00, v20  }
0x38f: {  	v16 =	vsub.f32 $1.000000000e+00, v22;
	v62 =	vmul.f32 v10, v27;
	v53 =	vsub.f32 $1.500000000e+00, v50  }
0x390: {  	v23 =	vand.u32 $0x7FFFFFFF, v2;
	v61 =	vmul.f32 v9, v6;
	v46 =	vmul.f32 v8, v59  }
0x391: {  	vm8 =	vlt.f32 v2, $0.0e+00;
	v2 =	vsub.f32 $7.426100220e-02, v57;
	v0 =	vmul.f32 v0, v24  }
0x392: {  	v4 =	vmul.f32 v4, v15;
	v29 =	vshra.s32 v14, $0x1;
	v18 =	vsub.f32 $1.000000000e+00, v23  }
0x393: {  	v30 =	vmul.f32 $5.000000000e-01, v14;
	v31 =	vshra.s32 v16, $0x1;
	v32 =	vmul.f32 $5.000000000e-01, v16  }
0x394: {  	v49 =	vmul.f32 v10, v62;
	v59 =	vmul.f32 $1.872929930e-02, v23;
	v29 =	vsub.s32 $0x5F3759DF, v29  }
0x395: {  	v31 =	vsub.s32 $0x5F3759DF, v31;
	v48 =	vmul.f32 v9, v61;
	v1 =	vsub.f32 $1.500000000e+00, v46  }
0x396: {  	v2 =	vmul.f32 v2, v21;
	v58 =	vshra.s32 v18, $0x1;
	v34 =	vmul.f32 $5.000000000e-01, v18  }
0x397: {  	v44 =	vmul.f32 v29, v30;
	v45 =	vmul.f32 v31, v32;
	v33 =	vsub.s32 $0x5F3759DF, v58  }
0x398: {  	v3 =	vsub.f32 $1.500000000e+00, v48;
	v1 =	vmul.f32 v8, v1;
	v58 =	vmul.f32 $1.872929930e-02, v22  }
0x399: {  	v8 =	vsub.f32 $1.500000000e+00, v49;
	v47 =	vmul.f32 v33, v34;
	v51 =	vmul.f32 v29, v44  }
0x39a: {  	vm3 =	vlt.f32 v5, $0.0e+00;
	v52 =	vmul.f32 v31, v45;
	v3 =	vmul.f32 v9, v3  }
0x39b: {  	vm1 =	vmmov vm1;
	v8 =	vmul.f32 v10, v8;
	v10 =	vmul.f32 v26, v53  }
0x39c: {  	v7 =	vmul.f32 v1, v7;
	v35 =	vmul.f32 v33, v47;
	v9 =	vsub.f32 $1.500000000e+00, v51  }
0x39d: {  	v54 =	vsub.f32 $1.500000000e+00, v52;
	v6 =	vmul.f32 v3, v6;
	v27 =	vmul.f32 v8, v27  }
0x39e: {  	v39 =	vadd.f32 $-2.121143940e-01, v4;
	v28 =	vmul.f32 v10, v28;
	v7 =	vmul.f32 v7, v1  }
0x39f: {  	v50 =	vadd.f32 $-2.121143940e-01, v2;
	v5 =	vmul.f32 v29, v9;
	v9 =	vmul.f32 v31, v54  }
0x3a0: {  	v26 =	vsub.f32 $1.500000000e+00, v35;
	v29 =	vmul.f32 $1.872929930e-02, v19;
	v31 =	vmul.f32 $1.872929930e-02, v20  }
0x3a1: {  	v35 =	vsub.f32 $7.426100220e-02, v59;
	v6 =	vmul.f32 v6, v3;
	v27 =	vmul.f32 v27, v8  }
0x3a2: {  	v28 =	vmul.f32 v28, v10;
	v7 =	vsub.f32 $1.500000000e+00, v7;
	v26 =	vmul.f32 v33, v26  }
0x3a3: {  	v29 =	vsub.f32 $7.426100220e-02, v29;
	v30 =	vmul.f32 v5, v30;
	v31 =	vsub.f32 $7.426100220e-02, v31  }
0x3a4: {  	v32 =	vmul.f32 v9, v32;
	v33 =	vsub.f32 $7.426100220e-02, v58;
	v35 =	vmul.f32 v35, v23  }
0x3a5: {  	v6 =	vsub.f32 $1.500000000e+00, v6;
	v61 =	vsub.f32 $1.500000000e+00, v27;
	v40 =	vmul.f32 v7, v1  }
0x3a6: {  	v62 =	vsub.f32 $1.500000000e+00, v28;
	v34 =	vmul.f32 v26, v34;
	v30 =	vmul.f32 v30, v5  }
0x3a7: {  	v28 =	vadd.f32 $-2.121143940e-01, v0;
	v32 =	vmul.f32 v32, v9;
	v29 =	vmul.f32 v29, v19  }
0x3a8: {  	v31 =	vmul.f32 v31, v20;
	v33 =	vmul.f32 v33, v22;
	v53 =	vadd.f32 $-2.121143940e-01, v35  }
0x3a9: {  	v44 =	vmul.f32 v6, v3;
	v43 =	vmul.f32 v61, v8;
	v30 =	vsub.f32 $1.500000000e+00, v30  }
0x3aa: {  	v34 =	vmul.f32 v34, v26;
	v63 =	vsub.f32 $1.500000000e+00, v32;
	v54 =	vadd.f32 $-2.121143940e-01, v29  }
0x3ab: {  	s9 =	simm.s32 $0xB970;
	v45 =	vmul.f32 v62, v10;
	v51 =	vadd.f32 $-2.121143940e-01, v31;
	v52 =	vadd.f32 $-2.121143940e-01, v33  }
0x3ac: {  	s12 =	simm.s32 $0xF0;
	s4 =	simm.s32 $0x0;
	s8 =	simm.s32 $0xB970;
	[tilespmem:s9+$0xFFFFFFF0] =	vst v25;
	v27 =	vsub.f32 $1.500000000e+00, v34;
	v46 =	vmul.f32 v30, v5;
	v41 =	vmul.f32 v63, v9  }
.LBB2_13:
0x3ad: {  	_ = 	snop  }
0x3ae: {  	s23 =	sadd.s32 $0xFFFFFF90, s12  }
0x3af: {  	s13 =	sadd.s32 $0xFFFFFFA0, s12;
	v0 =	vmov s12;
	v8 =	vmov s23  }
0x3b0: {  	s14 =	sadd.s32 $0xFFFFFFB0, s12;
	s16 =	sadd.s32 $0xFFFFFFF0, s12;
	v1 =	vmul.f32 v28, v24;
	v3 =	vmov s13;
	v8 =	vshll.u32 v8, $0x3  }
0x3b1: {  	s21 =	sadd.s32 $0xFFFFFFD0, s12;
	s25 =	sadd.s32 $0xFFFFFFE0, s12;
	v4 =	vmov s14;
	v5 =	vmov s16;
	v8 =	vor.u32 v60, v8  }
0x3b2: {  	v7 =	vmov s21;
	v9 =	vmov s25;
	v3 =	vshll.u32 v3, $0x3  }
0x3b3: {  	s14 =	sadd.s32 $0xFFFFFFC0, s12;
	v0 =	vshll.u32 v0, $0x3;
	v5 =	vshll.u32 v5, $0x3;
	v38 =	vor.u32 v60, v3  }
0x3b4: {  	v6 =	vmov s14;
	v4 =	vshll.u32 v4, $0x3;
	v5 =	vor.u32 v60, v5  }
0x3b5: {  	v7 =	vshll.u32 v7, $0x3;
	v9 =	vshll.u32 v9, $0x3;
	v6 =	vshll.u32 v6, $0x3  }
0x3b6: {  	v37 =	vor.u32 v60, v4;
	v35 =	vor.u32 v60, v6;
	v10 =	vor.u32 $0x3, v5;
	v56 =	vld.idx.msk [tilespmem:v8+s18+$0x0], $0xffff  }
0x3b7: {  	v33 =	vor.u32 v60, v7;
	v32 =	vor.u32 v60, v9;
	v28 =	vor.u32 v60, v0;
	v60 =	vld.idx.msk [tilespmem:v8+s19+$0x0], $0xffff  }
0x3b8: {  	v0 =	vor.u32 $0x3, v8;
	v36 =	vld.idx.msk [tilespmem:v38+s18+$0x0], $0xffff  }
0x3b9: {  	v61 =	vor.u32 $0x1, v5;
	v63 =	vld.idx.msk [tilespmem:v5+s18+$0x0], $0xffff  }
0x3ba: {  	v62 =	vor.u32 $0x2, v5;
	v5 =	vld.idx.msk [tilespmem:v5+s19+$0x0], $0xffff  }
0x3bb: {  	v6 =	vld.idx.msk [tilespmem:v10+s18+$0x0], $0xffff  }
0x3bc: {  	v2 =	vmul.f32 v27, v26;
	v10 =	vld.idx.msk [tilespmem:v10+s19+$0x0], $0xffff  }
0x3bd: {  	v4 =	vor.u32 $0x3, v37;
	v57 =	vor.u32 $0x1, v8;
	v31 =	vor.u32 $0x2, v8;
	v8 =	vld.idx.msk [tilespmem:v0+s18+$0x0], $0xffff  }
0x3be: {  	v15 =	vmul.f32 v39, v15;
	v19 =	vmul.f32 v54, v19;
	v54 =	vld.idx.msk [tilespmem:v61+s19+$0x0], $0xffff  }
0x3bf: {  	v21 =	vmul.f32 v50, v21;
	v20 =	vmul.f32 v51, v20;
	v7 =	vor.u32 $0x3, v35;
	v50 =	vld.idx.msk [tilespmem:v62+s18+$0x0], $0xffff  }
0x3c0: {  	vm6 =	vmmov vm7;
	v22 =	vmul.f32 v52, v22;
	v23 =	vmul.f32 v53, v23;
	v51 =	vld.idx.msk [tilespmem:v62+s19+$0x0], $0xffff  }
0x3c1: {  	v40 =	vmul.f32 v40, v11;
	v44 =	vmul.f32 v44, v12;
	v3 =	vor.u32 $0x3, v38;
	v0 =	vld.idx.msk [tilespmem:v0+s19+$0x0], $0xffff  }
0x3c2: {  	v43 =	vmul.f32 v43, v13;
	v45 =	vmul.f32 v45, v17;
	v1 =	vadd.f32 $1.570728780e+00, v1;
	v62 =	vld.idx.msk [tilespmem:v4+s18+$0x0], $0xffff  }
0x3c3: {  	v17 =	vmul.f32 v46, v14;
	v15 =	vadd.f32 $1.570728780e+00, v15;
	v53 =	vadd.f32 $1.570728780e+00, v19;
	v4 =	vld.idx.msk [tilespmem:v4+s19+$0x0], $0xffff  }
0x3c4: {  	v19 =	vadd.f32 $1.570728780e+00, v20;
	v12 =	vadd.f32 $1.570728780e+00, v22;
	v13 =	vmul.f32 v2, v18;
	v2 =	vld.idx.msk [tilespmem:v7+s18+$0x0], $0xffff  }
0x3c5: {  	v14 =	vadd.f32 $1.570728780e+00, v23;
	v9 =	vor.u32 $0x3, v33;
	v55 =	vor.u32 $0x3, v32;
	v7 =	vld.idx.msk [tilespmem:v7+s19+$0x0], $0xffff  }
0x3c6: {  	v58 =	vor.u32 $0x1, v38;
	v59 =	vor.u32 $0x3, v28;
	v39 =	vmul.f32 v60, v56;
	v60 =	vld.idx.msk [tilespmem:v3+s18+$0x0], $0xffff  }
0x3c7: {  	v49 =	vor.u32 $0x1, v37;
	v48 =	vor.u32 $0x1, v35;
	v47 =	vor.u32 $0x1, v33;
	v3 =	vld.idx.msk [tilespmem:v3+s19+$0x0], $0xffff  }
0x3c8: {  	v42 =	vor.u32 $0x1, v32;
	v34 =	vor.u32 $0x1, v28;
	v6 =	vmul.f32 v10, v6;
	v10 =	vld.idx.msk [tilespmem:v61+s18+$0x0], $0xffff  }
0x3c9: {  	v30 =	vor.u32 $0x2, v38;
	v29 =	vor.u32 $0x2, v37;
	v23 =	vmul.f32 v44, v15;
	v38 =	vld.idx.msk [tilespmem:v38+s19+$0x0], $0xffff  }
0x3ca: {  	v15 =	vmul.f32 v43, v53;
	v5 =	vmul.f32 v5, v63;
	v6 =	vmax.f32 v6, $1.000000010e-10  }
0x3cb: {  	v46 =	vld.idx.msk [tilespmem:v58+s18+$0x0], $0xffff;
	v0 =	vmul.f32 v0, v8;
	v62 =	vmul.f32 v4, v62;
	v56 =	vsub.s32 $0x7EF311C3, v6  }
0x3cc: {  	v27 =	vor.u32 $0x2, v35;
	v61 =	vld.idx.msk [tilespmem:v9+s19+$0x0], $0xffff;
	v2 =	vmul.f32 v7, v2;
	v52 =	vmul.f32 v56, v6  }
0x3cd: {  	v26 =	vor.u32 $0x2, v33;
	v60 =	vmul.f32 v3, v60;
	v10 =	vmul.f32 v54, v10;
	v54 =	vld.idx.msk [tilespmem:v49+s18+$0x0], $0xffff  }
0x3ce: {  	v36 =	vmul.f32 v38, v36;
	v20 =	vmax.f32 v0, $1.000000010e-10;
	v0 =	vmax.f32 v62, $1.000000010e-10;
	v49 =	vld.idx.msk [tilespmem:v49+s19+$0x0], $0xffff  }
0x3cf: {  	v2 =	vmax.f32 v2, $1.000000010e-10;
	v11 =	vsub.f32 $2.000000000e+00, v52;
	v22 =	vmax.f32 v60, $1.000000010e-10;
	v60 =	vld.idx.msk [tilespmem:v59+s19+$0x0], $0xffff  }
0x3d0: {  	v52 =	vadd.f32 $1.570728780e+00, v21;
	v5 =	vadd.f32 v10, v5;
	v10 =	vmul.f32 v51, v50;
	v51 =	vld.idx.msk [tilespmem:v9+s18+$0x0], $0xffff  }
0x3d1: {  	v8 =	vsub.s32 $0x7EF311C3, v20;
	v21 =	vmul.f32 v40, v1;
	v9 =	vld.idx.msk [tilespmem:v55+s18+$0x0], $0xffff;
	v63 =	vmul.f32 v56, v11  }
0x3d2: {  	v40 =	vsub.s32 $0x7EF311C3, v22;
	v11 =	vmul.f32 v41, v16;
	v16 =	vmul.f32 v45, v52;
	v41 =	vld.idx.msk [tilespmem:v57+s18+$0x0], $0xffff  }
0x3d3: {  	v45 =	vld.idx.msk [tilespmem:v57+s19+$0x0], $0xffff;
	v5 =	vadd.f32 v10, v5;
	v10 =	vmul.f32 v8, v20;
	v6 =	vmul.f32 v63, v6  }
0x3d4: {  	v43 =	vsub.s32 $0x7EF311C3, v0;
	v56 =	vmul.f32 v40, v22;
	v52 =	vld.idx.msk [tilespmem:v58+s19+$0x0], $0xffff;
	v49 =	vmul.f32 v49, v54  }
0x3d5: {  	v50 =	vld.idx.msk [tilespmem:v48+s18+$0x0], $0xffff;
	v5 =	vmul.f32 $9.499999880e-01, v5;
	v10 =	vsub.f32 $2.000000000e+00, v10;
	v6 =	vsub.f32 $2.000000000e+00, v6  }
0x3d6: {  	v48 =	vld.idx.msk [tilespmem:v48+s19+$0x0], $0xffff;
	v1 =	vmul.f32 v61, v51;
	v61 =	vmul.f32 v43, v0;
	v51 =	vsub.s32 $0x7EF311C3, v2  }
0x3d7: {  	v25 =	vor.u32 $0x2, v32;
	v62 =	vmul.f32 v51, v2;
	v8 =	vmul.f32 v8, v10;
	v10 =	vld.idx.msk [tilespmem:v42+s18+$0x0], $0xffff  }
0x3d8: {  	v42 =	vld.idx.msk [tilespmem:v42+s19+$0x0], $0xffff;
	v41 =	vmul.f32 v45, v41;
	v6 =	vmul.f32 v6, v63;
	v1 =	vmax.f32 v1, $1.000000010e-10  }
0x3d9: {  	v45 =	vmul.f32 v52, v46;
	v52 =	vld.idx.msk [tilespmem:v33+s18+$0x0], $0xffff;
	v7 =	vsub.f32 $2.000000000e+00, v61;
	v57 =	vsub.s32 $0x7EF311C3, v1  }
0x3da: {  	v63 =	vld.idx.msk [tilespmem:v55+s19+$0x0], $0xffff;
	v55 =	vsub.f32 $2.000000000e+00, v62;
	v39 =	vadd.f32 v41, v39;
	v18 =	vmul.f32 v6, v5  }
0x3db: {  	v33 =	vld.idx.msk [tilespmem:v33+s19+$0x0], $0xffff;
	v41 =	vmul.f32 v48, v50;
	v20 =	vmul.f32 v8, v20;
	v6 =	vsub.f32 $2.000000000e+00, v56  }
0x3dc: {  	v5 =	vld.idx.msk [tilespmem:v59+s18+$0x0], $0xffff;
	v59 =	vmul.f32 v57, v1;
	v7 =	vmul.f32 v43, v7;
	v44 =	vand.u32 $0x7FFFFFFF, v18  }
0x3dd: {  	v43 =	vmul.f32 v51, v55;
	v51 =	vsub.f32 $3.141592740e+00, v21;
	v3 =	vsub.f32 $1.000000000e+00, v44  }
0x3de: {  	v20 =	vsub.f32 $2.000000000e+00, v20;
	v59 =	vsub.f32 $2.000000000e+00, v59;
	v6 =	vmul.f32 v40, v6  }
0x3df: {  	v4 =	vmul.f32 v63, v9;
	v9 =	vshra.s32 v3, $0x1;
	v53 =	vmul.f32 $5.000000000e-01, v3  }
0x3e0: {  	v55 =	vld.idx.msk [tilespmem:v37+s18+$0x0], $0xffff;
	v10 =	vmul.f32 v42, v10;
	v0 =	vmul.f32 v7, v0;
	v9 =	vsub.s32 $0x5F3759DF, v9  }
0x3e1: {  	v37 =	vld.idx.msk [tilespmem:v37+s19+$0x0], $0xffff;
	v33 =	vmul.f32 v33, v52;
	v21 =	vsel vm0, v51, v21;
	v63 =	vmul.f32 v9, v53  }
0x3e2: {  	v2 =	vmul.f32 v43, v2;
	vm0 =	vlt.f32 v18, $0.0e+00;
	v8 =	vmul.f32 v20, v8  }
0x3e3: {  	v57 =	vmul.f32 v57, v59;
	v59 =	vsub.f32 $3.141592740e+00, v23;
	v56 =	vmul.f32 v9, v63  }
0x3e4: {  	[tilespmem:s9+$0xFFFFFF90] =	vst v21;
	v21 =	vadd.f32 v45, v36;
	v22 =	vmul.f32 v6, v22;
	v0 =	vsub.f32 $2.000000000e+00, v0  }
0x3e5: {  	v4 =	vmax.f32 v4, $1.000000010e-10;
	v5 =	vmul.f32 v60, v5;
	v60 =	vld.idx.msk [tilespmem:v47+s18+$0x0], $0xffff;
	v56 =	vsub.f32 $1.500000000e+00, v56  }
0x3e6: {  	v47 =	vld.idx.msk [tilespmem:v47+s19+$0x0], $0xffff;
	v2 =	vsub.f32 $2.000000000e+00, v2;
	v58 =	vsub.s32 $0x7EF311C3, v4;
	v37 =	vmul.f32 v37, v55  }
0x3e7: {  	v45 =	vld.idx.msk [tilespmem:v31+s18+$0x0], $0xffff;
	v23 =	vsel vm4, v59, v23;
	v9 =	vmul.f32 v9, v56;
	v56 =	vmul.f32 $1.872929930e-02, v44  }
0x3e8: {  	v59 =	vld.idx.msk [tilespmem:v34+s18+$0x0], $0xffff;
	v1 =	vmul.f32 v57, v1;
	v22 =	vsub.f32 $2.000000000e+00, v22;
	v0 =	vmul.f32 v0, v7  }
0x3e9: {  	v34 =	vld.idx.msk [tilespmem:v34+s19+$0x0], $0xffff;
	v5 =	vmax.f32 v5, $1.000000010e-10;
	v53 =	vmul.f32 v9, v53;
	v56 =	vsub.f32 $7.426100220e-02, v56  }
0x3ea: {  	v61 =	vmul.f32 v58, v4;
	[tilespmem:s9+$0xFFFFFFA0] =	vst v23;
	v23 =	vld.idx.msk [tilespmem:v31+s19+$0x0], $0xffff;
	v2 =	vmul.f32 v2, v43;
	v62 =	vsub.s32 $0x7EF311C3, v5  }
0x3eb: {  	v18 =	vld.idx.msk [tilespmem:v30+s18+$0x0], $0xffff;
	v1 =	vsub.f32 $2.000000000e+00, v1;
	v53 =	vmul.f32 v53, v9;
	v56 =	vmul.f32 v56, v44  }
0x3ec: {  	v30 =	vld.idx.msk [tilespmem:v30+s19+$0x0], $0xffff;
	v6 =	vmul.f32 v22, v6;
	v63 =	vmul.f32 v62, v5;
	v40 =	vsub.f32 $2.000000000e+00, v61  }
0x3ed: {  	v22 =	vld.idx.msk [tilespmem:v27+s19+$0x0], $0xffff;
	v47 =	vmul.f32 v47, v60;
	v53 =	vsub.f32 $1.500000000e+00, v53;
	v54 =	vadd.f32 $-2.121143940e-01, v56  }
0x3ee: {  	v1 =	vmul.f32 v1, v57;
	v61 =	vsub.f32 $2.000000000e+00, v63;
	v40 =	vmul.f32 v58, v40;
	v56 =	vld.idx.msk [tilespmem:v32+s18+$0x0], $0xffff  }
0x3ef: {  	v24 =	vor.u32 $0x2, v28;
	v32 =	vld.idx.msk [tilespmem:v32+s19+$0x0], $0xffff;
	v9 =	vmul.f32 v53, v9;
	v44 =	vmul.f32 v54, v44  }
0x3f0: {  	v46 =	vsub.f32 $3.141592740e+00, v16;
	v50 =	vmul.f32 v34, v59;
	v58 =	vmul.f32 v62, v61;
	v61 =	vld.idx.msk [tilespmem:v35+s18+$0x0], $0xffff  }
0x3f1: {  	v20 =	vmul.f32 v23, v45;
	v35 =	vld.idx.msk [tilespmem:v35+s19+$0x0], $0xffff;
	v3 =	vmul.f32 v9, v3;
	v9 =	vadd.f32 $1.570728780e+00, v44  }
0x3f2: {  	v63 =	vadd.f32 v49, v37;
	v4 =	vmul.f32 v40, v4;
	v18 =	vmul.f32 v30, v18;
	v44 =	vld.idx.msk [tilespmem:v28+s19+$0x0], $0xffff  }
0x3f3: {  	v62 =	vsub.f32 $3.141592740e+00, v15;
	v30 =	vmul.f32 v11, v12;
	v3 =	vmul.f32 v3, v9;
	v9 =	vld.idx.msk [tilespmem:v28+s18+$0x0], $0xffff  }
0x3f4: {  	v23 =	vld.idx.msk [tilespmem:v25+s18+$0x0], $0xffff;
	v5 =	vmul.f32 v58, v5;
	v4 =	vsub.f32 $2.000000000e+00, v4;
	v31 =	vmul.f32 v32, v56  }
0x3f5: {  	v18 =	vadd.f32 v18, v21;
	v21 =	vld.idx.msk [tilespmem:v25+s19+$0x0], $0xffff;
	v25 =	vmul.f32 v13, v14;
	v28 =	vsub.f32 $3.141592740e+00, v3  }
0x3f6: {  	v5 =	vsub.f32 $2.000000000e+00, v5;
	v4 =	vmul.f32 v4, v40;
	v10 =	vadd.f32 v10, v31;
	v31 =	vld.idx.msk [tilespmem:v29+s18+$0x0], $0xffff  }
0x3f7: {  	v11 =	vmul.f32 $9.499999880e-01, v18;
	v3 =	vsel vm0, v28, v3;
	v28 =	vmul.f32 v17, v19;
	v17 =	vld.idx.msk [tilespmem:v29+s19+$0x0], $0xffff  }
0x3f8: {  	v49 =	vadd.f32 v47, v33;
	v35 =	vmul.f32 v35, v61;
	v19 =	vld.idx.msk [tilespmem:v27+s18+$0x0], $0xffff;
	v9 =	vmul.f32 v44, v9  }
0x3f9: {  	v51 =	vld.idx.msk [tilespmem:v26+s18+$0x0], $0xffff;
	s9 =	sadd.s32 $0x80, s9;
	v15 =	vsel vm2, v62, v15;
	v5 =	vmul.f32 v5, v58;
	v6 =	vmul.f32 v6, v11  }
0x3fa: {  	vm5 =	vmmov vm8;
	[tilespmem:s9+$0xFFFFFFF0] =	vst v3;
	v3 =	vadd.f32 v50, v9;
	v9 =	vadd.f32 v20, v39;
	v20 =	vld.idx.msk [tilespmem:v26+s19+$0x0], $0xffff  }
0x3fb: {  	v35 =	vadd.f32 v41, v35;
	vm4 =	vlt.f32 v6, $0.0e+00;
	[tilespmem:s8+$0xFFFFFFB0] =	vst v15;
	v15 =	vsel vm3, v46, v16  }
0x3fc: {  	v27 =	vsub.f32 $3.141592740e+00, v25;
	v9 =	vmul.f32 $9.499999880e-01, v9;
	v17 =	vmul.f32 v17, v31  }
0x3fd: {  	v14 =	vld.idx.msk [tilespmem:v24+s19+$0x0], $0xffff;
	[tilespmem:s8+$0xFFFFFFC0] =	vst v15;
	v15 =	vand.u32 $0x7FFFFFFF, v6;
	v29 =	vsub.f32 $3.141592740e+00, v28;
	v13 =	vmul.f32 v22, v19  }
0x3fe: {  	v25 =	vsel vm5, v27, v25;
	v26 =	vld.idx.msk [tilespmem:v24+s18+$0x0], $0xffff;
	v12 =	vadd.f32 v17, v63;
	v8 =	vmul.f32 v8, v9  }
0x3ff: {  	v9 =	vsub.f32 $3.141592740e+00, v30;
	v13 =	vadd.f32 v13, v35;
	v7 =	vmul.f32 v20, v51  }
0x400: {  	v12 =	vmul.f32 $9.499999880e-01, v12;
	v24 =	vand.u32 $0x7FFFFFFF, v8;
	vm0 =	vlt.f32 v8, $0.0e+00  }
0x401: {  	v8 =	vmul.f32 $9.499999880e-01, v13;
	v13 =	vmul.f32 v21, v23;
	v7 =	vadd.f32 v7, v49  }
0x402: {  	v11 =	vsub.f32 $1.000000000e+00, v24;
	v51 =	vmul.f32 $1.872929930e-02, v24;
	v0 =	vmul.f32 v0, v12  }
0x403: {  	v10 =	vadd.f32 v13, v10;
	v13 =	vmul.f32 v14, v26;
	v12 =	vsub.f32 $1.000000000e+00, v15  }
0x404: {  	v2 =	vmul.f32 v2, v8;
	v7 =	vmul.f32 $9.499999880e-01, v7;
	v8 =	vshra.s32 v11, $0x1  }
0x405: {  	v19 =	vand.u32 $0x7FFFFFFF, v0;
	v52 =	vmul.f32 $9.499999880e-01, v10;
	v3 =	vadd.f32 v13, v3  }
0x406: {  	v21 =	vand.u32 $0x7FFFFFFF, v2;
	v10 =	vshra.s32 v12, $0x1;
	v8 =	vsub.s32 $0x5F3759DF, v8  }
0x407: {  	vm2 =	vlt.f32 v0, $0.0e+00;
	vm3 =	vlt.f32 v2, $0.0e+00;
	v1 =	vmul.f32 v1, v7  }
0x408: {  	v13 =	vsub.f32 $1.000000000e+00, v19;
	v7 =	vmul.f32 $5.000000000e-01, v11;
	v17 =	vsub.f32 $1.000000000e+00, v21  }
0x409: {  	v10 =	vsub.s32 $0x5F3759DF, v10;
	v4 =	vmul.f32 v4, v52;
	v3 =	vmul.f32 $9.499999880e-01, v3  }
0x40a: {  	v52 =	vsel vm1, v29, v28;
	v28 =	vmul.f32 $1.872929930e-02, v15;
	v29 =	vmul.f32 $1.872929930e-02, v19  }
0x40b: {  	v20 =	vand.u32 $0x7FFFFFFF, v1;
	v26 =	vshra.s32 v13, $0x1;
	v31 =	vmul.f32 $5.000000000e-01, v13  }
0x40c: {  	v53 =	vshra.s32 v17, $0x1;
	v33 =	vmul.f32 $5.000000000e-01, v17;
	v59 =	vmul.f32 v8, v7  }
0x40d: {  	vm9 =	vlt.f32 v1, $0.0e+00;
	v14 =	vsub.f32 $1.000000000e+00, v20;
	v22 =	vand.u32 $0x7FFFFFFF, v4  }
0x40e: {  	v3 =	vmul.f32 v5, v3;
	v5 =	vmul.f32 $5.000000000e-01, v12;
	v26 =	vsub.s32 $0x5F3759DF, v26  }
0x40f: {  	v32 =	vsub.s32 $0x5F3759DF, v53;
	vm7 =	vlt.f32 v4, $0.0e+00;
	v53 =	vsel vm6, v9, v30  }
0x410: {  	v9 =	vmul.f32 $1.872929930e-02, v21;
	v30 =	vmul.f32 $1.872929930e-02, v20;
	v29 =	vsub.f32 $7.426100220e-02, v29  }
0x411: {  	vm1 =	vmmov vm9;
	v16 =	vsub.f32 $1.000000000e+00, v22;
	v62 =	vmul.f32 v26, v31  }
0x412: {  	v63 =	vmul.f32 v32, v33;
	v40 =	vmul.f32 v8, v59;
	v23 =	vand.u32 $0x7FFFFFFF, v3  }
0x413: {  	v54 =	vshra.s32 v14, $0x1;
	v35 =	vmul.f32 $5.000000000e-01, v14;
	v61 =	vmul.f32 v10, v5  }
0x414: {  	vm8 =	vlt.f32 v3, $0.0e+00;
	v3 =	vsub.f32 $7.426100220e-02, v51;
	v9 =	vsub.f32 $7.426100220e-02, v9  }
0x415: {  	v30 =	vsub.f32 $7.426100220e-02, v30;
	v29 =	vmul.f32 v29, v19;
	v18 =	vsub.f32 $1.000000000e+00, v23  }
0x416: {  	v56 =	vmul.f32 $5.000000000e-01, v16;
	v34 =	vsub.s32 $0x5F3759DF, v54;
	v6 =	vmul.f32 v26, v62  }
0x417: {  	v0 =	vmul.f32 v32, v63;
	v54 =	vsub.f32 $7.426100220e-02, v28;
	v28 =	vmul.f32 $1.872929930e-02, v22  }
0x418: {  	v55 =	vshra.s32 v16, $0x1;
	v45 =	vmul.f32 v34, v35;
	v41 =	vmul.f32 v10, v61  }
0x419: {  	v36 =	vsub.s32 $0x5F3759DF, v55;
	v55 =	vmul.f32 $1.872929930e-02, v23;
	v3 =	vmul.f32 v3, v24  }
0x41a: {  	v48 =	vsub.f32 $1.500000000e+00, v40;
	v9 =	vmul.f32 v9, v21;
	v30 =	vmul.f32 v30, v20  }
0x41b: {  	v57 =	vshra.s32 v18, $0x1;
	v58 =	vmul.f32 $5.000000000e-01, v18;
	v46 =	vmul.f32 v36, v56  }
0x41c: {  	v4 =	vmul.f32 v8, v48;
	v6 =	vsub.f32 $1.500000000e+00, v6;
	v0 =	vsub.f32 $1.500000000e+00, v0  }
0x41d: {  	v28 =	vsub.f32 $7.426100220e-02, v28;
	v38 =	vsub.s32 $0x5F3759DF, v57;
	v2 =	vmul.f32 v34, v45  }
0x41e: {  	v49 =	vsub.f32 $1.500000000e+00, v41;
	v47 =	vmul.f32 v38, v58;
	v50 =	vmul.f32 v36, v46  }
0x41f: {  	v51 =	vadd.f32 $-2.121143940e-01, v30;
	v6 =	vmul.f32 v26, v6;
	v0 =	vmul.f32 v32, v0  }
0x420: {  	v7 =	vmul.f32 v4, v7;
	v32 =	vsub.f32 $7.426100220e-02, v55;
	v62 =	vmul.f32 v28, v22  }
0x421: {  	v28 =	vadd.f32 $-2.121143940e-01, v3;
	v8 =	vmul.f32 v10, v49;
	v1 =	vmul.f32 v38, v47  }
0x422: {  	v2 =	vsub.f32 $1.500000000e+00, v2;
	v31 =	vmul.f32 v6, v31;
	v33 =	vmul.f32 v0, v33  }
0x423: {  	v10 =	vsub.f32 $1.500000000e+00, v50;
	v7 =	vmul.f32 v7, v4;
	v32 =	vmul.f32 v32, v23  }
0x424: {  	v50 =	vadd.f32 $-2.121143940e-01, v9;
	v2 =	vmul.f32 v34, v2;
	v5 =	vmul.f32 v8, v5  }
0x425: {  	v1 =	vsub.f32 $1.500000000e+00, v1;
	v10 =	vmul.f32 v36, v10;
	v27 =	vmul.f32 v31, v6  }
0x426: {  	[tilespmem:s8+$0xFFFFFFD0] =	vst v52;
	v52 =	vadd.f32 $-2.121143940e-01, v62;
	v31 =	vmul.f32 v33, v0;
	v34 =	vmul.f32 v2, v35  }
0x427: {  	v7 =	vsub.f32 $1.500000000e+00, v7;
	v5 =	vmul.f32 v5, v8;
	v26 =	vmul.f32 v38, v1  }
0x428: {  	s4 =	sadd.s32 $0x8, s4;
	[tilespmem:s8+$0xFFFFFFE0] =	vst v53;
	v53 =	vadd.f32 $-2.121143940e-01, v32;
	v56 =	vmul.f32 v10, v56;
	v1 =	vmul.f32 v54, v15  }
0x429: {  	p0 =	slt.u32 s4, $0x20;
	[tilespmem:s8+$0x0] =	vst v25;
	v61 =	vsub.f32 $1.500000000e+00, v27;
	v40 =	vmul.f32 v7, v4;
	v25 =	vmul.f32 v34, v2  }
.Ltmp5:
0x42a: {  	v31 =	vsub.f32 $1.500000000e+00, v31;
	v57 =	vmul.f32 v26, v58;
	v58 =	vmul.f32 v56, v10;
	(pc) =	sbr.rel @p0 .LBB2_13-.Ltmp5, $4  }
0x42b: {  	v54 =	vadd.f32 $-2.121143940e-01, v29;
	v5 =	vsub.f32 $1.500000000e+00, v5;
	v43 =	vmul.f32 v61, v6  }
0x42c: {  	v25 =	vsub.f32 $1.500000000e+00, v25;
	v59 =	vmul.f32 v57, v26;
	v63 =	vsub.f32 $1.500000000e+00, v58  }
0x42d: {  	v39 =	vadd.f32 $-2.121143940e-01, v1;
	v45 =	vmul.f32 v31, v0;
	v44 =	vmul.f32 v5, v8  }
0x42e: {  	s12 =	sadd.s32 $0x80, s12;
	v60 =	vld [tilespmem:$0x1FF80];
	s8 =	smov.u32 s9;
	v46 =	vmul.f32 v25, v2;
	v27 =	vsub.f32 $1.500000000e+00, v59;
	v41 =	vmul.f32 v63, v10  }
0x42f: {  	v0 =	vmul.f32 v28, v24;
	v2 =	vmul.f32 v39, v15  }
0x430: {  	v3 =	vmul.f32 v54, v19;
	v4 =	vmul.f32 v50, v21  }
0x431: {  	v5 =	vmul.f32 v51, v20;
	v6 =	vmul.f32 v52, v22  }
0x432: {  	v7 =	vmul.f32 v53, v23;
	v8 =	vmul.f32 v40, v11  }
0x433: {  	v9 =	vmul.f32 v44, v12;
	v10 =	vmul.f32 v43, v13  }
0x434: {  	v50 =	vmul.f32 v45, v17;
	v1 =	vmul.f32 v27, v26;
	v0 =	vadd.f32 $1.570728780e+00, v0  }
0x435: {  	v51 =	vmul.f32 v46, v14;
	v52 =	vmul.f32 v41, v16;
	v2 =	vadd.f32 $1.570728780e+00, v2  }
0x436: {  	v3 =	vadd.f32 $1.570728780e+00, v3;
	v4 =	vadd.f32 $1.570728780e+00, v4;
	v0 =	vmul.f32 v8, v0  }
0x437: {  	v5 =	vadd.f32 $1.570728780e+00, v5;
	v6 =	vadd.f32 $1.570728780e+00, v6;
	v2 =	vmul.f32 v9, v2  }
0x438: {  	v7 =	vadd.f32 $1.570728780e+00, v7;
	v3 =	vmul.f32 v10, v3;
	v53 =	vsub.f32 $3.141592740e+00, v0  }
0x439: {  	v1 =	vmul.f32 v1, v18;
	v4 =	vmul.f32 v50, v4;
	v54 =	vsub.f32 $3.141592740e+00, v2  }
0x43a: {  	v5 =	vmul.f32 v51, v5;
	v55 =	vsub.f32 $3.141592740e+00, v3;
	v0 =	vsel vm0, v53, v0  }
0x43b: {  	v57 =	vmul.f32 v52, v6;
	v56 =	vsub.f32 $3.141592740e+00, v4;
	v2 =	vsel vm4, v54, v2;
	[tilespmem:s9+$0xFFFFFF90] =	vst v0  }
0x43c: {  	v1 =	vmul.f32 v1, v7;
	v58 =	vsub.f32 $3.141592740e+00, v5;
	v3 =	vsel vm2, v55, v3;
	[tilespmem:s9+$0xFFFFFFA0] =	vst v2  }
0x43d: {  	v61 =	vsub.f32 $3.141592740e+00, v57;
	v59 =	vsel vm3, v56, v4;
	[tilespmem:s8+$0xFFFFFFB0] =	vst v3  }
0x43e: {  	vm14 =	vmmov vm7;
	v62 =	vsub.f32 $3.141592740e+00, v1;
	[tilespmem:s8+$0xFFFFFFC0] =	vst v59;
	v2 =	vsel vm1, v58, v5  }
0x43f: {  	vm15 =	vmmov vm8;
	v0 =	vsel vm14, v61, v57;
	[tilespmem:s8+$0xFFFFFFD0] =	vst v2  }
0x440: {  	v63 =	vsel vm15, v62, v1;
	[tilespmem:s8+$0xFFFFFFE0] =	vst v0  }
0x441: {  	s4 =	rddreg [dreg:$0x4];
	[tilespmem:s8+$0x0] =	vst v63  }
0x442: {  	s25 =	simm.s32 $0x0;
	s8 =	rddreg [dreg:$0xc]  }
0x443: {  	s21 =	simm.s32 $0x7D00;
	s14 =	simm.s32 $0x5;
	s4 =	sadd.s32 s4, s8  }
0x444: {  	[hbm4b:s4+s25] =	stream.linear.scatter [tilespmem:s21], [sflag:$0x5], $0x3E80, $0x38;
	[tilespmem:$0x16940] =	vst v63  }
0x445: {  	_ =	swait.ge [sflag:s14], $0x3E80  }
0x446: {  	s23 =	rddreg [dreg:$0xb]  }
0x447: {  	s4 =	sadd.s32 $0x1, s23  }
0x448: {  	p0 =	sne.s32 s4, $0x5  }
.Ltmp6:
0x449: {  	_ = 	snop;
	(pc) =	sbr.rel @p0 .LBB2_6-.Ltmp6, $3  }
0x44a: {  	_ =	sdelay $0x1  }
0x44b: {  	[sflag:s14] =	ssyncset.done $0x0  }
0x44c: {  	[sflag:s14] =	ssyncadd.s32 $0xFFFFC180  }
0x44d: {  	v0 =	vld [tilespmem:$0x1FF50]  }
0x44e: {  	v1 =	vld [tilespmem:$0x1FF60]  }
0x44f: {  	s8 =	rddreg [dreg:$0xa];
	v2 =	vld [tilespmem:$0x1FF70]  }
0x450: {  	s4 =	rddreg [dreg:$0x9];
	v3 =	vld [tilespmem:$0x1FF90];
	s8 =	sadd.s32 $0x1, s8  }
0x451: {  	v4 =	vld [tilespmem:$0x1FFA0];
	p0 =	sne.s32 s8, s4  }
.Ltmp7:
0x452: {  	v5 =	vld [tilespmem:$0x1FFB0];
	(pc) =	sbr.rel @p0 .LBB2_1-.Ltmp7, $4  }
0x453: {  	v6 =	vld [tilespmem:$0x1FFC0]  }
0x454: {  	v7 =	vld [tilespmem:$0x1FFD0]  }
0x455: {  	v8 =	vld [tilespmem:$0x1FFE0]  }
0x456: {  	s23 =	rddreg [dreg:$0x0];
	v9 =	vld [tilespmem:$0x1FFF0]  }
0x457: {  	_ =	sfence.sel $0x180000  }
0x458: {  	[bflag:$0x0] =	sbarrier.arrive $0xFFFF  }
0x459: {  	_ =	strace $0x90000047  }
0x45a: {  	s0 =	stileid.u32;
	[bflag:$0x2] =	sbarrier.arrive $0xFFFF  }
0x45b: {  	p0 =	sne.s32 s0, $0x0;
	s0 =	rddreg [dreg:$0x5]  }
0x45c: {  	s0 =	sadd.s32 @!p0 $0x100000, s0  }
0x45d: {  	[sflag:s0] =	ssyncadd.tile.s32 @!p0 $0x1;
	_ =	shalt  }
.Lfunc_end2:
_tile_overlayer_lowered:
.L_overlay_start_2:
0x45e: {  	(tag) =	ssettag $0x2  }
0x45f: {  	s0 =	rddreg [dreg:$0x0];
	s2 =	stileid.u32  }
0x460: {  	s1 =	rddreg [dreg:$0x1];
	p0 =	sne.s32 s2, $0x0  }
0x461: {  	s3 =	rddreg [dreg:$0x2];
	[bflag:$0x3] =	sbarrier.arrive $0xFFFF;
	s2 =	simm.s32 @!p0 $0x1C05  }
0x462: {  	[timem:s3], [sflag:s2] =	dma.local @!p0 [hbm:s0], s1  }
0x463: {  	s0 =	simm.s32 @!p0 $0x5  }
0x464: {  	_ =	swait.ge @!p0 [sflag:s0], s1  }
0x465: {  	s1 =	ssub.s32 @!p0 $0x0, s1;
	[sflag:s0] =	ssyncset.done @!p0 $0x0  }
0x466: {  	[sflag:s0] =	ssyncadd.s32 @!p0 s1  }
0x467: {  	[bflag:$0x3] =	sbarrier.arrive $0xFFFF  }
0x468: {  	_ =	shalt  }

</sc_bundles>
